<compile_context>
chip_gen: v7x
topology: tpu7x:2x2x1
jax: 0.10.2.dev20260603
libtpu: 0.0.44.dev20260713+nightly
codegen_flags: <defaults>
</compile_context>

<pallas_src>
import functools

import jax
import jax.numpy as jnp
from jax import lax
from jax.experimental import pallas as pl
from jax.experimental.pallas import tpu as pltpu
from jax.experimental.pallas import tpu_sc as plsc

F32 = jnp.float32

NC = 2
NS = 16
NW = NC * NS


def _pack_bf16x2(x):
    dh = x.shape[1] // 2

    def rne(v):
        u = lax.bitcast_convert_type(v, jnp.uint32)
        u = u + jnp.uint32(0x7FFF) + ((u >> 16) & jnp.uint32(1))
        return u >> 16

    w = rne(x[:, :dh]) | (rne(x[:, dh:]) << 16)
    return lax.bitcast_convert_type(w, jnp.int32)


def _unpack_bf16x2(w_ref):
    w = lax.bitcast_convert_type(w_ref[...], jnp.uint32)
    lo = lax.bitcast_convert_type(w << 16, F32)
    hi = lax.bitcast_convert_type(w & jnp.uint32(0xFFFF0000), F32)
    return jnp.concatenate([lo, hi], axis=1)


def _node_pre_body(h_ref, w_ref, a_ref, b_ref):
    out = jnp.dot(h_ref[...].astype(jnp.bfloat16), w_ref[...],
                  preferred_element_type=F32)
    d = out.shape[1] // 2
    a_ref[...] = _pack_bf16x2(out[:, :d])
    b_ref[...] = _pack_bf16x2(out[:, d:])


def _node_pre(h0, w_cat, blk=1000):
    n, d = h0.shape
    grid = n // blk
    return pl.pallas_call(
        _node_pre_body,
        grid=(grid,),
        in_specs=[
            pl.BlockSpec((blk, d), lambda i: (i, 0)),
            pl.BlockSpec(w_cat.shape, lambda i: (0, 0)),
        ],
        out_specs=[
            pl.BlockSpec((blk, d // 2), lambda i: (i, 0)),
            pl.BlockSpec((blk, d // 2), lambda i: (i, 0)),
        ],
        out_shape=[
            jax.ShapeDtypeStruct((n, d // 2), jnp.int32),
            jax.ShapeDtypeStruct((n, d // 2), jnp.int32),
        ],
        compiler_params=pltpu.CompilerParams(
            dimension_semantics=("parallel",)),
    )(h0, w_cat)


def _gather2(a_tab, b_tab, i_idx, j_idx, ch=128):
    e, dp = i_idx.shape[0] - 8, a_tab.shape[1]
    pair = 2 * (e // NW)
    ew_hi = (e // NW + 7) & ~7
    ew_lo = pair - ew_hi
    nfull = min((ew_hi // ch), (ew_lo // ch)) * ch
    mesh = plsc.VectorSubcoreMesh(core_axis_name="c", subcore_axis_name="s")

    @functools.partial(
        pl.kernel,
        mesh=mesh,
        out_type=[jax.ShapeDtypeStruct((e, dp), jnp.int32),
                  jax.ShapeDtypeStruct((e, dp), jnp.int32)],
        scratch_types=[
            pltpu.VMEM((ew_hi,), jnp.int32),
            pltpu.VMEM((ew_hi,), jnp.int32),
            pltpu.VMEM((ch, dp), jnp.int32),
            pltpu.VMEM((ch, dp), jnp.int32),
            pltpu.VMEM((ch, dp), jnp.int32),
            pltpu.VMEM((ch, dp), jnp.int32),
            pltpu.SemaphoreType.DMA,
            pltpu.SemaphoreType.DMA,
            pltpu.SemaphoreType.DMA,
            pltpu.SemaphoreType.DMA,
        ],
    )
    def k(a_hbm, b_hbm, i_hbm, j_hbm, ai_hbm, bj_hbm,
          ivm, jvm, ba0, bb0, ba1, bb1, sa0, sb0, sa1, sb1):
        wid = lax.axis_index("s") * NC + lax.axis_index("c")
        odd = wid % 2
        base = (wid // 2) * pair + odd * ew_hi
        size = ew_hi - odd * (ew_hi - ew_lo)
        pltpu.sync_copy(i_hbm.at[pl.ds(base, ew_hi)], ivm)
        pltpu.sync_copy(j_hbm.at[pl.ds(base, ew_hi)], jvm)

        def issue(off, ba, bb, sa, sb):
            pltpu.async_copy(a_hbm.at[ivm.at[pl.ds(off, ch)]], ba, sa)
            pltpu.async_copy(b_hbm.at[jvm.at[pl.ds(off, ch)]], bb, sb)

        def drain(off, out_off, ba, bb, sa, sb):
            pltpu.make_async_copy(
                a_hbm.at[ivm.at[pl.ds(off, ch)]], ba, sa).wait()
            pltpu.sync_copy(ba, ai_hbm.at[pl.ds(out_off, ch)])
            pltpu.make_async_copy(
                b_hbm.at[jvm.at[pl.ds(off, ch)]], bb, sb).wait()
            pltpu.sync_copy(bb, bj_hbm.at[pl.ds(out_off, ch)])

        issue(0, ba0, bb0, sa0, sb0)

        @pl.loop(0, nfull - ch, step=2 * ch)
        def _(off):
            issue(off + ch, ba1, bb1, sa1, sb1)
            drain(off, base + off, ba0, bb0, sa0, sb0)

            issue(off + 2 * ch, ba0, bb0, sa0, sb0)
            drain(off + ch, base + off + ch, ba1, bb1, sa1, sb1)

        issue(size - ch, ba1, bb1, sa1, sb1)
        drain(nfull - ch, base + nfull - ch, ba0, bb0, sa0, sb0)
        drain(size - ch, base + size - ch, ba1, bb1, sa1, sb1)

    return k(a_tab, b_tab, i_idx, j_idx)


def _edge_body(ai_ref, bj_ref, s_ref, wc_ref, w2_ref, b1_ref, b2_ref, bg1_ref,
               wg2_ref, bg2_ref, o_ref):
    d = 2 * ai_ref.shape[1]
    av = _unpack_bf16x2(ai_ref)
    bv = _unpack_bf16x2(bj_ref)
    mm = jnp.dot(s_ref[...], wc_ref[...], preferred_element_type=F32)
    pre1 = av + bv + mm[:, :d] + b1_ref[...]
    e1 = pre1 * jax.nn.sigmoid(pre1)
    pre2 = jnp.dot(e1.astype(jnp.bfloat16), w2_ref[...],
                   preferred_element_type=F32) + b2_ref[...]
    e2 = pre2 * jax.nn.sigmoid(pre2)
    gh = mm[:, d:] + bg1_ref[...]
    gh = gh * jax.nn.sigmoid(gh)
    glog = jnp.dot(gh, wg2_ref[...], preferred_element_type=F32) + bg2_ref[...]
    o_ref[...] = e2 * jax.nn.sigmoid(glog)


def _edge_mlp(ai, bj, small, w_c, w2e, b1e, b2e, bg1, wg2, bg2, blk=4000):
    e, d = ai.shape[0], 2 * ai.shape[1]
    ks = small.shape[1]
    hg = wg2.shape[0]
    grid = e // blk
    return pl.pallas_call(
        _edge_body,
        grid=(grid,),
        in_specs=[
            pl.BlockSpec((blk, d // 2), lambda i: (i, 0)),
            pl.BlockSpec((blk, d // 2), lambda i: (i, 0)),
            pl.BlockSpec((blk, ks), lambda i: (i, 0)),
            pl.BlockSpec((ks, d + hg), lambda i: (0, 0)),
            pl.BlockSpec((d, d), lambda i: (0, 0)),
            pl.BlockSpec((1, d), lambda i: (0, 0)),
            pl.BlockSpec((1, d), lambda i: (0, 0)),
            pl.BlockSpec((1, hg), lambda i: (0, 0)),
            pl.BlockSpec((hg, 1), lambda i: (0, 0)),
            pl.BlockSpec((1, 1), lambda i: (0, 0)),
        ],
        out_specs=pl.BlockSpec((blk, d), lambda i: (i, 0)),
        out_shape=jax.ShapeDtypeStruct((e, d), F32),
        compiler_params=pltpu.CompilerParams(
            dimension_semantics=("parallel",)),
    )(ai, bj, small, w_c, w2e, b1e, b2e, bg1, wg2, bg2)


def _scatter_add(msg, idx3, n_nodes, ch=40):
    e, d = msg.shape
    dh = d // NC
    es = e // NS
    kch = es // ch
    assert kch % 2 == 1
    zb = ch
    nzc = n_nodes // zb
    mesh = plsc.VectorSubcoreMesh(core_axis_name="c", subcore_axis_name="s")

    @functools.partial(
        pl.kernel,
        mesh=mesh,
        out_type=jax.ShapeDtypeStruct((n_nodes, d), F32),
        scratch_types=[
            pltpu.VMEM((kch, ch), jnp.int32),
            pltpu.VMEM((ch, dh), F32),
            pltpu.VMEM((ch, dh), F32),
            pltpu.VMEM_SHARED((n_nodes, dh), F32),
            pltpu.SemaphoreType.DMA,
            pltpu.SemaphoreType.DMA,
        ],
    )
    def k(msg_hbm, idx_hbm, agg_hbm, idxv, msg0, msg1, aggsh, sm0, sm1):
        cid = lax.axis_index("c")
        sid = lax.axis_index("s")
        col0 = cid * dh

        @pl.loop(0, zb)
        def _(r):
            @pl.loop(0, dh, step=16)
            def _(c):
                msg0[r, pl.ds(c, 16)] = jnp.zeros((16,), F32)

        @pl.loop(sid, nzc, step=NS)
        def _(kk):
            pltpu.sync_copy(msg0, aggsh.at[pl.ds(kk * zb, zb)])

        plsc.subcore_barrier()

        pltpu.sync_copy(idx_hbm.at[sid], idxv)
        ebase = sid * es

        def load(kk, buf, sem):
            return pltpu.async_copy(
                msg_hbm.at[pl.ds(ebase + kk * ch, ch), pl.ds(col0, dh)],
                buf, sem)

        def wait_load(kk, buf, sem):
            pltpu.make_async_copy(
                msg_hbm.at[pl.ds(ebase + kk * ch, ch), pl.ds(col0, dh)],
                buf, sem).wait()

        load(0, msg0, sm0)
        load(1, msg1, sm1)

        @pl.loop(0, kch - 2, step=2)
        def _(kk):
            wait_load(kk, msg0, sm0)
            pltpu.sync_copy(msg0, aggsh.at[idxv.at[kk]], add=True)
            load(kk + 2, msg0, sm0)
            wait_load(kk + 1, msg1, sm1)
            pltpu.sync_copy(msg1, aggsh.at[idxv.at[kk + 1]], add=True)

            @pl.when(kk + 3 < kch)
            def _():
                load(kk + 3, msg1, sm1)

        wait_load(kch - 1, msg0, sm0)
        pltpu.sync_copy(msg0, aggsh.at[idxv.at[kch - 1]], add=True)

        plsc.subcore_barrier()

        @pl.loop(sid, nzc, step=NS)
        def _(kk):
            pltpu.sync_copy(
                aggsh.at[pl.ds(kk * zb, zb)],
                agg_hbm.at[pl.ds(kk * zb, zb), pl.ds(col0, dh)])

    return k(msg, idx3)


def _node_body(*refs):
    (h_ref, *agg_refs), (w1a_ref, w1b_ref, bn1_ref, w2_ref, bn2_ref,
                         g_ref, b_ref, o_ref) = refs[:-8], refs[-8:]
    agg = agg_refs[0][...]
    for r in agg_refs[1:]:
        agg = agg + r[...]
    t = (jnp.dot(h_ref[...].astype(jnp.bfloat16), w1a_ref[...],
                 preferred_element_type=F32)
         + jnp.dot(agg.astype(jnp.bfloat16), w1b_ref[...],
                   preferred_element_type=F32)
         + bn1_ref[...])
    t = t * jax.nn.sigmoid(t)
    x = (jnp.dot(t.astype(jnp.bfloat16), w2_ref[...],
                 preferred_element_type=F32)
         + bn2_ref[...] + h_ref[...])
    mu = jnp.mean(x, axis=1, keepdims=True)
    xc = x - mu
    var = jnp.mean(xc * xc, axis=1, keepdims=True)
    o_ref[...] = xc * lax.rsqrt(var + 1e-5) * g_ref[...] + b_ref[...]


def _node_mlp(h0, aggs, wn1a, wn1b, bn1, wn2, bn2, ln_g, ln_b, blk=2000):
    n, d = h0.shape
    dh = wn1a.shape[1]
    grid = n // blk
    return pl.pallas_call(
        _node_body,
        grid=(grid,),
        in_specs=[
            pl.BlockSpec((blk, d), lambda i: (i, 0)),
        ] + [
            pl.BlockSpec((blk, d), lambda i: (i, 0)) for _ in aggs
        ] + [
            pl.BlockSpec((d, dh), lambda i: (0, 0)),
            pl.BlockSpec((d, dh), lambda i: (0, 0)),
            pl.BlockSpec((1, dh), lambda i: (0, 0)),
            pl.BlockSpec((dh, d), lambda i: (0, 0)),
            pl.BlockSpec((1, d), lambda i: (0, 0)),
            pl.BlockSpec((1, d), lambda i: (0, 0)),
            pl.BlockSpec((1, d), lambda i: (0, 0)),
        ],
        out_specs=pl.BlockSpec((blk, d), lambda i: (i, 0)),
        out_shape=jax.ShapeDtypeStruct((n, d), F32),
        compiler_params=pltpu.CompilerParams(
            dimension_semantics=("parallel",)),
    )(h0, *aggs, wn1a, wn1b, bn1, wn2, bn2, ln_g, ln_b)


def kernel(H, edge_index, geom_feats, edge_struct, W1e, b1e, W2e, b2e,
           Wg1, bg1, Wg2, bg2, Wn1, bn1, Wn2, bn2, ln_g, ln_b):
    b, n, d = H.shape
    e = edge_index.shape[1]
    hg = Wg1.shape[1]
    ks = 16

    h0 = H[0]
    i_idx = edge_index[0].astype(jnp.int32)
    j_idx = edge_index[1].astype(jnp.int32)

    small = jnp.concatenate(
        [geom_feats[0, 0], geom_feats[1, 0], edge_struct[0],
         jnp.zeros((e, ks - 2 - edge_struct.shape[-1]), F32)], axis=-1)

    w_cat = jnp.concatenate([W1e[:d, :], W1e[d:2 * d, :]],
                            axis=1).astype(jnp.bfloat16)
    w_c = jnp.concatenate(
        [jnp.concatenate([W1e[2 * d:, :],
                          jnp.zeros((ks - (W1e.shape[0] - 2 * d), d), F32)],
                         axis=0),
         jnp.concatenate([Wg1, jnp.zeros((ks - Wg1.shape[0], hg), F32)],
                         axis=0)], axis=1)

    ab = _node_pre(h0, w_cat)

    ns_slices = 2
    es = e // ns_slices
    sch = 40
    pad8 = jnp.zeros((8,), jnp.int32)
    aggs = []
    for si in range(ns_slices):
        sl = slice(si * es, (si + 1) * es)
        ai_s, bj_s = _gather2(ab[0], ab[1],
                              jnp.concatenate([i_idx[sl], pad8]),
                              jnp.concatenate([j_idx[sl], pad8]))
        msg_s = _edge_mlp(ai_s, bj_s, small[sl], w_c,
                          W2e.astype(jnp.bfloat16),
                          b1e.reshape(1, d), b2e.reshape(1, d),
                          bg1.reshape(1, hg), Wg2, bg2.reshape(1, 1))
        idx3_s = i_idx[sl].reshape(NS, (es // NS) // sch, sch)
        aggs.append(_scatter_add(msg_s, idx3_s, n, ch=sch))

    out = _node_mlp(h0, aggs,
                    Wn1[:d].astype(jnp.bfloat16),
                    Wn1[d:].astype(jnp.bfloat16), bn1.reshape(1, 2 * d),
                    Wn2.astype(jnp.bfloat16), bn2.reshape(1, d),
                    ln_g.reshape(1, d), ln_b.reshape(1, d))
    return out.reshape(b, n, d)

# --- scband reference (transcript-rebuilt; emitter-appended) ---
"""Pipeline reference for scband-hand-encoder-egnnlite-base-19868518711571 (READ-ONLY COPY).

The authoritative reference and input builder live on the scoring server;
editing this copy changes nothing except your own understanding.
"""

import jax, jax.numpy as jnp
import numpy as np

B, N, E = 1, 10000, 160000
D_MODEL, D_EDGE, D_STRUCT = 256, 256, 8
D_IN_E = 2 * D_MODEL + 2 + D_STRUCT  # 522
D_IN_G = 2 + D_STRUCT  # 10
D_IN_N = D_MODEL + D_EDGE  # 512


def setup_inputs(seed: int = 0) -> dict:
    key = jax.random.key(seed)
    ks = jax.random.split(key, 24)
    sc = 0.05
    inp = {}
    inp['H'] = jax.random.normal(ks[0], (B, N, D_MODEL), dtype=jnp.float32)
    inp['edge_index'] = jax.random.randint(ks[1], (2, E), 0, N, dtype=jnp.int64)
    inp['geom_feats'] = jax.random.uniform(ks[2], (2, B, E, 1), dtype=jnp.float32)
    inp['edge_struct'] = jax.random.normal(ks[3], (B, E, D_STRUCT), dtype=jnp.float32)
    # edge_mlp params
    inp['W1e'] = jax.random.normal(ks[4], (D_IN_E, D_EDGE), dtype=jnp.float32) * sc
    inp['b1e'] = jnp.zeros((D_EDGE,), dtype=jnp.float32)
    inp['W2e'] = jax.random.normal(ks[5], (D_EDGE, D_EDGE), dtype=jnp.float32) * sc
    inp['b2e'] = jnp.zeros((D_EDGE,), dtype=jnp.float32)
    # gate_mlp params
    inp['Wg1'] = jax.random.normal(ks[6], (D_IN_G, 32), dtype=jnp.float32) * sc
    inp['bg1'] = jnp.zeros((32,), dtype=jnp.float32)
    inp['Wg2'] = jax.random.normal(ks[7], (32, 1), dtype=jnp.float32) * sc
    inp['bg2'] = jnp.zeros((1,), dtype=jnp.float32)
    # node_mlp params
    inp['Wn1'] = jax.random.normal(ks[8], (D_IN_N, 2 * D_MODEL), dtype=jnp.float32) * sc
    inp['bn1'] = jnp.zeros((2 * D_MODEL,), dtype=jnp.float32)
    inp['Wn2'] = jax.random.normal(ks[9], (2 * D_MODEL, D_MODEL), dtype=jnp.float32) * sc
    inp['bn2'] = jnp.zeros((D_MODEL,), dtype=jnp.float32)
    # layernorm params
    inp['ln_g'] = jnp.ones((D_MODEL,), dtype=jnp.float32)
    inp['ln_b'] = jnp.zeros((D_MODEL,), dtype=jnp.float32)
    return inp


def reference(H, edge_index, geom_feats, edge_struct, W1e, b1e, W2e, b2e, Wg1, bg1, Wg2, bg2, Wn1, bn1, Wn2, bn2, ln_g, ln_b):
    i = edge_index[0]
    j = edge_index[1]
    Hi = H[:, i, :]
    Hj = H[:, j, :]
    dist2 = geom_feats[0]
    delta = geom_feats[1]
    geom_cat = jnp.concatenate([dist2, delta], axis=-1)
    e_in = jnp.concatenate([Hi, Hj, geom_cat, edge_struct], axis=-1)
    e = jax.nn.silu(e_in @ W1e + b1e)
    e = jax.nn.silu(e @ W2e + b2e)
    g_in = jnp.concatenate([geom_cat, edge_struct], axis=-1)
    g = jax.nn.sigmoid(jax.nn.silu(g_in @ Wg1 + bg1) @ Wg2 + bg2)
    e_msg = e * g
    agg = jnp.zeros((H.shape[0], H.shape[1], e_msg.shape[-1]), dtype=H.dtype)
    agg = agg.at[:, i, :].add(e_msg)
    h = jnp.concatenate([H, agg], axis=-1)
    out = jax.nn.silu(h @ Wn1 + bn1) @ Wn2 + bn2
    x = H + out
    mu = jnp.mean(x, axis=-1, keepdims=True)
    var = jnp.var(x, axis=-1, keepdims=True)
    return (x - mu) / jnp.sqrt(var + 1e-5) * ln_g + ln_b

if __name__ == "__main__":
    import jax
    _d = setup_inputs()
    print(jax.jit(kernel)(*tuple(_d.values())))

</pallas_src>

<mosaic_0001>
#map = affine_map<(d0, d1) -> (0, 0)>
#map1 = affine_map<(d0, d1) -> (0)>
module attributes {stable_mosaic.version = 14 : i64} {
  func.func @k(%arg0: i32, %arg1: i32, %arg2: memref<10000x128xi32, #tpu.memory_space<hbm>>, %arg3: memref<10000x128xi32, #tpu.memory_space<hbm>>, %arg4: memref<80008xi32, #tpu.memory_space<hbm>>, %arg5: memref<80008xi32, #tpu.memory_space<hbm>>, %arg6: memref<80000x128xi32, #tpu.memory_space<hbm>>, %arg7: memref<80000x128xi32, #tpu.memory_space<hbm>>, %arg8: memref<2504xi32, #tpu.memory_space<vmem>>, %arg9: memref<2504xi32, #tpu.memory_space<vmem>>, %arg10: memref<128x128xi32, #tpu.memory_space<vmem>>, %arg11: memref<128x128xi32, #tpu.memory_space<vmem>>, %arg12: memref<128x128xi32, #tpu.memory_space<vmem>>, %arg13: memref<128x128xi32, #tpu.memory_space<vmem>>, %arg14: memref<!tpu.dma_semaphore, #tpu.memory_space<semaphore_mem>>, %arg15: memref<!tpu.dma_semaphore, #tpu.memory_space<semaphore_mem>>, %arg16: memref<!tpu.dma_semaphore, #tpu.memory_space<semaphore_mem>>, %arg17: memref<!tpu.dma_semaphore, #tpu.memory_space<semaphore_mem>>) attributes {dimension_semantics = [#tpu.dimension_semantics<core_parallel>, #tpu.dimension_semantics<subcore_parallel>], iteration_bounds = array<i64: 2, 16>, scalar_prefetch = 0 : i64, scratch_operands = 10 : i64, tpu.core_type = #tpu.core_type<sc_vector_subcore>, window_params = [{transform_indices = #map}, {transform_indices = #map}, {transform_indices = #map1}, {transform_indices = #map1}, {transform_indices = #map}, {transform_indices = #map}]} {
    %mul3A = arith.constant 2 : i32
    %mul3A_0 = arith.muli %arg1, %mul3A : i32
    %add3A = arith.addi %mul3A_0, %arg0 : i32
    %jit3A = arith.constant 2 : i32
    %eq3A = arith.constant 0 : i32
    %eq3A_1 = arith.cmpi eq, %jit3A, %eq3A : i32
    %jit3A_2 = arith.constant 1 : i32
    %select_n3A = arith.select %eq3A_1, %jit3A_2, %jit3A : i32
    %rem3A = arith.remsi %add3A, %select_n3A : i32
    %ne3A = arith.constant 0 : i32
    %ne3A_3 = arith.cmpi ne, %rem3A, %ne3A : i32
    %lt3A = arith.constant 0 : i32
    %lt3A_4 = arith.cmpi slt, %rem3A, %lt3A : i32
    %lt3A_5 = arith.constant 0 : i32
    %lt3A_6 = arith.cmpi slt, %select_n3A, %lt3A_5 : i32
    %ne3A_7 = arith.xori %lt3A_4, %lt3A_6 : i1
    %and3A = arith.andi %ne3A_7, %ne3A_3 : i1
    %add3A_8 = arith.addi %rem3A, %select_n3A : i32
    %select_n3A_9 = arith.select %and3A, %add3A_8, %rem3A : i32
    %jit3A_10 = arith.constant 2 : i32
    %div3A = arith.divsi %add3A, %jit3A_10 : i32
    %sign3A = arith.constant 0 : i32
    %sign3A_11 = arith.cmpi sgt, %add3A, %sign3A : i32
    %sign3A_12 = arith.extui %sign3A_11 : i1 to i32
    %sign3A_13 = arith.constant 0 : i32
    %sign3A_14 = arith.cmpi slt, %add3A, %sign3A_13 : i32
    %sign3A_15 = arith.extui %sign3A_14 : i1 to i32
    %sign3A_16 = arith.subi %sign3A_12, %sign3A_15 : i32
    %sign3A_17 = arith.constant 0 : i32
    %sign3A_18 = arith.cmpi sgt, %jit3A_10, %sign3A_17 : i32
    %sign3A_19 = arith.extui %sign3A_18 : i1 to i32
    %sign3A_20 = arith.constant 0 : i32
    %sign3A_21 = arith.cmpi slt, %jit3A_10, %sign3A_20 : i32
    %sign3A_22 = arith.extui %sign3A_21 : i1 to i32
    %sign3A_23 = arith.subi %sign3A_19, %sign3A_22 : i32
    %ne3A_24 = arith.cmpi ne, %sign3A_16, %sign3A_23 : i32
    %rem3A_25 = arith.remsi %add3A, %jit3A_10 : i32
    %ne3A_26 = arith.constant 0 : i32
    %ne3A_27 = arith.cmpi ne, %rem3A_25, %ne3A_26 : i32
    %and3A_28 = arith.andi %ne3A_24, %ne3A_27 : i1
    %sub3A = arith.constant 1 : i32
    %sub3A_29 = arith.subi %div3A, %sub3A : i32
    %select_n3A_30 = arith.select %and3A_28, %sub3A_29, %div3A : i32
    %mul3A_31 = arith.constant 5000 : i32
    %mul3A_32 = arith.muli %select_n3A_30, %mul3A_31 : i32
    %mul3A_33 = arith.constant 2504 : i32
    %mul3A_34 = arith.muli %select_n3A_9, %mul3A_33 : i32
    %add3A_35 = arith.addi %mul3A_32, %mul3A_34 : i32
    %mul3A_36 = arith.constant 8 : i32
    %mul3A_37 = arith.muli %select_n3A_9, %mul3A_36 : i32
    %sub3A_38 = arith.constant 2504 : i32
    %sub3A_39 = arith.subi %sub3A_38, %mul3A_37 : i32
    "tpu.region"() ({
      %run_scoped3A = tpu.sem_alloc : memref<!tpu.dma_semaphore, #tpu.memory_space<semaphore_mem>>
      %dma_start3A_89 = tpu.memref_slice %arg4[%add3A_35] : memref<80008xi32, #tpu.memory_space<hbm>> -> memref<2504xi32, #tpu.memory_space<hbm>>
      %dma_start3A_90 = tpu.memref_slice %arg4[%add3A_35] : memref<80008xi32, #tpu.memory_space<hbm>> -> memref<2504xi32, #tpu.memory_space<hbm>>
      tpu.enqueue_dma source(%dma_start3A_90 : memref<2504xi32, #tpu.memory_space<hbm>>) target(%arg8 : memref<2504xi32, #tpu.memory_space<vmem>>) target_semaphore(%run_scoped3A : memref<!tpu.dma_semaphore, #tpu.memory_space<semaphore_mem>>)
      %dma_wait3A_91 = tpu.memref_slice %arg4[%add3A_35] : memref<80008xi32, #tpu.memory_space<hbm>> -> memref<2504xi32, #tpu.memory_space<hbm>>
      %dma_wait3A_92 = tpu.memref_slice %arg4[%add3A_35] : memref<80008xi32, #tpu.memory_space<hbm>> -> memref<2504xi32, #tpu.memory_space<hbm>>
      tpu.wait_dma2 semaphore(%run_scoped3A : memref<!tpu.dma_semaphore, #tpu.memory_space<semaphore_mem>>) src(%dma_wait3A_92 : memref<2504xi32, #tpu.memory_space<hbm>>) dst(%arg8 : memref<2504xi32, #tpu.memory_space<vmem>>)
      tpu.yield
    }) : () -> ()
    "tpu.region"() ({
      %run_scoped3A = tpu.sem_alloc : memref<!tpu.dma_semaphore, #tpu.memory_space<semaphore_mem>>
      %dma_start3A_89 = tpu.memref_slice %arg5[%add3A_35] : memref<80008xi32, #tpu.memory_space<hbm>> -> memref<2504xi32, #tpu.memory_space<hbm>>
      %dma_start3A_90 = tpu.memref_slice %arg5[%add3A_35] : memref<80008xi32, #tpu.memory_space<hbm>> -> memref<2504xi32, #tpu.memory_space<hbm>>
      tpu.enqueue_dma source(%dma_start3A_90 : memref<2504xi32, #tpu.memory_space<hbm>>) target(%arg9 : memref<2504xi32, #tpu.memory_space<vmem>>) target_semaphore(%run_scoped3A : memref<!tpu.dma_semaphore, #tpu.memory_space<semaphore_mem>>)
      %dma_wait3A_91 = tpu.memref_slice %arg5[%add3A_35] : memref<80008xi32, #tpu.memory_space<hbm>> -> memref<2504xi32, #tpu.memory_space<hbm>>
      %dma_wait3A_92 = tpu.memref_slice %arg5[%add3A_35] : memref<80008xi32, #tpu.memory_space<hbm>> -> memref<2504xi32, #tpu.memory_space<hbm>>
      tpu.wait_dma2 semaphore(%run_scoped3A : memref<!tpu.dma_semaphore, #tpu.memory_space<semaphore_mem>>) src(%dma_wait3A_92 : memref<2504xi32, #tpu.memory_space<hbm>>) dst(%arg9 : memref<2504xi32, #tpu.memory_space<vmem>>)
      tpu.yield
    }) : () -> ()
    %dma_start3A = arith.constant 0 : i32
    %dma_start3A_40 = tpu.memref_slice %arg8[%dma_start3A] : memref<2504xi32, #tpu.memory_space<vmem>> -> memref<128xi32, #tpu.memory_space<vmem>>
    %dma_start3A_41 = arith.constant 0 : i32
    %dma_start3A_42 = arith.constant 0 : i32
    %dma_start3A_43 = tpu.memref_slice %arg2[%dma_start3A_41, %dma_start3A_42] : memref<10000x128xi32, #tpu.memory_space<hbm>> -> memref<10000x128xi32, #tpu.memory_space<hbm>>
    tpu.enqueue_indirect_dma source(%dma_start3A_43 : memref<10000x128xi32, #tpu.memory_space<hbm>>) target(%arg10 : memref<128x128xi32, #tpu.memory_space<vmem>>) offsets(%dma_start3A_40 : memref<128xi32, #tpu.memory_space<vmem>>) semaphore(%arg14 : memref<!tpu.dma_semaphore, #tpu.memory_space<semaphore_mem>>)
    %dma_start3A_44 = arith.constant 0 : i32
    %dma_start3A_45 = tpu.memref_slice %arg9[%dma_start3A_44] : memref<2504xi32, #tpu.memory_space<vmem>> -> memref<128xi32, #tpu.memory_space<vmem>>
    %dma_start3A_46 = arith.constant 0 : i32
    %dma_start3A_47 = arith.constant 0 : i32
    %dma_start3A_48 = tpu.memref_slice %arg3[%dma_start3A_46, %dma_start3A_47] : memref<10000x128xi32, #tpu.memory_space<hbm>> -> memref<10000x128xi32, #tpu.memory_space<hbm>>
    tpu.enqueue_indirect_dma source(%dma_start3A_48 : memref<10000x128xi32, #tpu.memory_space<hbm>>) target(%arg11 : memref<128x128xi32, #tpu.memory_space<vmem>>) offsets(%dma_start3A_45 : memref<128xi32, #tpu.memory_space<vmem>>) semaphore(%arg15 : memref<!tpu.dma_semaphore, #tpu.memory_space<semaphore_mem>>)
    %scan3A = arith.constant 0 : i32
    %scan3A_49 = arith.constant 9 : i32
    %scan3A_50 = arith.addi %scan3A, %scan3A_49 : i32
    %scan3A_51 = arith.constant 1 : i32
    scf.for %scan3A_89 = %scan3A to %scan3A_50 step %scan3A_51  : i32 {
      %mul3A_90 = arith.constant 256 : i32
      %mul3A_91 = arith.muli %scan3A_89, %mul3A_90 : i32
      %add3A_92 = arith.constant 0 : i32
      %add3A_93 = arith.addi %add3A_92, %mul3A_91 : i32
      %add3A_94 = arith.constant 128 : i32
      %add3A_95 = arith.addi %add3A_93, %add3A_94 : i32
      %dma_start3A_96 = tpu.memref_slice %arg8[%add3A_95] : memref<2504xi32, #tpu.memory_space<vmem>> -> memref<128xi32, #tpu.memory_space<vmem>>
      %dma_start3A_97 = arith.constant 0 : i32
      %dma_start3A_98 = arith.constant 0 : i32
      %dma_start3A_99 = tpu.memref_slice %arg2[%dma_start3A_97, %dma_start3A_98] : memref<10000x128xi32, #tpu.memory_space<hbm>> -> memref<10000x128xi32, #tpu.memory_space<hbm>>
      tpu.enqueue_indirect_dma source(%dma_start3A_99 : memref<10000x128xi32, #tpu.memory_space<hbm>>) target(%arg12 : memref<128x128xi32, #tpu.memory_space<vmem>>) offsets(%dma_start3A_96 : memref<128xi32, #tpu.memory_space<vmem>>) semaphore(%arg16 : memref<!tpu.dma_semaphore, #tpu.memory_space<semaphore_mem>>)
      %dma_start3A_100 = tpu.memref_slice %arg9[%add3A_95] : memref<2504xi32, #tpu.memory_space<vmem>> -> memref<128xi32, #tpu.memory_space<vmem>>
      %dma_start3A_101 = arith.constant 0 : i32
      %dma_start3A_102 = arith.constant 0 : i32
      %dma_start3A_103 = tpu.memref_slice %arg3[%dma_start3A_101, %dma_start3A_102] : memref<10000x128xi32, #tpu.memory_space<hbm>> -> memref<10000x128xi32, #tpu.memory_space<hbm>>
      tpu.enqueue_indirect_dma source(%dma_start3A_103 : memref<10000x128xi32, #tpu.memory_space<hbm>>) target(%arg13 : memref<128x128xi32, #tpu.memory_space<vmem>>) offsets(%dma_start3A_100 : memref<128xi32, #tpu.memory_space<vmem>>) semaphore(%arg17 : memref<!tpu.dma_semaphore, #tpu.memory_space<semaphore_mem>>)
      %add3A_104 = arith.addi %add3A_35, %add3A_93 : i32
      %dma_wait3A_105 = tpu.memref_slice %arg8[%add3A_93] : memref<2504xi32, #tpu.memory_space<vmem>> -> memref<128xi32, #tpu.memory_space<vmem>>
      %dma_wait3A_106 = arith.constant 0 : i32
      %dma_wait3A_107 = arith.constant 0 : i32
      %dma_wait3A_108 = tpu.memref_slice %arg2[%dma_wait3A_106, %dma_wait3A_107] : memref<10000x128xi32, #tpu.memory_space<hbm>> -> memref<10000x128xi32, #tpu.memory_space<hbm>>
      tpu.wait_indirect_dma semaphore(%arg14 : memref<!tpu.dma_semaphore, #tpu.memory_space<semaphore_mem>>) src(%dma_wait3A_108 : memref<10000x128xi32, #tpu.memory_space<hbm>>) dst(%arg10 : memref<128x128xi32, #tpu.memory_space<vmem>>)
      "tpu.region"() ({
        %run_scoped3A = tpu.sem_alloc : memref<!tpu.dma_semaphore, #tpu.memory_space<semaphore_mem>>
        %dma_start3A_136 = arith.constant 0 : i32
        %dma_start3A_137 = tpu.memref_slice %arg6[%add3A_104, %dma_start3A_136] : memref<80000x128xi32, #tpu.memory_space<hbm>> -> memref<128x128xi32, #tpu.memory_space<hbm>>
        %dma_start3A_138 = arith.constant 0 : i32
        %dma_start3A_139 = tpu.memref_slice %arg6[%add3A_104, %dma_start3A_138] : memref<80000x128xi32, #tpu.memory_space<hbm>> -> memref<128x128xi32, #tpu.memory_space<hbm>>
        tpu.enqueue_dma source(%arg10 : memref<128x128xi32, #tpu.memory_space<vmem>>) target(%dma_start3A_139 : memref<128x128xi32, #tpu.memory_space<hbm>>) target_semaphore(%run_scoped3A : memref<!tpu.dma_semaphore, #tpu.memory_space<semaphore_mem>>)
        %dma_wait3A_140 = arith.constant 0 : i32
        %dma_wait3A_141 = tpu.memref_slice %arg6[%add3A_104, %dma_wait3A_140] : memref<80000x128xi32, #tpu.memory_space<hbm>> -> memref<128x128xi32, #tpu.memory_space<hbm>>
        %dma_wait3A_142 = arith.constant 0 : i32
        %dma_wait3A_143 = tpu.memref_slice %arg6[%add3A_104, %dma_wait3A_142] : memref<80000x128xi32, #tpu.memory_space<hbm>> -> memref<128x128xi32, #tpu.memory_space<hbm>>
        tpu.wait_dma2 semaphore(%run_scoped3A : memref<!tpu.dma_semaphore, #tpu.memory_space<semaphore_mem>>) src(%arg10 : memref<128x128xi32, #tpu.memory_space<vmem>>) dst(%dma_wait3A_143 : memref<128x128xi32, #tpu.memory_space<hbm>>)
        tpu.yield
      }) : () -> ()
      %dma_wait3A_109 = tpu.memref_slice %arg9[%add3A_93] : memref<2504xi32, #tpu.memory_space<vmem>> -> memref<128xi32, #tpu.memory_space<vmem>>
      %dma_wait3A_110 = arith.constant 0 : i32
      %dma_wait3A_111 = arith.constant 0 : i32
      %dma_wait3A_112 = tpu.memref_slice %arg3[%dma_wait3A_110, %dma_wait3A_111] : memref<10000x128xi32, #tpu.memory_space<hbm>> -> memref<10000x128xi32, #tpu.memory_space<hbm>>
      tpu.wait_indirect_dma semaphore(%arg15 : memref<!tpu.dma_semaphore, #tpu.memory_space<semaphore_mem>>) src(%dma_wait3A_112 : memref<10000x128xi32, #tpu.memory_space<hbm>>) dst(%arg11 : memref<128x128xi32, #tpu.memory_space<vmem>>)
      "tpu.region"() ({
        %run_scoped3A = tpu.sem_alloc : memref<!tpu.dma_semaphore, #tpu.memory_space<semaphore_mem>>
        %dma_start3A_136 = arith.constant 0 : i32
        %dma_start3A_137 = tpu.memref_slice %arg7[%add3A_104, %dma_start3A_136] : memref<80000x128xi32, #tpu.memory_space<hbm>> -> memref<128x128xi32, #tpu.memory_space<hbm>>
        %dma_start3A_138 = arith.constant 0 : i32
        %dma_start3A_139 = tpu.memref_slice %arg7[%add3A_104, %dma_start3A_138] : memref<80000x128xi32, #tpu.memory_space<hbm>> -> memref<128x128xi32, #tpu.memory_space<hbm>>
        tpu.enqueue_dma source(%arg11 : memref<128x128xi32, #tpu.memory_space<vmem>>) target(%dma_start3A_139 : memref<128x128xi32, #tpu.memory_space<hbm>>) target_semaphore(%run_scoped3A : memref<!tpu.dma_semaphore, #tpu.memory_space<semaphore_mem>>)
        %dma_wait3A_140 = arith.constant 0 : i32
        %dma_wait3A_141 = tpu.memref_slice %arg7[%add3A_104, %dma_wait3A_140] : memref<80000x128xi32, #tpu.memory_space<hbm>> -> memref<128x128xi32, #tpu.memory_space<hbm>>
        %dma_wait3A_142 = arith.constant 0 : i32
        %dma_wait3A_143 = tpu.memref_slice %arg7[%add3A_104, %dma_wait3A_142] : memref<80000x128xi32, #tpu.memory_space<hbm>> -> memref<128x128xi32, #tpu.memory_space<hbm>>
        tpu.wait_dma2 semaphore(%run_scoped3A : memref<!tpu.dma_semaphore, #tpu.memory_space<semaphore_mem>>) src(%arg11 : memref<128x128xi32, #tpu.memory_space<vmem>>) dst(%dma_wait3A_143 : memref<128x128xi32, #tpu.memory_space<hbm>>)
        tpu.yield
      }) : () -> ()
      %add3A_113 = arith.constant 256 : i32
      %add3A_114 = arith.addi %add3A_93, %add3A_113 : i32
      %dma_start3A_115 = tpu.memref_slice %arg8[%add3A_114] : memref<2504xi32, #tpu.memory_space<vmem>> -> memref<128xi32, #tpu.memory_space<vmem>>
      %dma_start3A_116 = arith.constant 0 : i32
      %dma_start3A_117 = arith.constant 0 : i32
      %dma_start3A_118 = tpu.memref_slice %arg2[%dma_start3A_116, %dma_start3A_117] : memref<10000x128xi32, #tpu.memory_space<hbm>> -> memref<10000x128xi32, #tpu.memory_space<hbm>>
      tpu.enqueue_indirect_dma source(%dma_start3A_118 : memref<10000x128xi32, #tpu.memory_space<hbm>>) target(%arg10 : memref<128x128xi32, #tpu.memory_space<vmem>>) offsets(%dma_start3A_115 : memref<128xi32, #tpu.memory_space<vmem>>) semaphore(%arg14 : memref<!tpu.dma_semaphore, #tpu.memory_space<semaphore_mem>>)
      %dma_start3A_119 = tpu.memref_slice %arg9[%add3A_114] : memref<2504xi32, #tpu.memory_space<vmem>> -> memref<128xi32, #tpu.memory_space<vmem>>
      %dma_start3A_120 = arith.constant 0 : i32
      %dma_start3A_121 = arith.constant 0 : i32
      %dma_start3A_122 = tpu.memref_slice %arg3[%dma_start3A_120, %dma_start3A_121] : memref<10000x128xi32, #tpu.memory_space<hbm>> -> memref<10000x128xi32, #tpu.memory_space<hbm>>
      tpu.enqueue_indirect_dma source(%dma_start3A_122 : memref<10000x128xi32, #tpu.memory_space<hbm>>) target(%arg11 : memref<128x128xi32, #tpu.memory_space<vmem>>) offsets(%dma_start3A_119 : memref<128xi32, #tpu.memory_space<vmem>>) semaphore(%arg15 : memref<!tpu.dma_semaphore, #tpu.memory_space<semaphore_mem>>)
      %add3A_123 = arith.constant 128 : i32
      %add3A_124 = arith.addi %add3A_93, %add3A_123 : i32
      %add3A_125 = arith.addi %add3A_35, %add3A_93 : i32
      %add3A_126 = arith.constant 128 : i32
      %add3A_127 = arith.addi %add3A_125, %add3A_126 : i32
      %dma_wait3A_128 = tpu.memref_slice %arg8[%add3A_124] : memref<2504xi32, #tpu.memory_space<vmem>> -> memref<128xi32, #tpu.memory_space<vmem>>
      %dma_wait3A_129 = arith.constant 0 : i32
      %dma_wait3A_130 = arith.constant 0 : i32
      %dma_wait3A_131 = tpu.memref_slice %arg2[%dma_wait3A_129, %dma_wait3A_130] : memref<10000x128xi32, #tpu.memory_space<hbm>> -> memref<10000x128xi32, #tpu.memory_space<hbm>>
      tpu.wait_indirect_dma semaphore(%arg16 : memref<!tpu.dma_semaphore, #tpu.memory_space<semaphore_mem>>) src(%dma_wait3A_131 : memref<10000x128xi32, #tpu.memory_space<hbm>>) dst(%arg12 : memref<128x128xi32, #tpu.memory_space<vmem>>)
      "tpu.region"() ({
        %run_scoped3A = tpu.sem_alloc : memref<!tpu.dma_semaphore, #tpu.memory_space<semaphore_mem>>
        %dma_start3A_136 = arith.constant 0 : i32
        %dma_start3A_137 = tpu.memref_slice %arg6[%add3A_127, %dma_start3A_136] : memref<80000x128xi32, #tpu.memory_space<hbm>> -> memref<128x128xi32, #tpu.memory_space<hbm>>
        %dma_start3A_138 = arith.constant 0 : i32
        %dma_start3A_139 = tpu.memref_slice %arg6[%add3A_127, %dma_start3A_138] : memref<80000x128xi32, #tpu.memory_space<hbm>> -> memref<128x128xi32, #tpu.memory_space<hbm>>
        tpu.enqueue_dma source(%arg12 : memref<128x128xi32, #tpu.memory_space<vmem>>) target(%dma_start3A_139 : memref<128x128xi32, #tpu.memory_space<hbm>>) target_semaphore(%run_scoped3A : memref<!tpu.dma_semaphore, #tpu.memory_space<semaphore_mem>>)
        %dma_wait3A_140 = arith.constant 0 : i32
        %dma_wait3A_141 = tpu.memref_slice %arg6[%add3A_127, %dma_wait3A_140] : memref<80000x128xi32, #tpu.memory_space<hbm>> -> memref<128x128xi32, #tpu.memory_space<hbm>>
        %dma_wait3A_142 = arith.constant 0 : i32
        %dma_wait3A_143 = tpu.memref_slice %arg6[%add3A_127, %dma_wait3A_142] : memref<80000x128xi32, #tpu.memory_space<hbm>> -> memref<128x128xi32, #tpu.memory_space<hbm>>
        tpu.wait_dma2 semaphore(%run_scoped3A : memref<!tpu.dma_semaphore, #tpu.memory_space<semaphore_mem>>) src(%arg12 : memref<128x128xi32, #tpu.memory_space<vmem>>) dst(%dma_wait3A_143 : memref<128x128xi32, #tpu.memory_space<hbm>>)
        tpu.yield
      }) : () -> ()
      %dma_wait3A_132 = tpu.memref_slice %arg9[%add3A_124] : memref<2504xi32, #tpu.memory_space<vmem>> -> memref<128xi32, #tpu.memory_space<vmem>>
      %dma_wait3A_133 = arith.constant 0 : i32
      %dma_wait3A_134 = arith.constant 0 : i32
      %dma_wait3A_135 = tpu.memref_slice %arg3[%dma_wait3A_133, %dma_wait3A_134] : memref<10000x128xi32, #tpu.memory_space<hbm>> -> memref<10000x128xi32, #tpu.memory_space<hbm>>
      tpu.wait_indirect_dma semaphore(%arg17 : memref<!tpu.dma_semaphore, #tpu.memory_space<semaphore_mem>>) src(%dma_wait3A_135 : memref<10000x128xi32, #tpu.memory_space<hbm>>) dst(%arg13 : memref<128x128xi32, #tpu.memory_space<vmem>>)
      "tpu.region"() ({
        %run_scoped3A = tpu.sem_alloc : memref<!tpu.dma_semaphore, #tpu.memory_space<semaphore_mem>>
        %dma_start3A_136 = arith.constant 0 : i32
        %dma_start3A_137 = tpu.memref_slice %arg7[%add3A_127, %dma_start3A_136] : memref<80000x128xi32, #tpu.memory_space<hbm>> -> memref<128x128xi32, #tpu.memory_space<hbm>>
        %dma_start3A_138 = arith.constant 0 : i32
        %dma_start3A_139 = tpu.memref_slice %arg7[%add3A_127, %dma_start3A_138] : memref<80000x128xi32, #tpu.memory_space<hbm>> -> memref<128x128xi32, #tpu.memory_space<hbm>>
        tpu.enqueue_dma source(%arg13 : memref<128x128xi32, #tpu.memory_space<vmem>>) target(%dma_start3A_139 : memref<128x128xi32, #tpu.memory_space<hbm>>) target_semaphore(%run_scoped3A : memref<!tpu.dma_semaphore, #tpu.memory_space<semaphore_mem>>)
        %dma_wait3A_140 = arith.constant 0 : i32
        %dma_wait3A_141 = tpu.memref_slice %arg7[%add3A_127, %dma_wait3A_140] : memref<80000x128xi32, #tpu.memory_space<hbm>> -> memref<128x128xi32, #tpu.memory_space<hbm>>
        %dma_wait3A_142 = arith.constant 0 : i32
        %dma_wait3A_143 = tpu.memref_slice %arg7[%add3A_127, %dma_wait3A_142] : memref<80000x128xi32, #tpu.memory_space<hbm>> -> memref<128x128xi32, #tpu.memory_space<hbm>>
        tpu.wait_dma2 semaphore(%run_scoped3A : memref<!tpu.dma_semaphore, #tpu.memory_space<semaphore_mem>>) src(%arg13 : memref<128x128xi32, #tpu.memory_space<vmem>>) dst(%dma_wait3A_143 : memref<128x128xi32, #tpu.memory_space<hbm>>)
        tpu.yield
      }) : () -> ()
    }
    %scan3A_52 = arith.constant 9 : i32
    %sub3A_53 = arith.constant 128 : i32
    %sub3A_54 = arith.subi %sub3A_39, %sub3A_53 : i32
    %dma_start3A_55 = tpu.memref_slice %arg8[%sub3A_54] : memref<2504xi32, #tpu.memory_space<vmem>> -> memref<128xi32, #tpu.memory_space<vmem>>
    %dma_start3A_56 = arith.constant 0 : i32
    %dma_start3A_57 = arith.constant 0 : i32
    %dma_start3A_58 = tpu.memref_slice %arg2[%dma_start3A_56, %dma_start3A_57] : memref<10000x128xi32, #tpu.memory_space<hbm>> -> memref<10000x128xi32, #tpu.memory_space<hbm>>
    tpu.enqueue_indirect_dma source(%dma_start3A_58 : memref<10000x128xi32, #tpu.memory_space<hbm>>) target(%arg12 : memref<128x128xi32, #tpu.memory_space<vmem>>) offsets(%dma_start3A_55 : memref<128xi32, #tpu.memory_space<vmem>>) semaphore(%arg16 : memref<!tpu.dma_semaphore, #tpu.memory_space<semaphore_mem>>)
    %dma_start3A_59 = tpu.memref_slice %arg9[%sub3A_54] : memref<2504xi32, #tpu.memory_space<vmem>> -> memref<128xi32, #tpu.memory_space<vmem>>
    %dma_start3A_60 = arith.constant 0 : i32
    %dma_start3A_61 = arith.constant 0 : i32
    %dma_start3A_62 = tpu.memref_slice %arg3[%dma_start3A_60, %dma_start3A_61] : memref<10000x128xi32, #tpu.memory_space<hbm>> -> memref<10000x128xi32, #tpu.memory_space<hbm>>
    tpu.enqueue_indirect_dma source(%dma_start3A_62 : memref<10000x128xi32, #tpu.memory_space<hbm>>) target(%arg13 : memref<128x128xi32, #tpu.memory_space<vmem>>) offsets(%dma_start3A_59 : memref<128xi32, #tpu.memory_space<vmem>>) semaphore(%arg17 : memref<!tpu.dma_semaphore, #tpu.memory_space<semaphore_mem>>)
    %add3A_63 = arith.constant 2432 : i32
    %add3A_64 = arith.addi %add3A_35, %add3A_63 : i32
    %sub3A_65 = arith.constant 128 : i32
    %sub3A_66 = arith.subi %add3A_64, %sub3A_65 : i32
    %dma_wait3A = arith.constant 2304 : i32
    %dma_wait3A_67 = tpu.memref_slice %arg8[%dma_wait3A] : memref<2504xi32, #tpu.memory_space<vmem>> -> memref<128xi32, #tpu.memory_space<vmem>>
    %dma_wait3A_68 = arith.constant 0 : i32
    %dma_wait3A_69 = arith.constant 0 : i32
    %dma_wait3A_70 = tpu.memref_slice %arg2[%dma_wait3A_68, %dma_wait3A_69] : memref<10000x128xi32, #tpu.memory_space<hbm>> -> memref<10000x128xi32, #tpu.memory_space<hbm>>
    tpu.wait_indirect_dma semaphore(%arg14 : memref<!tpu.dma_semaphore, #tpu.memory_space<semaphore_mem>>) src(%dma_wait3A_70 : memref<10000x128xi32, #tpu.memory_space<hbm>>) dst(%arg10 : memref<128x128xi32, #tpu.memory_space<vmem>>)
    "tpu.region"() ({
      %run_scoped3A = tpu.sem_alloc : memref<!tpu.dma_semaphore, #tpu.memory_space<semaphore_mem>>
      %dma_start3A_89 = arith.constant 0 : i32
      %dma_start3A_90 = tpu.memref_slice %arg6[%sub3A_66, %dma_start3A_89] : memref<80000x128xi32, #tpu.memory_space<hbm>> -> memref<128x128xi32, #tpu.memory_space<hbm>>
      %dma_start3A_91 = arith.constant 0 : i32
      %dma_start3A_92 = tpu.memref_slice %arg6[%sub3A_66, %dma_start3A_91] : memref<80000x128xi32, #tpu.memory_space<hbm>> -> memref<128x128xi32, #tpu.memory_space<hbm>>
      tpu.enqueue_dma source(%arg10 : memref<128x128xi32, #tpu.memory_space<vmem>>) target(%dma_start3A_92 : memref<128x128xi32, #tpu.memory_space<hbm>>) target_semaphore(%run_scoped3A : memref<!tpu.dma_semaphore, #tpu.memory_space<semaphore_mem>>)
      %dma_wait3A_93 = arith.constant 0 : i32
      %dma_wait3A_94 = tpu.memref_slice %arg6[%sub3A_66, %dma_wait3A_93] : memref<80000x128xi32, #tpu.memory_space<hbm>> -> memref<128x128xi32, #tpu.memory_space<hbm>>
      %dma_wait3A_95 = arith.constant 0 : i32
      %dma_wait3A_96 = tpu.memref_slice %arg6[%sub3A_66, %dma_wait3A_95] : memref<80000x128xi32, #tpu.memory_space<hbm>> -> memref<128x128xi32, #tpu.memory_space<hbm>>
      tpu.wait_dma2 semaphore(%run_scoped3A : memref<!tpu.dma_semaphore, #tpu.memory_space<semaphore_mem>>) src(%arg10 : memref<128x128xi32, #tpu.memory_space<vmem>>) dst(%dma_wait3A_96 : memref<128x128xi32, #tpu.memory_space<hbm>>)
      tpu.yield
    }) : () -> ()
    %dma_wait3A_71 = arith.constant 2304 : i32
    %dma_wait3A_72 = tpu.memref_slice %arg9[%dma_wait3A_71] : memref<2504xi32, #tpu.memory_space<vmem>> -> memref<128xi32, #tpu.memory_space<vmem>>
    %dma_wait3A_73 = arith.constant 0 : i32
    %dma_wait3A_74 = arith.constant 0 : i32
    %dma_wait3A_75 = tpu.memref_slice %arg3[%dma_wait3A_73, %dma_wait3A_74] : memref<10000x128xi32, #tpu.memory_space<hbm>> -> memref<10000x128xi32, #tpu.memory_space<hbm>>
    tpu.wait_indirect_dma semaphore(%arg15 : memref<!tpu.dma_semaphore, #tpu.memory_space<semaphore_mem>>) src(%dma_wait3A_75 : memref<10000x128xi32, #tpu.memory_space<hbm>>) dst(%arg11 : memref<128x128xi32, #tpu.memory_space<vmem>>)
    "tpu.region"() ({
      %run_scoped3A = tpu.sem_alloc : memref<!tpu.dma_semaphore, #tpu.memory_space<semaphore_mem>>
      %dma_start3A_89 = arith.constant 0 : i32
      %dma_start3A_90 = tpu.memref_slice %arg7[%sub3A_66, %dma_start3A_89] : memref<80000x128xi32, #tpu.memory_space<hbm>> -> memref<128x128xi32, #tpu.memory_space<hbm>>
      %dma_start3A_91 = arith.constant 0 : i32
      %dma_start3A_92 = tpu.memref_slice %arg7[%sub3A_66, %dma_start3A_91] : memref<80000x128xi32, #tpu.memory_space<hbm>> -> memref<128x128xi32, #tpu.memory_space<hbm>>
      tpu.enqueue_dma source(%arg11 : memref<128x128xi32, #tpu.memory_space<vmem>>) target(%dma_start3A_92 : memref<128x128xi32, #tpu.memory_space<hbm>>) target_semaphore(%run_scoped3A : memref<!tpu.dma_semaphore, #tpu.memory_space<semaphore_mem>>)
      %dma_wait3A_93 = arith.constant 0 : i32
      %dma_wait3A_94 = tpu.memref_slice %arg7[%sub3A_66, %dma_wait3A_93] : memref<80000x128xi32, #tpu.memory_space<hbm>> -> memref<128x128xi32, #tpu.memory_space<hbm>>
      %dma_wait3A_95 = arith.constant 0 : i32
      %dma_wait3A_96 = tpu.memref_slice %arg7[%sub3A_66, %dma_wait3A_95] : memref<80000x128xi32, #tpu.memory_space<hbm>> -> memref<128x128xi32, #tpu.memory_space<hbm>>
      tpu.wait_dma2 semaphore(%run_scoped3A : memref<!tpu.dma_semaphore, #tpu.memory_space<semaphore_mem>>) src(%arg11 : memref<128x128xi32, #tpu.memory_space<vmem>>) dst(%dma_wait3A_96 : memref<128x128xi32, #tpu.memory_space<hbm>>)
      tpu.yield
    }) : () -> ()
    %sub3A_76 = arith.constant 128 : i32
    %sub3A_77 = arith.subi %sub3A_39, %sub3A_76 : i32
    %add3A_78 = arith.addi %add3A_35, %sub3A_39 : i32
    %sub3A_79 = arith.constant 128 : i32
    %sub3A_80 = arith.subi %add3A_78, %sub3A_79 : i32
    %dma_wait3A_81 = tpu.memref_slice %arg8[%sub3A_77] : memref<2504xi32, #tpu.memory_space<vmem>> -> memref<128xi32, #tpu.memory_space<vmem>>
    %dma_wait3A_82 = arith.constant 0 : i32
    %dma_wait3A_83 = arith.constant 0 : i32
    %dma_wait3A_84 = tpu.memref_slice %arg2[%dma_wait3A_82, %dma_wait3A_83] : memref<10000x128xi32, #tpu.memory_space<hbm>> -> memref<10000x128xi32, #tpu.memory_space<hbm>>
    tpu.wait_indirect_dma semaphore(%arg16 : memref<!tpu.dma_semaphore, #tpu.memory_space<semaphore_mem>>) src(%dma_wait3A_84 : memref<10000x128xi32, #tpu.memory_space<hbm>>) dst(%arg12 : memref<128x128xi32, #tpu.memory_space<vmem>>)
    "tpu.region"() ({
      %run_scoped3A = tpu.sem_alloc : memref<!tpu.dma_semaphore, #tpu.memory_space<semaphore_mem>>
      %dma_start3A_89 = arith.constant 0 : i32
      %dma_start3A_90 = tpu.memref_slice %arg6[%sub3A_80, %dma_start3A_89] : memref<80000x128xi32, #tpu.memory_space<hbm>> -> memref<128x128xi32, #tpu.memory_space<hbm>>
      %dma_start3A_91 = arith.constant 0 : i32
      %dma_start3A_92 = tpu.memref_slice %arg6[%sub3A_80, %dma_start3A_91] : memref<80000x128xi32, #tpu.memory_space<hbm>> -> memref<128x128xi32, #tpu.memory_space<hbm>>
      tpu.enqueue_dma source(%arg12 : memref<128x128xi32, #tpu.memory_space<vmem>>) target(%dma_start3A_92 : memref<128x128xi32, #tpu.memory_space<hbm>>) target_semaphore(%run_scoped3A : memref<!tpu.dma_semaphore, #tpu.memory_space<semaphore_mem>>)
      %dma_wait3A_93 = arith.constant 0 : i32
      %dma_wait3A_94 = tpu.memref_slice %arg6[%sub3A_80, %dma_wait3A_93] : memref<80000x128xi32, #tpu.memory_space<hbm>> -> memref<128x128xi32, #tpu.memory_space<hbm>>
      %dma_wait3A_95 = arith.constant 0 : i32
      %dma_wait3A_96 = tpu.memref_slice %arg6[%sub3A_80, %dma_wait3A_95] : memref<80000x128xi32, #tpu.memory_space<hbm>> -> memref<128x128xi32, #tpu.memory_space<hbm>>
      tpu.wait_dma2 semaphore(%run_scoped3A : memref<!tpu.dma_semaphore, #tpu.memory_space<semaphore_mem>>) src(%arg12 : memref<128x128xi32, #tpu.memory_space<vmem>>) dst(%dma_wait3A_96 : memref<128x128xi32, #tpu.memory_space<hbm>>)
      tpu.yield
    }) : () -> ()
    %dma_wait3A_85 = tpu.memref_slice %arg9[%sub3A_77] : memref<2504xi32, #tpu.memory_space<vmem>> -> memref<128xi32, #tpu.memory_space<vmem>>
    %dma_wait3A_86 = arith.constant 0 : i32
    %dma_wait3A_87 = arith.constant 0 : i32
    %dma_wait3A_88 = tpu.memref_slice %arg3[%dma_wait3A_86, %dma_wait3A_87] : memref<10000x128xi32, #tpu.memory_space<hbm>> -> memref<10000x128xi32, #tpu.memory_space<hbm>>
    tpu.wait_indirect_dma semaphore(%arg17 : memref<!tpu.dma_semaphore, #tpu.memory_space<semaphore_mem>>) src(%dma_wait3A_88 : memref<10000x128xi32, #tpu.memory_space<hbm>>) dst(%arg13 : memref<128x128xi32, #tpu.memory_space<vmem>>)
    "tpu.region"() ({
      %run_scoped3A = tpu.sem_alloc : memref<!tpu.dma_semaphore, #tpu.memory_space<semaphore_mem>>
      %dma_start3A_89 = arith.constant 0 : i32
      %dma_start3A_90 = tpu.memref_slice %arg7[%sub3A_80, %dma_start3A_89] : memref<80000x128xi32, #tpu.memory_space<hbm>> -> memref<128x128xi32, #tpu.memory_space<hbm>>
      %dma_start3A_91 = arith.constant 0 : i32
      %dma_start3A_92 = tpu.memref_slice %arg7[%sub3A_80, %dma_start3A_91] : memref<80000x128xi32, #tpu.memory_space<hbm>> -> memref<128x128xi32, #tpu.memory_space<hbm>>
      tpu.enqueue_dma source(%arg13 : memref<128x128xi32, #tpu.memory_space<vmem>>) target(%dma_start3A_92 : memref<128x128xi32, #tpu.memory_space<hbm>>) target_semaphore(%run_scoped3A : memref<!tpu.dma_semaphore, #tpu.memory_space<semaphore_mem>>)
      %dma_wait3A_93 = arith.constant 0 : i32
      %dma_wait3A_94 = tpu.memref_slice %arg7[%sub3A_80, %dma_wait3A_93] : memref<80000x128xi32, #tpu.memory_space<hbm>> -> memref<128x128xi32, #tpu.memory_space<hbm>>
      %dma_wait3A_95 = arith.constant 0 : i32
      %dma_wait3A_96 = tpu.memref_slice %arg7[%sub3A_80, %dma_wait3A_95] : memref<80000x128xi32, #tpu.memory_space<hbm>> -> memref<128x128xi32, #tpu.memory_space<hbm>>
      tpu.wait_dma2 semaphore(%run_scoped3A : memref<!tpu.dma_semaphore, #tpu.memory_space<semaphore_mem>>) src(%arg13 : memref<128x128xi32, #tpu.memory_space<vmem>>) dst(%dma_wait3A_96 : memref<128x128xi32, #tpu.memory_space<hbm>>)
      tpu.yield
    }) : () -> ()
    return
  }
}

#map = affine_map<(d0, d1) -> (0, 0)>
#map1 = affine_map<(d0, d1) -> (0, 0, 0)>
module attributes {stable_mosaic.version = 14 : i64} {
  func.func @k(%arg0: i32, %arg1: i32, %arg2: memref<80000x256xf32, #tpu.memory_space<hbm>>, %arg3: memref<16x125x40xi32, #tpu.memory_space<hbm>>, %arg4: memref<10000x256xf32, #tpu.memory_space<hbm>>, %arg5: memref<125x40xi32, #tpu.memory_space<vmem>>, %arg6: memref<40x128xf32, #tpu.memory_space<vmem>>, %arg7: memref<40x128xf32, #tpu.memory_space<vmem>>, %arg8: memref<10000x128xf32, #tpu.memory_space<vmem_shared>>, %arg9: memref<!tpu.dma_semaphore, #tpu.memory_space<semaphore_mem>>, %arg10: memref<!tpu.dma_semaphore, #tpu.memory_space<semaphore_mem>>) attributes {dimension_semantics = [#tpu.dimension_semantics<core_parallel>, #tpu.dimension_semantics<subcore_parallel>], iteration_bounds = array<i64: 2, 16>, scalar_prefetch = 0 : i64, scratch_operands = 6 : i64, tpu.core_type = #tpu.core_type<sc_vector_subcore>, window_params = [{transform_indices = #map}, {transform_indices = #map1}, {transform_indices = #map}]} {
    %mul3A = arith.constant 128 : i32
    %mul3A_0 = arith.muli %arg0, %mul3A : i32
    %scan3A = arith.constant 0 : i32
    %scan3A_1 = arith.constant 40 : i32
    %scan3A_2 = arith.addi %scan3A, %scan3A_1 : i32
    %scan3A_3 = arith.constant 1 : i32
    scf.for %scan3A_55 = %scan3A to %scan3A_2 step %scan3A_3  : i32 {
      %mul3A_56 = arith.constant 1 : i32
      %mul3A_57 = arith.muli %scan3A_55, %mul3A_56 : i32
      %add3A_58 = arith.constant 0 : i32
      %add3A_59 = arith.addi %add3A_58, %mul3A_57 : i32
      %scan3A_60 = arith.constant 0 : i32
      %scan3A_61 = arith.constant 8 : i32
      %scan3A_62 = arith.addi %scan3A_60, %scan3A_61 : i32
      %scan3A_63 = arith.constant 1 : i32
      scf.for %scan3A_65 = %scan3A_60 to %scan3A_62 step %scan3A_63  : i32 {
        %mul3A_66 = arith.constant 16 : i32
        %mul3A_67 = arith.muli %scan3A_65, %mul3A_66 : i32
        %add3A_68 = arith.constant 0 : i32
        %add3A_69 = arith.addi %add3A_68, %mul3A_67 : i32
        %broadcast_in_dim3A = arith.constant 0.000000e+00 : f32
        %broadcast_in_dim3A_70 = vector.broadcast %broadcast_in_dim3A : f32 to vector<16xf32>
        %swap3A = arith.index_cast %add3A_59 : i32 to index
        %swap3A_71 = arith.index_cast %add3A_69 : i32 to index
        %swap3A_72 = tpu.vector_load %arg6[%swap3A, %swap3A_71] {strides = array<i32>} : memref<40x128xf32, #tpu.memory_space<vmem>>, vector<1x16xf32>,
        %swap3A_73 = vector.shape_cast %swap3A_72 : vector<1x16xf32> to vector<16xf32>
        %swap3A_74 = vector.shape_cast %broadcast_in_dim3A_70 : vector<16xf32> to vector<1x16xf32>
        tpu.vector_store %arg6[%swap3A, %swap3A_71], %swap3A_74 {strides = array<i32>} : memref<40x128xf32, #tpu.memory_space<vmem>>, vector<1x16xf32>,
      }
      %scan3A_64 = arith.constant 8 : i32
    }
    %scan3A_4 = arith.constant 40 : i32
    %sub3A = arith.constant 250 : i32
    %sub3A_5 = arith.subi %sub3A, %arg1 : i32
    %sub3A_6 = arith.constant 16 : i32
    %sub3A_7 = arith.constant 1 : i32
    %sub3A_8 = arith.subi %sub3A_6, %sub3A_7 : i32
    %add3A = arith.addi %sub3A_5, %sub3A_8 : i32
    %div3A = arith.constant 16 : i32
    %div3A_9 = arith.divsi %add3A, %div3A : i32
    %while3A = arith.constant 16 : i32
    %while3A_10 = arith.constant 0 : i32
    %while3A_11 = arith.subi %div3A_9, %while3A_10 : i32
    %while3A_12 = arith.addi %while3A_10, %while3A_11 : i32
    %while3A_13 = arith.constant 1 : i32
    %while3A_14 = arith.divsi %while3A_11, %while3A_13 : i32
    %while3A_15 = arith.muli %while3A_14, %while3A_13 : i32
    %while3A_16 = arith.addi %while3A_10, %while3A_15 : i32
    %while3A_17 = arith.constant 1 : i32
    scf.for %while3A_55 = %while3A_10 to %while3A_16 step %while3A_17  : i32 {
      %mul3A_56 = arith.muli %while3A_55, %while3A : i32
      %add3A_57 = arith.addi %arg1, %mul3A_56 : i32
      %mul3A_58 = arith.constant 40 : i32
      %mul3A_59 = arith.muli %add3A_57, %mul3A_58 : i32
      "tpu.region"() ({
        %run_scoped3A_60 = tpu.sem_alloc : memref<!tpu.dma_semaphore, #tpu.memory_space<semaphore_mem>>
        %dma_start3A_61 = arith.constant 0 : i32
        %dma_start3A_62 = tpu.memref_slice %arg8[%mul3A_59, %dma_start3A_61] : memref<10000x128xf32, #tpu.memory_space<vmem_shared>> -> memref<40x128xf32, #tpu.memory_space<vmem_shared>>
        %dma_start3A_63 = arith.constant 0 : i32
        %dma_start3A_64 = tpu.memref_slice %arg8[%mul3A_59, %dma_start3A_63] : memref<10000x128xf32, #tpu.memory_space<vmem_shared>> -> memref<40x128xf32, #tpu.memory_space<vmem_shared>>
        tpu.enqueue_dma source(%arg6 : memref<40x128xf32, #tpu.memory_space<vmem>>) target(%dma_start3A_64 : memref<40x128xf32, #tpu.memory_space<vmem_shared>>) target_semaphore(%run_scoped3A_60 : memref<!tpu.dma_semaphore, #tpu.memory_space<semaphore_mem>>)
        %dma_wait3A_65 = arith.constant 0 : i32
        %dma_wait3A_66 = tpu.memref_slice %arg8[%mul3A_59, %dma_wait3A_65] : memref<10000x128xf32, #tpu.memory_space<vmem_shared>> -> memref<40x128xf32, #tpu.memory_space<vmem_shared>>
        %dma_wait3A_67 = arith.constant 0 : i32
        %dma_wait3A_68 = tpu.memref_slice %arg8[%mul3A_59, %dma_wait3A_67] : memref<10000x128xf32, #tpu.memory_space<vmem_shared>> -> memref<40x128xf32, #tpu.memory_space<vmem_shared>>
        tpu.wait_dma2 semaphore(%run_scoped3A_60 : memref<!tpu.dma_semaphore, #tpu.memory_space<semaphore_mem>>) src(%arg6 : memref<40x128xf32, #tpu.memory_space<vmem>>) dst(%dma_wait3A_68 : memref<40x128xf32, #tpu.memory_space<vmem_shared>>)
        tpu.yield
      }) : () -> ()
    }
    %while3A_18 = arith.constant 1 : i32
    scf.for %while3A_55 = %while3A_16 to %while3A_12 step %while3A_18  : i32 {
      %mul3A_56 = arith.muli %while3A_55, %while3A : i32
      %add3A_57 = arith.addi %arg1, %mul3A_56 : i32
      %mul3A_58 = arith.constant 40 : i32
      %mul3A_59 = arith.muli %add3A_57, %mul3A_58 : i32
      "tpu.region"() ({
        %run_scoped3A_60 = tpu.sem_alloc : memref<!tpu.dma_semaphore, #tpu.memory_space<semaphore_mem>>
        %dma_start3A_61 = arith.constant 0 : i32
        %dma_start3A_62 = tpu.memref_slice %arg8[%mul3A_59, %dma_start3A_61] : memref<10000x128xf32, #tpu.memory_space<vmem_shared>> -> memref<40x128xf32, #tpu.memory_space<vmem_shared>>
        %dma_start3A_63 = arith.constant 0 : i32
        %dma_start3A_64 = tpu.memref_slice %arg8[%mul3A_59, %dma_start3A_63] : memref<10000x128xf32, #tpu.memory_space<vmem_shared>> -> memref<40x128xf32, #tpu.memory_space<vmem_shared>>
        tpu.enqueue_dma source(%arg6 : memref<40x128xf32, #tpu.memory_space<vmem>>) target(%dma_start3A_64 : memref<40x128xf32, #tpu.memory_space<vmem_shared>>) target_semaphore(%run_scoped3A_60 : memref<!tpu.dma_semaphore, #tpu.memory_space<semaphore_mem>>)
        %dma_wait3A_65 = arith.constant 0 : i32
        %dma_wait3A_66 = tpu.memref_slice %arg8[%mul3A_59, %dma_wait3A_65] : memref<10000x128xf32, #tpu.memory_space<vmem_shared>> -> memref<40x128xf32, #tpu.memory_space<vmem_shared>>
        %dma_wait3A_67 = arith.constant 0 : i32
        %dma_wait3A_68 = tpu.memref_slice %arg8[%mul3A_59, %dma_wait3A_67] : memref<10000x128xf32, #tpu.memory_space<vmem_shared>> -> memref<40x128xf32, #tpu.memory_space<vmem_shared>>
        tpu.wait_dma2 semaphore(%run_scoped3A_60 : memref<!tpu.dma_semaphore, #tpu.memory_space<semaphore_mem>>) src(%arg6 : memref<40x128xf32, #tpu.memory_space<vmem>>) dst(%dma_wait3A_68 : memref<40x128xf32, #tpu.memory_space<vmem_shared>>)
        tpu.yield
      }) : () -> ()
    }
    %barrier3A = arith.constant 0 : index
    tpu.barrier barrier_id(%barrier3A)
    "tpu.region"() ({
      %run_scoped3A_55 = tpu.sem_alloc : memref<!tpu.dma_semaphore, #tpu.memory_space<semaphore_mem>>
      %dma_start3A_56 = arith.constant 0 : i32
      %dma_start3A_57 = arith.constant 0 : i32
      %dma_start3A_58 = tpu.memref_slice %arg3[%arg1, %dma_start3A_56, %dma_start3A_57] : memref<16x125x40xi32, #tpu.memory_space<hbm>> -> memref<1x125x40xi32, #tpu.memory_space<hbm>>
      %dma_start3A_59 = tpu.memref_squeeze %dma_start3A_58 : memref<1x125x40xi32, #tpu.memory_space<hbm>> -> memref<125x40xi32, #tpu.memory_space<hbm>>
      %dma_start3A_60 = arith.constant 0 : i32
      %dma_start3A_61 = arith.constant 0 : i32
      %dma_start3A_62 = tpu.memref_slice %arg3[%arg1, %dma_start3A_60, %dma_start3A_61] : memref<16x125x40xi32, #tpu.memory_space<hbm>> -> memref<1x125x40xi32, #tpu.memory_space<hbm>>
      %dma_start3A_63 = tpu.memref_squeeze %dma_start3A_62 : memref<1x125x40xi32, #tpu.memory_space<hbm>> -> memref<125x40xi32, #tpu.memory_space<hbm>>
      tpu.enqueue_dma source(%dma_start3A_63 : memref<125x40xi32, #tpu.memory_space<hbm>>) target(%arg5 : memref<125x40xi32, #tpu.memory_space<vmem>>) target_semaphore(%run_scoped3A_55 : memref<!tpu.dma_semaphore, #tpu.memory_space<semaphore_mem>>)
      %dma_wait3A_64 = arith.constant 0 : i32
      %dma_wait3A_65 = arith.constant 0 : i32
      %dma_wait3A_66 = tpu.memref_slice %arg3[%arg1, %dma_wait3A_64, %dma_wait3A_65] : memref<16x125x40xi32, #tpu.memory_space<hbm>> -> memref<1x125x40xi32, #tpu.memory_space<hbm>>
      %dma_wait3A_67 = tpu.memref_squeeze %dma_wait3A_66 : memref<1x125x40xi32, #tpu.memory_space<hbm>> -> memref<125x40xi32, #tpu.memory_space<hbm>>
      %dma_wait3A_68 = arith.constant 0 : i32
      %dma_wait3A_69 = arith.constant 0 : i32
      %dma_wait3A_70 = tpu.memref_slice %arg3[%arg1, %dma_wait3A_68, %dma_wait3A_69] : memref<16x125x40xi32, #tpu.memory_space<hbm>> -> memref<1x125x40xi32, #tpu.memory_space<hbm>>
      %dma_wait3A_71 = tpu.memref_squeeze %dma_wait3A_70 : memref<1x125x40xi32, #tpu.memory_space<hbm>> -> memref<125x40xi32, #tpu.memory_space<hbm>>
      tpu.wait_dma2 semaphore(%run_scoped3A_55 : memref<!tpu.dma_semaphore, #tpu.memory_space<semaphore_mem>>) src(%dma_wait3A_71 : memref<125x40xi32, #tpu.memory_space<hbm>>) dst(%arg5 : memref<125x40xi32, #tpu.memory_space<vmem>>)
      tpu.yield
    }) : () -> ()
    %mul3A_19 = arith.constant 5000 : i32
    %mul3A_20 = arith.muli %arg1, %mul3A_19 : i32
    %add3A_21 = arith.constant 0 : i32
    %add3A_22 = arith.addi %mul3A_20, %add3A_21 : i32
    %dma_start3A = tpu.memref_slice %arg2[%add3A_22, %mul3A_0] : memref<80000x256xf32, #tpu.memory_space<hbm>> -> memref<40x128xf32, #tpu.memory_space<hbm>>
    %dma_start3A_23 = tpu.memref_slice %arg2[%add3A_22, %mul3A_0] : memref<80000x256xf32, #tpu.memory_space<hbm>> -> memref<40x128xf32, #tpu.memory_space<hbm>>
    tpu.enqueue_dma source(%dma_start3A_23 : memref<40x128xf32, #tpu.memory_space<hbm>>) target(%arg6 : memref<40x128xf32, #tpu.memory_space<vmem>>) target_semaphore(%arg9 : memref<!tpu.dma_semaphore, #tpu.memory_space<semaphore_mem>>)
    %add3A_24 = arith.constant 40 : i32
    %add3A_25 = arith.addi %mul3A_20, %add3A_24 : i32
    %dma_start3A_26 = tpu.memref_slice %arg2[%add3A_25, %mul3A_0] : memref<80000x256xf32, #tpu.memory_space<hbm>> -> memref<40x128xf32, #tpu.memory_space<hbm>>
    %dma_start3A_27 = tpu.memref_slice %arg2[%add3A_25, %mul3A_0] : memref<80000x256xf32, #tpu.memory_space<hbm>> -> memref<40x128xf32, #tpu.memory_space<hbm>>
    tpu.enqueue_dma source(%dma_start3A_27 : memref<40x128xf32, #tpu.memory_space<hbm>>) target(%arg7 : memref<40x128xf32, #tpu.memory_space<vmem>>) target_semaphore(%arg10 : memref<!tpu.dma_semaphore, #tpu.memory_space<semaphore_mem>>)
    %scan3A_28 = arith.constant 0 : i32
    %scan3A_29 = arith.constant 62 : i32
    %scan3A_30 = arith.addi %scan3A_28, %scan3A_29 : i32
    %scan3A_31 = arith.constant 1 : i32
    scf.for %scan3A_55 = %scan3A_28 to %scan3A_30 step %scan3A_31  : i32 {
      %mul3A_56 = arith.constant 2 : i32
      %mul3A_57 = arith.muli %scan3A_55, %mul3A_56 : i32
      %add3A_58 = arith.constant 0 : i32
      %add3A_59 = arith.addi %add3A_58, %mul3A_57 : i32
      %mul3A_60 = arith.constant 40 : i32
      %mul3A_61 = arith.muli %add3A_59, %mul3A_60 : i32
      %add3A_62 = arith.addi %mul3A_20, %mul3A_61 : i32
      %dma_wait3A_63 = tpu.memref_slice %arg2[%add3A_62, %mul3A_0] : memref<80000x256xf32, #tpu.memory_space<hbm>> -> memref<40x128xf32, #tpu.memory_space<hbm>>
      %dma_wait3A_64 = tpu.memref_slice %arg2[%add3A_62, %mul3A_0] : memref<80000x256xf32, #tpu.memory_space<hbm>> -> memref<40x128xf32, #tpu.memory_space<hbm>>
      tpu.wait_dma2 semaphore(%arg9 : memref<!tpu.dma_semaphore, #tpu.memory_space<semaphore_mem>>) src(%dma_wait3A_64 : memref<40x128xf32, #tpu.memory_space<hbm>>) dst(%arg6 : memref<40x128xf32, #tpu.memory_space<vmem>>)
      "tpu.region"() ({
        %run_scoped3A_85 = tpu.sem_alloc : memref<!tpu.dma_semaphore, #tpu.memory_space<semaphore_mem>>
        %dma_start3A_86 = arith.constant 0 : i32
        %dma_start3A_87 = tpu.memref_slice %arg5[%add3A_59, %dma_start3A_86] : memref<125x40xi32, #tpu.memory_space<vmem>> -> memref<1x40xi32, #tpu.memory_space<vmem>>
        %dma_start3A_88 = tpu.memref_squeeze %dma_start3A_87 : memref<1x40xi32, #tpu.memory_space<vmem>> -> memref<40xi32, #tpu.memory_space<vmem>>
        %dma_start3A_89 = arith.constant 0 : i32
        %dma_start3A_90 = arith.constant 0 : i32
        %dma_start3A_91 = tpu.memref_slice %arg8[%dma_start3A_89, %dma_start3A_90] : memref<10000x128xf32, #tpu.memory_space<vmem_shared>> -> memref<10000x128xf32, #tpu.memory_space<vmem_shared>>
        tpu.enqueue_indirect_dma source(%arg6 : memref<40x128xf32, #tpu.memory_space<vmem>>) target(%dma_start3A_91 : memref<10000x128xf32, #tpu.memory_space<vmem_shared>>) offsets(%dma_start3A_88 : memref<40xi32, #tpu.memory_space<vmem>>) semaphore(%run_scoped3A_85 : memref<!tpu.dma_semaphore, #tpu.memory_space<semaphore_mem>>) {add = true}
        %dma_wait3A_92 = arith.constant 0 : i32
        %dma_wait3A_93 = tpu.memref_slice %arg5[%add3A_59, %dma_wait3A_92] : memref<125x40xi32, #tpu.memory_space<vmem>> -> memref<1x40xi32, #tpu.memory_space<vmem>>
        %dma_wait3A_94 = tpu.memref_squeeze %dma_wait3A_93 : memref<1x40xi32, #tpu.memory_space<vmem>> -> memref<40xi32, #tpu.memory_space<vmem>>
        %dma_wait3A_95 = arith.constant 0 : i32
        %dma_wait3A_96 = arith.constant 0 : i32
        %dma_wait3A_97 = tpu.memref_slice %arg8[%dma_wait3A_95, %dma_wait3A_96] : memref<10000x128xf32, #tpu.memory_space<vmem_shared>> -> memref<10000x128xf32, #tpu.memory_space<vmem_shared>>
        tpu.wait_indirect_dma semaphore(%run_scoped3A_85 : memref<!tpu.dma_semaphore, #tpu.memory_space<semaphore_mem>>) src(%arg6 : memref<40x128xf32, #tpu.memory_space<vmem>>) dst(%dma_wait3A_97 : memref<10000x128xf32, #tpu.memory_space<vmem_shared>>)
        tpu.yield
      }) : () -> ()
      %add3A_65 = arith.constant 2 : i32
      %add3A_66 = arith.addi %add3A_59, %add3A_65 : i32
      %mul3A_67 = arith.constant 40 : i32
      %mul3A_68 = arith.muli %add3A_66, %mul3A_67 : i32
      %add3A_69 = arith.addi %mul3A_20, %mul3A_68 : i32
      %dma_start3A_70 = tpu.memref_slice %arg2[%add3A_69, %mul3A_0] : memref<80000x256xf32, #tpu.memory_space<hbm>> -> memref<40x128xf32, #tpu.memory_space<hbm>>
      %dma_start3A_71 = tpu.memref_slice %arg2[%add3A_69, %mul3A_0] : memref<80000x256xf32, #tpu.memory_space<hbm>> -> memref<40x128xf32, #tpu.memory_space<hbm>>
      tpu.enqueue_dma source(%dma_start3A_71 : memref<40x128xf32, #tpu.memory_space<hbm>>) target(%arg6 : memref<40x128xf32, #tpu.memory_space<vmem>>) target_semaphore(%arg9 : memref<!tpu.dma_semaphore, #tpu.memory_space<semaphore_mem>>)
      %add3A_72 = arith.constant 1 : i32
      %add3A_73 = arith.addi %add3A_59, %add3A_72 : i32
      %mul3A_74 = arith.constant 40 : i32
      %mul3A_75 = arith.muli %add3A_73, %mul3A_74 : i32
      %add3A_76 = arith.addi %mul3A_20, %mul3A_75 : i32
      %dma_wait3A_77 = tpu.memref_slice %arg2[%add3A_76, %mul3A_0] : memref<80000x256xf32, #tpu.memory_space<hbm>> -> memref<40x128xf32, #tpu.memory_space<hbm>>
      %dma_wait3A_78 = tpu.memref_slice %arg2[%add3A_76, %mul3A_0] : memref<80000x256xf32, #tpu.memory_space<hbm>> -> memref<40x128xf32, #tpu.memory_space<hbm>>
      tpu.wait_dma2 semaphore(%arg10 : memref<!tpu.dma_semaphore, #tpu.memory_space<semaphore_mem>>) src(%dma_wait3A_78 : memref<40x128xf32, #tpu.memory_space<hbm>>) dst(%arg7 : memref<40x128xf32, #tpu.memory_space<vmem>>)
      %add3A_79 = arith.constant 1 : i32
      %add3A_80 = arith.addi %add3A_59, %add3A_79 : i32
      "tpu.region"() ({
        %run_scoped3A_85 = tpu.sem_alloc : memref<!tpu.dma_semaphore, #tpu.memory_space<semaphore_mem>>
        %dma_start3A_86 = arith.constant 0 : i32
        %dma_start3A_87 = tpu.memref_slice %arg5[%add3A_80, %dma_start3A_86] : memref<125x40xi32, #tpu.memory_space<vmem>> -> memref<1x40xi32, #tpu.memory_space<vmem>>
        %dma_start3A_88 = tpu.memref_squeeze %dma_start3A_87 : memref<1x40xi32, #tpu.memory_space<vmem>> -> memref<40xi32, #tpu.memory_space<vmem>>
        %dma_start3A_89 = arith.constant 0 : i32
        %dma_start3A_90 = arith.constant 0 : i32
        %dma_start3A_91 = tpu.memref_slice %arg8[%dma_start3A_89, %dma_start3A_90] : memref<10000x128xf32, #tpu.memory_space<vmem_shared>> -> memref<10000x128xf32, #tpu.memory_space<vmem_shared>>
        tpu.enqueue_indirect_dma source(%arg7 : memref<40x128xf32, #tpu.memory_space<vmem>>) target(%dma_start3A_91 : memref<10000x128xf32, #tpu.memory_space<vmem_shared>>) offsets(%dma_start3A_88 : memref<40xi32, #tpu.memory_space<vmem>>) semaphore(%run_scoped3A_85 : memref<!tpu.dma_semaphore, #tpu.memory_space<semaphore_mem>>) {add = true}
        %dma_wait3A_92 = arith.constant 0 : i32
        %dma_wait3A_93 = tpu.memref_slice %arg5[%add3A_80, %dma_wait3A_92] : memref<125x40xi32, #tpu.memory_space<vmem>> -> memref<1x40xi32, #tpu.memory_space<vmem>>
        %dma_wait3A_94 = tpu.memref_squeeze %dma_wait3A_93 : memref<1x40xi32, #tpu.memory_space<vmem>> -> memref<40xi32, #tpu.memory_space<vmem>>
        %dma_wait3A_95 = arith.constant 0 : i32
        %dma_wait3A_96 = arith.constant 0 : i32
        %dma_wait3A_97 = tpu.memref_slice %arg8[%dma_wait3A_95, %dma_wait3A_96] : memref<10000x128xf32, #tpu.memory_space<vmem_shared>> -> memref<10000x128xf32, #tpu.memory_space<vmem_shared>>
        tpu.wait_indirect_dma semaphore(%run_scoped3A_85 : memref<!tpu.dma_semaphore, #tpu.memory_space<semaphore_mem>>) src(%arg7 : memref<40x128xf32, #tpu.memory_space<vmem>>) dst(%dma_wait3A_97 : memref<10000x128xf32, #tpu.memory_space<vmem_shared>>)
        tpu.yield
      }) : () -> ()
      %add3A_81 = arith.constant 3 : i32
      %add3A_82 = arith.addi %add3A_59, %add3A_81 : i32
      %lt3A = arith.constant 125 : i32
      %lt3A_83 = arith.cmpi slt, %add3A_82, %lt3A : i32
      %convert_element_type3A = arith.extui %lt3A_83 : i1 to i32
      %cond3A = arith.constant 0 : i32
      %cond3A_84 = arith.cmpi ne, %convert_element_type3A, %cond3A : i32
      scf.if %cond3A_84 {
        %add3A_85 = arith.constant 3 : i32
        %add3A_86 = arith.addi %add3A_59, %add3A_85 : i32
        %mul3A_87 = arith.constant 40 : i32
        %mul3A_88 = arith.muli %add3A_86, %mul3A_87 : i32
        %add3A_89 = arith.addi %mul3A_20, %mul3A_88 : i32
        %dma_start3A_90 = tpu.memref_slice %arg2[%add3A_89, %mul3A_0] : memref<80000x256xf32, #tpu.memory_space<hbm>> -> memref<40x128xf32, #tpu.memory_space<hbm>>
        %dma_start3A_91 = tpu.memref_slice %arg2[%add3A_89, %mul3A_0] : memref<80000x256xf32, #tpu.memory_space<hbm>> -> memref<40x128xf32, #tpu.memory_space<hbm>>
        tpu.enqueue_dma source(%dma_start3A_91 : memref<40x128xf32, #tpu.memory_space<hbm>>) target(%arg7 : memref<40x128xf32, #tpu.memory_space<vmem>>) target_semaphore(%arg10 : memref<!tpu.dma_semaphore, #tpu.memory_space<semaphore_mem>>)
      } else {
      }
    }
    %scan3A_32 = arith.constant 62 : i32
    %add3A_33 = arith.constant 4960 : i32
    %add3A_34 = arith.addi %mul3A_20, %add3A_33 : i32
    %dma_wait3A = tpu.memref_slice %arg2[%add3A_34, %mul3A_0] : memref<80000x256xf32, #tpu.memory_space<hbm>> -> memref<40x128xf32, #tpu.memory_space<hbm>>
    %dma_wait3A_35 = tpu.memref_slice %arg2[%add3A_34, %mul3A_0] : memref<80000x256xf32, #tpu.memory_space<hbm>> -> memref<40x128xf32, #tpu.memory_space<hbm>>
    tpu.wait_dma2 semaphore(%arg9 : memref<!tpu.dma_semaphore, #tpu.memory_space<semaphore_mem>>) src(%dma_wait3A_35 : memref<40x128xf32, #tpu.memory_space<hbm>>) dst(%arg6 : memref<40x128xf32, #tpu.memory_space<vmem>>)
    %run_scoped3A = arith.constant 124 : i32
    "tpu.region"() ({
      %run_scoped3A_55 = tpu.sem_alloc : memref<!tpu.dma_semaphore, #tpu.memory_space<semaphore_mem>>
      %dma_start3A_56 = arith.constant 0 : i32
      %dma_start3A_57 = tpu.memref_slice %arg5[%run_scoped3A, %dma_start3A_56] : memref<125x40xi32, #tpu.memory_space<vmem>> -> memref<1x40xi32, #tpu.memory_space<vmem>>
      %dma_start3A_58 = tpu.memref_squeeze %dma_start3A_57 : memref<1x40xi32, #tpu.memory_space<vmem>> -> memref<40xi32, #tpu.memory_space<vmem>>
      %dma_start3A_59 = arith.constant 0 : i32
      %dma_start3A_60 = arith.constant 0 : i32
      %dma_start3A_61 = tpu.memref_slice %arg8[%dma_start3A_59, %dma_start3A_60] : memref<10000x128xf32, #tpu.memory_space<vmem_shared>> -> memref<10000x128xf32, #tpu.memory_space<vmem_shared>>
      tpu.enqueue_indirect_dma source(%arg6 : memref<40x128xf32, #tpu.memory_space<vmem>>) target(%dma_start3A_61 : memref<10000x128xf32, #tpu.memory_space<vmem_shared>>) offsets(%dma_start3A_58 : memref<40xi32, #tpu.memory_space<vmem>>) semaphore(%run_scoped3A_55 : memref<!tpu.dma_semaphore, #tpu.memory_space<semaphore_mem>>) {add = true}
      %dma_wait3A_62 = arith.constant 0 : i32
      %dma_wait3A_63 = tpu.memref_slice %arg5[%run_scoped3A, %dma_wait3A_62] : memref<125x40xi32, #tpu.memory_space<vmem>> -> memref<1x40xi32, #tpu.memory_space<vmem>>
      %dma_wait3A_64 = tpu.memref_squeeze %dma_wait3A_63 : memref<1x40xi32, #tpu.memory_space<vmem>> -> memref<40xi32, #tpu.memory_space<vmem>>
      %dma_wait3A_65 = arith.constant 0 : i32
      %dma_wait3A_66 = arith.constant 0 : i32
      %dma_wait3A_67 = tpu.memref_slice %arg8[%dma_wait3A_65, %dma_wait3A_66] : memref<10000x128xf32, #tpu.memory_space<vmem_shared>> -> memref<10000x128xf32, #tpu.memory_space<vmem_shared>>
      tpu.wait_indirect_dma semaphore(%run_scoped3A_55 : memref<!tpu.dma_semaphore, #tpu.memory_space<semaphore_mem>>) src(%arg6 : memref<40x128xf32, #tpu.memory_space<vmem>>) dst(%dma_wait3A_67 : memref<10000x128xf32, #tpu.memory_space<vmem_shared>>)
      tpu.yield
    }) : () -> ()
    %barrier3A_36 = arith.constant 0 : index
    tpu.barrier barrier_id(%barrier3A_36)
    %sub3A_37 = arith.constant 250 : i32
    %sub3A_38 = arith.subi %sub3A_37, %arg1 : i32
    %sub3A_39 = arith.constant 16 : i32
    %sub3A_40 = arith.constant 1 : i32
    %sub3A_41 = arith.subi %sub3A_39, %sub3A_40 : i32
    %add3A_42 = arith.addi %sub3A_38, %sub3A_41 : i32
    %div3A_43 = arith.constant 16 : i32
    %div3A_44 = arith.divsi %add3A_42, %div3A_43 : i32
    %while3A_45 = arith.constant 16 : i32
    %while3A_46 = arith.constant 0 : i32
    %while3A_47 = arith.subi %div3A_44, %while3A_46 : i32
    %while3A_48 = arith.addi %while3A_46, %while3A_47 : i32
    %while3A_49 = arith.constant 1 : i32
    %while3A_50 = arith.divsi %while3A_47, %while3A_49 : i32
    %while3A_51 = arith.muli %while3A_50, %while3A_49 : i32
    %while3A_52 = arith.addi %while3A_46, %while3A_51 : i32
    %while3A_53 = arith.constant 1 : i32
    scf.for %while3A_55 = %while3A_46 to %while3A_52 step %while3A_53  : i32 {
      %mul3A_56 = arith.muli %while3A_55, %while3A_45 : i32
      %add3A_57 = arith.addi %arg1, %mul3A_56 : i32
      %mul3A_58 = arith.constant 40 : i32
      %mul3A_59 = arith.muli %add3A_57, %mul3A_58 : i32
      %mul3A_60 = arith.constant 40 : i32
      %mul3A_61 = arith.muli %add3A_57, %mul3A_60 : i32
      "tpu.region"() ({
        %run_scoped3A_62 = tpu.sem_alloc : memref<!tpu.dma_semaphore, #tpu.memory_space<semaphore_mem>>
        %dma_start3A_63 = tpu.memref_slice %arg4[%mul3A_61, %mul3A_0] : memref<10000x256xf32, #tpu.memory_space<hbm>> -> memref<40x128xf32, #tpu.memory_space<hbm>>
        %dma_start3A_64 = arith.constant 0 : i32
        %dma_start3A_65 = tpu.memref_slice %arg8[%mul3A_59, %dma_start3A_64] : memref<10000x128xf32, #tpu.memory_space<vmem_shared>> -> memref<40x128xf32, #tpu.memory_space<vmem_shared>>
        tpu.enqueue_dma source(%dma_start3A_65 : memref<40x128xf32, #tpu.memory_space<vmem_shared>>) target(%dma_start3A_63 : memref<40x128xf32, #tpu.memory_space<hbm>>) target_semaphore(%run_scoped3A_62 : memref<!tpu.dma_semaphore, #tpu.memory_space<semaphore_mem>>)
        %dma_wait3A_66 = tpu.memref_slice %arg4[%mul3A_61, %mul3A_0] : memref<10000x256xf32, #tpu.memory_space<hbm>> -> memref<40x128xf32, #tpu.memory_space<hbm>>
        %dma_wait3A_67 = arith.constant 0 : i32
        %dma_wait3A_68 = tpu.memref_slice %arg8[%mul3A_59, %dma_wait3A_67] : memref<10000x128xf32, #tpu.memory_space<vmem_shared>> -> memref<40x128xf32, #tpu.memory_space<vmem_shared>>
        tpu.wait_dma2 semaphore(%run_scoped3A_62 : memref<!tpu.dma_semaphore, #tpu.memory_space<semaphore_mem>>) src(%dma_wait3A_68 : memref<40x128xf32, #tpu.memory_space<vmem_shared>>) dst(%dma_wait3A_66 : memref<40x128xf32, #tpu.memory_space<hbm>>)
        tpu.yield
      }) : () -> ()
    }
    %while3A_54 = arith.constant 1 : i32
    scf.for %while3A_55 = %while3A_52 to %while3A_48 step %while3A_54  : i32 {
      %mul3A_56 = arith.muli %while3A_55, %while3A_45 : i32
      %add3A_57 = arith.addi %arg1, %mul3A_56 : i32
      %mul3A_58 = arith.constant 40 : i32
      %mul3A_59 = arith.muli %add3A_57, %mul3A_58 : i32
      %mul3A_60 = arith.constant 40 : i32
      %mul3A_61 = arith.muli %add3A_57, %mul3A_60 : i32
      "tpu.region"() ({
        %run_scoped3A_62 = tpu.sem_alloc : memref<!tpu.dma_semaphore, #tpu.memory_space<semaphore_mem>>
        %dma_start3A_63 = tpu.memref_slice %arg4[%mul3A_61, %mul3A_0] : memref<10000x256xf32, #tpu.memory_space<hbm>> -> memref<40x128xf32, #tpu.memory_space<hbm>>
        %dma_start3A_64 = arith.constant 0 : i32
        %dma_start3A_65 = tpu.memref_slice %arg8[%mul3A_59, %dma_start3A_64] : memref<10000x128xf32, #tpu.memory_space<vmem_shared>> -> memref<40x128xf32, #tpu.memory_space<vmem_shared>>
        tpu.enqueue_dma source(%dma_start3A_65 : memref<40x128xf32, #tpu.memory_space<vmem_shared>>) target(%dma_start3A_63 : memref<40x128xf32, #tpu.memory_space<hbm>>) target_semaphore(%run_scoped3A_62 : memref<!tpu.dma_semaphore, #tpu.memory_space<semaphore_mem>>)
        %dma_wait3A_66 = tpu.memref_slice %arg4[%mul3A_61, %mul3A_0] : memref<10000x256xf32, #tpu.memory_space<hbm>> -> memref<40x128xf32, #tpu.memory_space<hbm>>
        %dma_wait3A_67 = arith.constant 0 : i32
        %dma_wait3A_68 = tpu.memref_slice %arg8[%mul3A_59, %dma_wait3A_67] : memref<10000x128xf32, #tpu.memory_space<vmem_shared>> -> memref<40x128xf32, #tpu.memory_space<vmem_shared>>
        tpu.wait_dma2 semaphore(%run_scoped3A_62 : memref<!tpu.dma_semaphore, #tpu.memory_space<semaphore_mem>>) src(%dma_wait3A_68 : memref<40x128xf32, #tpu.memory_space<vmem_shared>>) dst(%dma_wait3A_66 : memref<40x128xf32, #tpu.memory_space<hbm>>)
        tpu.yield
      }) : () -> ()
    }
    return
  }
}

#map = affine_map<(d0, d1) -> (0, 0)>
#map1 = affine_map<(d0, d1) -> (0, 0, 0)>
module attributes {stable_mosaic.version = 14 : i64} {
  func.func @k(%arg0: i32, %arg1: i32, %arg2: memref<80000x256xf32, #tpu.memory_space<hbm>>, %arg3: memref<16x125x40xi32, #tpu.memory_space<hbm>>, %arg4: memref<10000x256xf32, #tpu.memory_space<hbm>>, %arg5: memref<125x40xi32, #tpu.memory_space<vmem>>, %arg6: memref<40x128xf32, #tpu.memory_space<vmem>>, %arg7: memref<40x128xf32, #tpu.memory_space<vmem>>, %arg8: memref<10000x128xf32, #tpu.memory_space<vmem_shared>>, %arg9: memref<!tpu.dma_semaphore, #tpu.memory_space<semaphore_mem>>, %arg10: memref<!tpu.dma_semaphore, #tpu.memory_space<semaphore_mem>>) attributes {dimension_semantics = [#tpu.dimension_semantics<core_parallel>, #tpu.dimension_semantics<subcore_parallel>], iteration_bounds = array<i64: 2, 16>, scalar_prefetch = 0 : i64, scratch_operands = 6 : i64, tpu.core_type = #tpu.core_type<sc_vector_subcore>, window_params = [{transform_indices = #map}, {transform_indices = #map1}, {transform_indices = #map}]} {
    %mul3A = arith.constant 128 : i32
    %mul3A_0 = arith.muli %arg0, %mul3A : i32
    %scan3A = arith.constant 0 : i32
    %scan3A_1 = arith.constant 40 : i32
    %scan3A_2 = arith.addi %scan3A, %scan3A_1 : i32
    %scan3A_3 = arith.constant 1 : i32
    scf.for %scan3A_55 = %scan3A to %scan3A_2 step %scan3A_3  : i32 {
      %mul3A_56 = arith.constant 1 : i32
      %mul3A_57 = arith.muli %scan3A_55, %mul3A_56 : i32
      %add3A_58 = arith.constant 0 : i32
      %add3A_59 = arith.addi %add3A_58, %mul3A_57 : i32
      %scan3A_60 = arith.constant 0 : i32
      %scan3A_61 = arith.constant 8 : i32
      %scan3A_62 = arith.addi %scan3A_60, %scan3A_61 : i32
      %scan3A_63 = arith.constant 1 : i32
      scf.for %scan3A_65 = %scan3A_60 to %scan3A_62 step %scan3A_63  : i32 {
        %mul3A_66 = arith.constant 16 : i32
        %mul3A_67 = arith.muli %scan3A_65, %mul3A_66 : i32
        %add3A_68 = arith.constant 0 : i32
        %add3A_69 = arith.addi %add3A_68, %mul3A_67 : i32
        %broadcast_in_dim3A = arith.constant 0.000000e+00 : f32
        %broadcast_in_dim3A_70 = vector.broadcast %broadcast_in_dim3A : f32 to vector<16xf32>
        %swap3A = arith.index_cast %add3A_59 : i32 to index
        %swap3A_71 = arith.index_cast %add3A_69 : i32 to index
        %swap3A_72 = tpu.vector_load %arg6[%swap3A, %swap3A_71] {strides = array<i32>} : memref<40x128xf32, #tpu.memory_space<vmem>>, vector<1x16xf32>,
        %swap3A_73 = vector.shape_cast %swap3A_72 : vector<1x16xf32> to vector<16xf32>
        %swap3A_74 = vector.shape_cast %broadcast_in_dim3A_70 : vector<16xf32> to vector<1x16xf32>
        tpu.vector_store %arg6[%swap3A, %swap3A_71], %swap3A_74 {strides = array<i32>} : memref<40x128xf32, #tpu.memory_space<vmem>>, vector<1x16xf32>,
      }
      %scan3A_64 = arith.constant 8 : i32
    }
    %scan3A_4 = arith.constant 40 : i32
    %sub3A = arith.constant 250 : i32
    %sub3A_5 = arith.subi %sub3A, %arg1 : i32
    %sub3A_6 = arith.constant 16 : i32
    %sub3A_7 = arith.constant 1 : i32
    %sub3A_8 = arith.subi %sub3A_6, %sub3A_7 : i32
    %add3A = arith.addi %sub3A_5, %sub3A_8 : i32
    %div3A = arith.constant 16 : i32
    %div3A_9 = arith.divsi %add3A, %div3A : i32
    %while3A = arith.constant 16 : i32
    %while3A_10 = arith.constant 0 : i32
    %while3A_11 = arith.subi %div3A_9, %while3A_10 : i32
    %while3A_12 = arith.addi %while3A_10, %while3A_11 : i32
    %while3A_13 = arith.constant 1 : i32
    %while3A_14 = arith.divsi %while3A_11, %while3A_13 : i32
    %while3A_15 = arith.muli %while3A_14, %while3A_13 : i32
    %while3A_16 = arith.addi %while3A_10, %while3A_15 : i32
    %while3A_17 = arith.constant 1 : i32
    scf.for %while3A_55 = %while3A_10 to %while3A_16 step %while3A_17  : i32 {
      %mul3A_56 = arith.muli %while3A_55, %while3A : i32
      %add3A_57 = arith.addi %arg1, %mul3A_56 : i32
      %mul3A_58 = arith.constant 40 : i32
      %mul3A_59 = arith.muli %add3A_57, %mul3A_58 : i32
      "tpu.region"() ({
        %run_scoped3A_60 = tpu.sem_alloc : memref<!tpu.dma_semaphore, #tpu.memory_space<semaphore_mem>>
        %dma_start3A_61 = arith.constant 0 : i32
        %dma_start3A_62 = tpu.memref_slice %arg8[%mul3A_59, %dma_start3A_61] : memref<10000x128xf32, #tpu.memory_space<vmem_shared>> -> memref<40x128xf32, #tpu.memory_space<vmem_shared>>
        %dma_start3A_63 = arith.constant 0 : i32
        %dma_start3A_64 = tpu.memref_slice %arg8[%mul3A_59, %dma_start3A_63] : memref<10000x128xf32, #tpu.memory_space<vmem_shared>> -> memref<40x128xf32, #tpu.memory_space<vmem_shared>>
        tpu.enqueue_dma source(%arg6 : memref<40x128xf32, #tpu.memory_space<vmem>>) target(%dma_start3A_64 : memref<40x128xf32, #tpu.memory_space<vmem_shared>>) target_semaphore(%run_scoped3A_60 : memref<!tpu.dma_semaphore, #tpu.memory_space<semaphore_mem>>)
        %dma_wait3A_65 = arith.constant 0 : i32
        %dma_wait3A_66 = tpu.memref_slice %arg8[%mul3A_59, %dma_wait3A_65] : memref<10000x128xf32, #tpu.memory_space<vmem_shared>> -> memref<40x128xf32, #tpu.memory_space<vmem_shared>>
        %dma_wait3A_67 = arith.constant 0 : i32
        %dma_wait3A_68 = tpu.memref_slice %arg8[%mul3A_59, %dma_wait3A_67] : memref<10000x128xf32, #tpu.memory_space<vmem_shared>> -> memref<40x128xf32, #tpu.memory_space<vmem_shared>>
        tpu.wait_dma2 semaphore(%run_scoped3A_60 : memref<!tpu.dma_semaphore, #tpu.memory_space<semaphore_mem>>) src(%arg6 : memref<40x128xf32, #tpu.memory_space<vmem>>) dst(%dma_wait3A_68 : memref<40x128xf32, #tpu.memory_space<vmem_shared>>)
        tpu.yield
      }) : () -> ()
    }
    %while3A_18 = arith.constant 1 : i32
    scf.for %while3A_55 = %while3A_16 to %while3A_12 step %while3A_18  : i32 {
      %mul3A_56 = arith.muli %while3A_55, %while3A : i32
      %add3A_57 = arith.addi %arg1, %mul3A_56 : i32
      %mul3A_58 = arith.constant 40 : i32
      %mul3A_59 = arith.muli %add3A_57, %mul3A_58 : i32
      "tpu.region"() ({
        %run_scoped3A_60 = tpu.sem_alloc : memref<!tpu.dma_semaphore, #tpu.memory_space<semaphore_mem>>
        %dma_start3A_61 = arith.constant 0 : i32
        %dma_start3A_62 = tpu.memref_slice %arg8[%mul3A_59, %dma_start3A_61] : memref<10000x128xf32, #tpu.memory_space<vmem_shared>> -> memref<40x128xf32, #tpu.memory_space<vmem_shared>>
        %dma_start3A_63 = arith.constant 0 : i32
        %dma_start3A_64 = tpu.memref_slice %arg8[%mul3A_59, %dma_start3A_63] : memref<10000x128xf32, #tpu.memory_space<vmem_shared>> -> memref<40x128xf32, #tpu.memory_space<vmem_shared>>
        tpu.enqueue_dma source(%arg6 : memref<40x128xf32, #tpu.memory_space<vmem>>) target(%dma_start3A_64 : memref<40x128xf32, #tpu.memory_space<vmem_shared>>) target_semaphore(%run_scoped3A_60 : memref<!tpu.dma_semaphore, #tpu.memory_space<semaphore_mem>>)
        %dma_wait3A_65 = arith.constant 0 : i32
        %dma_wait3A_66 = tpu.memref_slice %arg8[%mul3A_59, %dma_wait3A_65] : memref<10000x128xf32, #tpu.memory_space<vmem_shared>> -> memref<40x128xf32, #tpu.memory_space<vmem_shared>>
        %dma_wait3A_67 = arith.constant 0 : i32
        %dma_wait3A_68 = tpu.memref_slice %arg8[%mul3A_59, %dma_wait3A_67] : memref<10000x128xf32, #tpu.memory_space<vmem_shared>> -> memref<40x128xf32, #tpu.memory_space<vmem_shared>>
        tpu.wait_dma2 semaphore(%run_scoped3A_60 : memref<!tpu.dma_semaphore, #tpu.memory_space<semaphore_mem>>) src(%arg6 : memref<40x128xf32, #tpu.memory_space<vmem>>) dst(%dma_wait3A_68 : memref<40x128xf32, #tpu.memory_space<vmem_shared>>)
        tpu.yield
      }) : () -> ()
    }
    %barrier3A = arith.constant 0 : index
    tpu.barrier barrier_id(%barrier3A)
    "tpu.region"() ({
      %run_scoped3A_55 = tpu.sem_alloc : memref<!tpu.dma_semaphore, #tpu.memory_space<semaphore_mem>>
      %dma_start3A_56 = arith.constant 0 : i32
      %dma_start3A_57 = arith.constant 0 : i32
      %dma_start3A_58 = tpu.memref_slice %arg3[%arg1, %dma_start3A_56, %dma_start3A_57] : memref<16x125x40xi32, #tpu.memory_space<hbm>> -> memref<1x125x40xi32, #tpu.memory_space<hbm>>
      %dma_start3A_59 = tpu.memref_squeeze %dma_start3A_58 : memref<1x125x40xi32, #tpu.memory_space<hbm>> -> memref<125x40xi32, #tpu.memory_space<hbm>>
      %dma_start3A_60 = arith.constant 0 : i32
      %dma_start3A_61 = arith.constant 0 : i32
      %dma_start3A_62 = tpu.memref_slice %arg3[%arg1, %dma_start3A_60, %dma_start3A_61] : memref<16x125x40xi32, #tpu.memory_space<hbm>> -> memref<1x125x40xi32, #tpu.memory_space<hbm>>
      %dma_start3A_63 = tpu.memref_squeeze %dma_start3A_62 : memref<1x125x40xi32, #tpu.memory_space<hbm>> -> memref<125x40xi32, #tpu.memory_space<hbm>>
      tpu.enqueue_dma source(%dma_start3A_63 : memref<125x40xi32, #tpu.memory_space<hbm>>) target(%arg5 : memref<125x40xi32, #tpu.memory_space<vmem>>) target_semaphore(%run_scoped3A_55 : memref<!tpu.dma_semaphore, #tpu.memory_space<semaphore_mem>>)
      %dma_wait3A_64 = arith.constant 0 : i32
      %dma_wait3A_65 = arith.constant 0 : i32
      %dma_wait3A_66 = tpu.memref_slice %arg3[%arg1, %dma_wait3A_64, %dma_wait3A_65] : memref<16x125x40xi32, #tpu.memory_space<hbm>> -> memref<1x125x40xi32, #tpu.memory_space<hbm>>
      %dma_wait3A_67 = tpu.memref_squeeze %dma_wait3A_66 : memref<1x125x40xi32, #tpu.memory_space<hbm>> -> memref<125x40xi32, #tpu.memory_space<hbm>>
      %dma_wait3A_68 = arith.constant 0 : i32
      %dma_wait3A_69 = arith.constant 0 : i32
      %dma_wait3A_70 = tpu.memref_slice %arg3[%arg1, %dma_wait3A_68, %dma_wait3A_69] : memref<16x125x40xi32, #tpu.memory_space<hbm>> -> memref<1x125x40xi32, #tpu.memory_space<hbm>>
      %dma_wait3A_71 = tpu.memref_squeeze %dma_wait3A_70 : memref<1x125x40xi32, #tpu.memory_space<hbm>> -> memref<125x40xi32, #tpu.memory_space<hbm>>
      tpu.wait_dma2 semaphore(%run_scoped3A_55 : memref<!tpu.dma_semaphore, #tpu.memory_space<semaphore_mem>>) src(%dma_wait3A_71 : memref<125x40xi32, #tpu.memory_space<hbm>>) dst(%arg5 : memref<125x40xi32, #tpu.memory_space<vmem>>)
      tpu.yield
    }) : () -> ()
    %mul3A_19 = arith.constant 5000 : i32
    %mul3A_20 = arith.muli %arg1, %mul3A_19 : i32
    %add3A_21 = arith.constant 0 : i32
    %add3A_22 = arith.addi %mul3A_20, %add3A_21 : i32
    %dma_start3A = tpu.memref_slice %arg2[%add3A_22, %mul3A_0] : memref<80000x256xf32, #tpu.memory_space<hbm>> -> memref<40x128xf32, #tpu.memory_space<hbm>>
    %dma_start3A_23 = tpu.memref_slice %arg2[%add3A_22, %mul3A_0] : memref<80000x256xf32, #tpu.memory_space<hbm>> -> memref<40x128xf32, #tpu.memory_space<hbm>>
    tpu.enqueue_dma source(%dma_start3A_23 : memref<40x128xf32, #tpu.memory_space<hbm>>) target(%arg6 : memref<40x128xf32, #tpu.memory_space<vmem>>) target_semaphore(%arg9 : memref<!tpu.dma_semaphore, #tpu.memory_space<semaphore_mem>>)
    %add3A_24 = arith.constant 40 : i32
    %add3A_25 = arith.addi %mul3A_20, %add3A_24 : i32
    %dma_start3A_26 = tpu.memref_slice %arg2[%add3A_25, %mul3A_0] : memref<80000x256xf32, #tpu.memory_space<hbm>> -> memref<40x128xf32, #tpu.memory_space<hbm>>
    %dma_start3A_27 = tpu.memref_slice %arg2[%add3A_25, %mul3A_0] : memref<80000x256xf32, #tpu.memory_space<hbm>> -> memref<40x128xf32, #tpu.memory_space<hbm>>
    tpu.enqueue_dma source(%dma_start3A_27 : memref<40x128xf32, #tpu.memory_space<hbm>>) target(%arg7 : memref<40x128xf32, #tpu.memory_space<vmem>>) target_semaphore(%arg10 : memref<!tpu.dma_semaphore, #tpu.memory_space<semaphore_mem>>)
    %scan3A_28 = arith.constant 0 : i32
    %scan3A_29 = arith.constant 62 : i32
    %scan3A_30 = arith.addi %scan3A_28, %scan3A_29 : i32
    %scan3A_31 = arith.constant 1 : i32
    scf.for %scan3A_55 = %scan3A_28 to %scan3A_30 step %scan3A_31  : i32 {
      %mul3A_56 = arith.constant 2 : i32
      %mul3A_57 = arith.muli %scan3A_55, %mul3A_56 : i32
      %add3A_58 = arith.constant 0 : i32
      %add3A_59 = arith.addi %add3A_58, %mul3A_57 : i32
      %mul3A_60 = arith.constant 40 : i32
      %mul3A_61 = arith.muli %add3A_59, %mul3A_60 : i32
      %add3A_62 = arith.addi %mul3A_20, %mul3A_61 : i32
      %dma_wait3A_63 = tpu.memref_slice %arg2[%add3A_62, %mul3A_0] : memref<80000x256xf32, #tpu.memory_space<hbm>> -> memref<40x128xf32, #tpu.memory_space<hbm>>
      %dma_wait3A_64 = tpu.memref_slice %arg2[%add3A_62, %mul3A_0] : memref<80000x256xf32, #tpu.memory_space<hbm>> -> memref<40x128xf32, #tpu.memory_space<hbm>>
      tpu.wait_dma2 semaphore(%arg9 : memref<!tpu.dma_semaphore, #tpu.memory_space<semaphore_mem>>) src(%dma_wait3A_64 : memref<40x128xf32, #tpu.memory_space<hbm>>) dst(%arg6 : memref<40x128xf32, #tpu.memory_space<vmem>>)
      "tpu.region"() ({
        %run_scoped3A_85 = tpu.sem_alloc : memref<!tpu.dma_semaphore, #tpu.memory_space<semaphore_mem>>
        %dma_start3A_86 = arith.constant 0 : i32
        %dma_start3A_87 = tpu.memref_slice %arg5[%add3A_59, %dma_start3A_86] : memref<125x40xi32, #tpu.memory_space<vmem>> -> memref<1x40xi32, #tpu.memory_space<vmem>>
        %dma_start3A_88 = tpu.memref_squeeze %dma_start3A_87 : memref<1x40xi32, #tpu.memory_space<vmem>> -> memref<40xi32, #tpu.memory_space<vmem>>
        %dma_start3A_89 = arith.constant 0 : i32
        %dma_start3A_90 = arith.constant 0 : i32
        %dma_start3A_91 = tpu.memref_slice %arg8[%dma_start3A_89, %dma_start3A_90] : memref<10000x128xf32, #tpu.memory_space<vmem_shared>> -> memref<10000x128xf32, #tpu.memory_space<vmem_shared>>
        tpu.enqueue_indirect_dma source(%arg6 : memref<40x128xf32, #tpu.memory_space<vmem>>) target(%dma_start3A_91 : memref<10000x128xf32, #tpu.memory_space<vmem_shared>>) offsets(%dma_start3A_88 : memref<40xi32, #tpu.memory_space<vmem>>) semaphore(%run_scoped3A_85 : memref<!tpu.dma_semaphore, #tpu.memory_space<semaphore_mem>>) {add = true}
        %dma_wait3A_92 = arith.constant 0 : i32
        %dma_wait3A_93 = tpu.memref_slice %arg5[%add3A_59, %dma_wait3A_92] : memref<125x40xi32, #tpu.memory_space<vmem>> -> memref<1x40xi32, #tpu.memory_space<vmem>>
        %dma_wait3A_94 = tpu.memref_squeeze %dma_wait3A_93 : memref<1x40xi32, #tpu.memory_space<vmem>> -> memref<40xi32, #tpu.memory_space<vmem>>
        %dma_wait3A_95 = arith.constant 0 : i32
        %dma_wait3A_96 = arith.constant 0 : i32
        %dma_wait3A_97 = tpu.memref_slice %arg8[%dma_wait3A_95, %dma_wait3A_96] : memref<10000x128xf32, #tpu.memory_space<vmem_shared>> -> memref<10000x128xf32, #tpu.memory_space<vmem_shared>>
        tpu.wait_indirect_dma semaphore(%run_scoped3A_85 : memref<!tpu.dma_semaphore, #tpu.memory_space<semaphore_mem>>) src(%arg6 : memref<40x128xf32, #tpu.memory_space<vmem>>) dst(%dma_wait3A_97 : memref<10000x128xf32, #tpu.memory_space<vmem_shared>>)
        tpu.yield
      }) : () -> ()
      %add3A_65 = arith.constant 2 : i32
      %add3A_66 = arith.addi %add3A_59, %add3A_65 : i32
      %mul3A_67 = arith.constant 40 : i32
      %mul3A_68 = arith.muli %add3A_66, %mul3A_67 : i32
      %add3A_69 = arith.addi %mul3A_20, %mul3A_68 : i32
      %dma_start3A_70 = tpu.memref_slice %arg2[%add3A_69, %mul3A_0] : memref<80000x256xf32, #tpu.memory_space<hbm>> -> memref<40x128xf32, #tpu.memory_space<hbm>>
      %dma_start3A_71 = tpu.memref_slice %arg2[%add3A_69, %mul3A_0] : memref<80000x256xf32, #tpu.memory_space<hbm>> -> memref<40x128xf32, #tpu.memory_space<hbm>>
      tpu.enqueue_dma source(%dma_start3A_71 : memref<40x128xf32, #tpu.memory_space<hbm>>) target(%arg6 : memref<40x128xf32, #tpu.memory_space<vmem>>) target_semaphore(%arg9 : memref<!tpu.dma_semaphore, #tpu.memory_space<semaphore_mem>>)
      %add3A_72 = arith.constant 1 : i32
      %add3A_73 = arith.addi %add3A_59, %add3A_72 : i32
      %mul3A_74 = arith.constant 40 : i32
      %mul3A_75 = arith.muli %add3A_73, %mul3A_74 : i32
      %add3A_76 = arith.addi %mul3A_20, %mul3A_75 : i32
      %dma_wait3A_77 = tpu.memref_slice %arg2[%add3A_76, %mul3A_0] : memref<80000x256xf32, #tpu.memory_space<hbm>> -> memref<40x128xf32, #tpu.memory_space<hbm>>
      %dma_wait3A_78 = tpu.memref_slice %arg2[%add3A_76, %mul3A_0] : memref<80000x256xf32, #tpu.memory_space<hbm>> -> memref<40x128xf32, #tpu.memory_space<hbm>>
      tpu.wait_dma2 semaphore(%arg10 : memref<!tpu.dma_semaphore, #tpu.memory_space<semaphore_mem>>) src(%dma_wait3A_78 : memref<40x128xf32, #tpu.memory_space<hbm>>) dst(%arg7 : memref<40x128xf32, #tpu.memory_space<vmem>>)
      %add3A_79 = arith.constant 1 : i32
      %add3A_80 = arith.addi %add3A_59, %add3A_79 : i32
      "tpu.region"() ({
        %run_scoped3A_85 = tpu.sem_alloc : memref<!tpu.dma_semaphore, #tpu.memory_space<semaphore_mem>>
        %dma_start3A_86 = arith.constant 0 : i32
        %dma_start3A_87 = tpu.memref_slice %arg5[%add3A_80, %dma_start3A_86] : memref<125x40xi32, #tpu.memory_space<vmem>> -> memref<1x40xi32, #tpu.memory_space<vmem>>
        %dma_start3A_88 = tpu.memref_squeeze %dma_start3A_87 : memref<1x40xi32, #tpu.memory_space<vmem>> -> memref<40xi32, #tpu.memory_space<vmem>>
        %dma_start3A_89 = arith.constant 0 : i32
        %dma_start3A_90 = arith.constant 0 : i32
        %dma_start3A_91 = tpu.memref_slice %arg8[%dma_start3A_89, %dma_start3A_90] : memref<10000x128xf32, #tpu.memory_space<vmem_shared>> -> memref<10000x128xf32, #tpu.memory_space<vmem_shared>>
        tpu.enqueue_indirect_dma source(%arg7 : memref<40x128xf32, #tpu.memory_space<vmem>>) target(%dma_start3A_91 : memref<10000x128xf32, #tpu.memory_space<vmem_shared>>) offsets(%dma_start3A_88 : memref<40xi32, #tpu.memory_space<vmem>>) semaphore(%run_scoped3A_85 : memref<!tpu.dma_semaphore, #tpu.memory_space<semaphore_mem>>) {add = true}
        %dma_wait3A_92 = arith.constant 0 : i32
        %dma_wait3A_93 = tpu.memref_slice %arg5[%add3A_80, %dma_wait3A_92] : memref<125x40xi32, #tpu.memory_space<vmem>> -> memref<1x40xi32, #tpu.memory_space<vmem>>
        %dma_wait3A_94 = tpu.memref_squeeze %dma_wait3A_93 : memref<1x40xi32, #tpu.memory_space<vmem>> -> memref<40xi32, #tpu.memory_space<vmem>>
        %dma_wait3A_95 = arith.constant 0 : i32
        %dma_wait3A_96 = arith.constant 0 : i32
        %dma_wait3A_97 = tpu.memref_slice %arg8[%dma_wait3A_95, %dma_wait3A_96] : memref<10000x128xf32, #tpu.memory_space<vmem_shared>> -> memref<10000x128xf32, #tpu.memory_space<vmem_shared>>
        tpu.wait_indirect_dma semaphore(%run_scoped3A_85 : memref<!tpu.dma_semaphore, #tpu.memory_space<semaphore_mem>>) src(%arg7 : memref<40x128xf32, #tpu.memory_space<vmem>>) dst(%dma_wait3A_97 : memref<10000x128xf32, #tpu.memory_space<vmem_shared>>)
        tpu.yield
      }) : () -> ()
      %add3A_81 = arith.constant 3 : i32
      %add3A_82 = arith.addi %add3A_59, %add3A_81 : i32
      %lt3A = arith.constant 125 : i32
      %lt3A_83 = arith.cmpi slt, %add3A_82, %lt3A : i32
      %convert_element_type3A = arith.extui %lt3A_83 : i1 to i32
      %cond3A = arith.constant 0 : i32
      %cond3A_84 = arith.cmpi ne, %convert_element_type3A, %cond3A : i32
      scf.if %cond3A_84 {
        %add3A_85 = arith.constant 3 : i32
        %add3A_86 = arith.addi %add3A_59, %add3A_85 : i32
        %mul3A_87 = arith.constant 40 : i32
        %mul3A_88 = arith.muli %add3A_86, %mul3A_87 : i32
        %add3A_89 = arith.addi %mul3A_20, %mul3A_88 : i32
        %dma_start3A_90 = tpu.memref_slice %arg2[%add3A_89, %mul3A_0] : memref<80000x256xf32, #tpu.memory_space<hbm>> -> memref<40x128xf32, #tpu.memory_space<hbm>>
        %dma_start3A_91 = tpu.memref_slice %arg2[%add3A_89, %mul3A_0] : memref<80000x256xf32, #tpu.memory_space<hbm>> -> memref<40x128xf32, #tpu.memory_space<hbm>>
        tpu.enqueue_dma source(%dma_start3A_91 : memref<40x128xf32, #tpu.memory_space<hbm>>) target(%arg7 : memref<40x128xf32, #tpu.memory_space<vmem>>) target_semaphore(%arg10 : memref<!tpu.dma_semaphore, #tpu.memory_space<semaphore_mem>>)
      } else {
      }
    }
    %scan3A_32 = arith.constant 62 : i32
    %add3A_33 = arith.constant 4960 : i32
    %add3A_34 = arith.addi %mul3A_20, %add3A_33 : i32
    %dma_wait3A = tpu.memref_slice %arg2[%add3A_34, %mul3A_0] : memref<80000x256xf32, #tpu.memory_space<hbm>> -> memref<40x128xf32, #tpu.memory_space<hbm>>
    %dma_wait3A_35 = tpu.memref_slice %arg2[%add3A_34, %mul3A_0] : memref<80000x256xf32, #tpu.memory_space<hbm>> -> memref<40x128xf32, #tpu.memory_space<hbm>>
    tpu.wait_dma2 semaphore(%arg9 : memref<!tpu.dma_semaphore, #tpu.memory_space<semaphore_mem>>) src(%dma_wait3A_35 : memref<40x128xf32, #tpu.memory_space<hbm>>) dst(%arg6 : memref<40x128xf32, #tpu.memory_space<vmem>>)
    %run_scoped3A = arith.constant 124 : i32
    "tpu.region"() ({
      %run_scoped3A_55 = tpu.sem_alloc : memref<!tpu.dma_semaphore, #tpu.memory_space<semaphore_mem>>
      %dma_start3A_56 = arith.constant 0 : i32
      %dma_start3A_57 = tpu.memref_slice %arg5[%run_scoped3A, %dma_start3A_56] : memref<125x40xi32, #tpu.memory_space<vmem>> -> memref<1x40xi32, #tpu.memory_space<vmem>>
      %dma_start3A_58 = tpu.memref_squeeze %dma_start3A_57 : memref<1x40xi32, #tpu.memory_space<vmem>> -> memref<40xi32, #tpu.memory_space<vmem>>
      %dma_start3A_59 = arith.constant 0 : i32
      %dma_start3A_60 = arith.constant 0 : i32
      %dma_start3A_61 = tpu.memref_slice %arg8[%dma_start3A_59, %dma_start3A_60] : memref<10000x128xf32, #tpu.memory_space<vmem_shared>> -> memref<10000x128xf32, #tpu.memory_space<vmem_shared>>
      tpu.enqueue_indirect_dma source(%arg6 : memref<40x128xf32, #tpu.memory_space<vmem>>) target(%dma_start3A_61 : memref<10000x128xf32, #tpu.memory_space<vmem_shared>>) offsets(%dma_start3A_58 : memref<40xi32, #tpu.memory_space<vmem>>) semaphore(%run_scoped3A_55 : memref<!tpu.dma_semaphore, #tpu.memory_space<semaphore_mem>>) {add = true}
      %dma_wait3A_62 = arith.constant 0 : i32
      %dma_wait3A_63 = tpu.memref_slice %arg5[%run_scoped3A, %dma_wait3A_62] : memref<125x40xi32, #tpu.memory_space<vmem>> -> memref<1x40xi32, #tpu.memory_space<vmem>>
      %dma_wait3A_64 = tpu.memref_squeeze %dma_wait3A_63 : memref<1x40xi32, #tpu.memory_space<vmem>> -> memref<40xi32, #tpu.memory_space<vmem>>
      %dma_wait3A_65 = arith.constant 0 : i32
      %dma_wait3A_66 = arith.constant 0 : i32
      %dma_wait3A_67 = tpu.memref_slice %arg8[%dma_wait3A_65, %dma_wait3A_66] : memref<10000x128xf32, #tpu.memory_space<vmem_shared>> -> memref<10000x128xf32, #tpu.memory_space<vmem_shared>>
      tpu.wait_indirect_dma semaphore(%run_scoped3A_55 : memref<!tpu.dma_semaphore, #tpu.memory_space<semaphore_mem>>) src(%arg6 : memref<40x128xf32, #tpu.memory_space<vmem>>) dst(%dma_wait3A_67 : memref<10000x128xf32, #tpu.memory_space<vmem_shared>>)
      tpu.yield
    }) : () -> ()
    %barrier3A_36 = arith.constant 0 : index
    tpu.barrier barrier_id(%barrier3A_36)
    %sub3A_37 = arith.constant 250 : i32
    %sub3A_38 = arith.subi %sub3A_37, %arg1 : i32
    %sub3A_39 = arith.constant 16 : i32
    %sub3A_40 = arith.constant 1 : i32
    %sub3A_41 = arith.subi %sub3A_39, %sub3A_40 : i32
    %add3A_42 = arith.addi %sub3A_38, %sub3A_41 : i32
    %div3A_43 = arith.constant 16 : i32
    %div3A_44 = arith.divsi %add3A_42, %div3A_43 : i32
    %while3A_45 = arith.constant 16 : i32
    %while3A_46 = arith.constant 0 : i32
    %while3A_47 = arith.subi %div3A_44, %while3A_46 : i32
    %while3A_48 = arith.addi %while3A_46, %while3A_47 : i32
    %while3A_49 = arith.constant 1 : i32
    %while3A_50 = arith.divsi %while3A_47, %while3A_49 : i32
    %while3A_51 = arith.muli %while3A_50, %while3A_49 : i32
    %while3A_52 = arith.addi %while3A_46, %while3A_51 : i32
    %while3A_53 = arith.constant 1 : i32
    scf.for %while3A_55 = %while3A_46 to %while3A_52 step %while3A_53  : i32 {
      %mul3A_56 = arith.muli %while3A_55, %while3A_45 : i32
      %add3A_57 = arith.addi %arg1, %mul3A_56 : i32
      %mul3A_58 = arith.constant 40 : i32
      %mul3A_59 = arith.muli %add3A_57, %mul3A_58 : i32
      %mul3A_60 = arith.constant 40 : i32
      %mul3A_61 = arith.muli %add3A_57, %mul3A_60 : i32
      "tpu.region"() ({
        %run_scoped3A_62 = tpu.sem_alloc : memref<!tpu.dma_semaphore, #tpu.memory_space<semaphore_mem>>
        %dma_start3A_63 = tpu.memref_slice %arg4[%mul3A_61, %mul3A_0] : memref<10000x256xf32, #tpu.memory_space<hbm>> -> memref<40x128xf32, #tpu.memory_space<hbm>>
        %dma_start3A_64 = arith.constant 0 : i32
        %dma_start3A_65 = tpu.memref_slice %arg8[%mul3A_59, %dma_start3A_64] : memref<10000x128xf32, #tpu.memory_space<vmem_shared>> -> memref<40x128xf32, #tpu.memory_space<vmem_shared>>
        tpu.enqueue_dma source(%dma_start3A_65 : memref<40x128xf32, #tpu.memory_space<vmem_shared>>) target(%dma_start3A_63 : memref<40x128xf32, #tpu.memory_space<hbm>>) target_semaphore(%run_scoped3A_62 : memref<!tpu.dma_semaphore, #tpu.memory_space<semaphore_mem>>)
        %dma_wait3A_66 = tpu.memref_slice %arg4[%mul3A_61, %mul3A_0] : memref<10000x256xf32, #tpu.memory_space<hbm>> -> memref<40x128xf32, #tpu.memory_space<hbm>>
        %dma_wait3A_67 = arith.constant 0 : i32
        %dma_wait3A_68 = tpu.memref_slice %arg8[%mul3A_59, %dma_wait3A_67] : memref<10000x128xf32, #tpu.memory_space<vmem_shared>> -> memref<40x128xf32, #tpu.memory_space<vmem_shared>>
        tpu.wait_dma2 semaphore(%run_scoped3A_62 : memref<!tpu.dma_semaphore, #tpu.memory_space<semaphore_mem>>) src(%dma_wait3A_68 : memref<40x128xf32, #tpu.memory_space<vmem_shared>>) dst(%dma_wait3A_66 : memref<40x128xf32, #tpu.memory_space<hbm>>)
        tpu.yield
      }) : () -> ()
    }
    %while3A_54 = arith.constant 1 : i32
    scf.for %while3A_55 = %while3A_52 to %while3A_48 step %while3A_54  : i32 {
      %mul3A_56 = arith.muli %while3A_55, %while3A_45 : i32
      %add3A_57 = arith.addi %arg1, %mul3A_56 : i32
      %mul3A_58 = arith.constant 40 : i32
      %mul3A_59 = arith.muli %add3A_57, %mul3A_58 : i32
      %mul3A_60 = arith.constant 40 : i32
      %mul3A_61 = arith.muli %add3A_57, %mul3A_60 : i32
      "tpu.region"() ({
        %run_scoped3A_62 = tpu.sem_alloc : memref<!tpu.dma_semaphore, #tpu.memory_space<semaphore_mem>>
        %dma_start3A_63 = tpu.memref_slice %arg4[%mul3A_61, %mul3A_0] : memref<10000x256xf32, #tpu.memory_space<hbm>> -> memref<40x128xf32, #tpu.memory_space<hbm>>
        %dma_start3A_64 = arith.constant 0 : i32
        %dma_start3A_65 = tpu.memref_slice %arg8[%mul3A_59, %dma_start3A_64] : memref<10000x128xf32, #tpu.memory_space<vmem_shared>> -> memref<40x128xf32, #tpu.memory_space<vmem_shared>>
        tpu.enqueue_dma source(%dma_start3A_65 : memref<40x128xf32, #tpu.memory_space<vmem_shared>>) target(%dma_start3A_63 : memref<40x128xf32, #tpu.memory_space<hbm>>) target_semaphore(%run_scoped3A_62 : memref<!tpu.dma_semaphore, #tpu.memory_space<semaphore_mem>>)
        %dma_wait3A_66 = tpu.memref_slice %arg4[%mul3A_61, %mul3A_0] : memref<10000x256xf32, #tpu.memory_space<hbm>> -> memref<40x128xf32, #tpu.memory_space<hbm>>
        %dma_wait3A_67 = arith.constant 0 : i32
        %dma_wait3A_68 = tpu.memref_slice %arg8[%mul3A_59, %dma_wait3A_67] : memref<10000x128xf32, #tpu.memory_space<vmem_shared>> -> memref<40x128xf32, #tpu.memory_space<vmem_shared>>
        tpu.wait_dma2 semaphore(%run_scoped3A_62 : memref<!tpu.dma_semaphore, #tpu.memory_space<semaphore_mem>>) src(%dma_wait3A_68 : memref<40x128xf32, #tpu.memory_space<vmem_shared>>) dst(%dma_wait3A_66 : memref<40x128xf32, #tpu.memory_space<hbm>>)
        tpu.yield
      }) : () -> ()
    }
    return
  }
}

#map = affine_map<(d0, d1) -> (0, 0)>
#map1 = affine_map<(d0, d1) -> (0)>
module attributes {stable_mosaic.version = 14 : i64} {
  func.func @k(%arg0: i32, %arg1: i32, %arg2: memref<10000x128xi32, #tpu.memory_space<hbm>>, %arg3: memref<10000x128xi32, #tpu.memory_space<hbm>>, %arg4: memref<80008xi32, #tpu.memory_space<hbm>>, %arg5: memref<80008xi32, #tpu.memory_space<hbm>>, %arg6: memref<80000x128xi32, #tpu.memory_space<hbm>>, %arg7: memref<80000x128xi32, #tpu.memory_space<hbm>>, %arg8: memref<2504xi32, #tpu.memory_space<vmem>>, %arg9: memref<2504xi32, #tpu.memory_space<vmem>>, %arg10: memref<128x128xi32, #tpu.memory_space<vmem>>, %arg11: memref<128x128xi32, #tpu.memory_space<vmem>>, %arg12: memref<128x128xi32, #tpu.memory_space<vmem>>, %arg13: memref<128x128xi32, #tpu.memory_space<vmem>>, %arg14: memref<!tpu.dma_semaphore, #tpu.memory_space<semaphore_mem>>, %arg15: memref<!tpu.dma_semaphore, #tpu.memory_space<semaphore_mem>>, %arg16: memref<!tpu.dma_semaphore, #tpu.memory_space<semaphore_mem>>, %arg17: memref<!tpu.dma_semaphore, #tpu.memory_space<semaphore_mem>>) attributes {dimension_semantics = [#tpu.dimension_semantics<core_parallel>, #tpu.dimension_semantics<subcore_parallel>], iteration_bounds = array<i64: 2, 16>, scalar_prefetch = 0 : i64, scratch_operands = 10 : i64, tpu.core_type = #tpu.core_type<sc_vector_subcore>, window_params = [{transform_indices = #map}, {transform_indices = #map}, {transform_indices = #map1}, {transform_indices = #map1}, {transform_indices = #map}, {transform_indices = #map}]} {
    %mul3A = arith.constant 2 : i32
    %mul3A_0 = arith.muli %arg1, %mul3A : i32
    %add3A = arith.addi %mul3A_0, %arg0 : i32
    %jit3A = arith.constant 2 : i32
    %eq3A = arith.constant 0 : i32
    %eq3A_1 = arith.cmpi eq, %jit3A, %eq3A : i32
    %jit3A_2 = arith.constant 1 : i32
    %select_n3A = arith.select %eq3A_1, %jit3A_2, %jit3A : i32
    %rem3A = arith.remsi %add3A, %select_n3A : i32
    %ne3A = arith.constant 0 : i32
    %ne3A_3 = arith.cmpi ne, %rem3A, %ne3A : i32
    %lt3A = arith.constant 0 : i32
    %lt3A_4 = arith.cmpi slt, %rem3A, %lt3A : i32
    %lt3A_5 = arith.constant 0 : i32
    %lt3A_6 = arith.cmpi slt, %select_n3A, %lt3A_5 : i32
    %ne3A_7 = arith.xori %lt3A_4, %lt3A_6 : i1
    %and3A = arith.andi %ne3A_7, %ne3A_3 : i1
    %add3A_8 = arith.addi %rem3A, %select_n3A : i32
    %select_n3A_9 = arith.select %and3A, %add3A_8, %rem3A : i32
    %jit3A_10 = arith.constant 2 : i32
    %div3A = arith.divsi %add3A, %jit3A_10 : i32
    %sign3A = arith.constant 0 : i32
    %sign3A_11 = arith.cmpi sgt, %add3A, %sign3A : i32
    %sign3A_12 = arith.extui %sign3A_11 : i1 to i32
    %sign3A_13 = arith.constant 0 : i32
    %sign3A_14 = arith.cmpi slt, %add3A, %sign3A_13 : i32
    %sign3A_15 = arith.extui %sign3A_14 : i1 to i32
    %sign3A_16 = arith.subi %sign3A_12, %sign3A_15 : i32
    %sign3A_17 = arith.constant 0 : i32
    %sign3A_18 = arith.cmpi sgt, %jit3A_10, %sign3A_17 : i32
    %sign3A_19 = arith.extui %sign3A_18 : i1 to i32
    %sign3A_20 = arith.constant 0 : i32
    %sign3A_21 = arith.cmpi slt, %jit3A_10, %sign3A_20 : i32
    %sign3A_22 = arith.extui %sign3A_21 : i1 to i32
    %sign3A_23 = arith.subi %sign3A_19, %sign3A_22 : i32
    %ne3A_24 = arith.cmpi ne, %sign3A_16, %sign3A_23 : i32
    %rem3A_25 = arith.remsi %add3A, %jit3A_10 : i32
    %ne3A_26 = arith.constant 0 : i32
    %ne3A_27 = arith.cmpi ne, %rem3A_25, %ne3A_26 : i32
    %and3A_28 = arith.andi %ne3A_24, %ne3A_27 : i1
    %sub3A = arith.constant 1 : i32
    %sub3A_29 = arith.subi %div3A, %sub3A : i32
    %select_n3A_30 = arith.select %and3A_28, %sub3A_29, %div3A : i32
    %mul3A_31 = arith.constant 5000 : i32
    %mul3A_32 = arith.muli %select_n3A_30, %mul3A_31 : i32
    %mul3A_33 = arith.constant 2504 : i32
    %mul3A_34 = arith.muli %select_n3A_9, %mul3A_33 : i32
    %add3A_35 = arith.addi %mul3A_32, %mul3A_34 : i32
    %mul3A_36 = arith.constant 8 : i32
    %mul3A_37 = arith.muli %select_n3A_9, %mul3A_36 : i32
    %sub3A_38 = arith.constant 2504 : i32
    %sub3A_39 = arith.subi %sub3A_38, %mul3A_37 : i32
    "tpu.region"() ({
      %run_scoped3A = tpu.sem_alloc : memref<!tpu.dma_semaphore, #tpu.memory_space<semaphore_mem>>
      %dma_start3A_89 = tpu.memref_slice %arg4[%add3A_35] : memref<80008xi32, #tpu.memory_space<hbm>> -> memref<2504xi32, #tpu.memory_space<hbm>>
      %dma_start3A_90 = tpu.memref_slice %arg4[%add3A_35] : memref<80008xi32, #tpu.memory_space<hbm>> -> memref<2504xi32, #tpu.memory_space<hbm>>
      tpu.enqueue_dma source(%dma_start3A_90 : memref<2504xi32, #tpu.memory_space<hbm>>) target(%arg8 : memref<2504xi32, #tpu.memory_space<vmem>>) target_semaphore(%run_scoped3A : memref<!tpu.dma_semaphore, #tpu.memory_space<semaphore_mem>>)
      %dma_wait3A_91 = tpu.memref_slice %arg4[%add3A_35] : memref<80008xi32, #tpu.memory_space<hbm>> -> memref<2504xi32, #tpu.memory_space<hbm>>
      %dma_wait3A_92 = tpu.memref_slice %arg4[%add3A_35] : memref<80008xi32, #tpu.memory_space<hbm>> -> memref<2504xi32, #tpu.memory_space<hbm>>
      tpu.wait_dma2 semaphore(%run_scoped3A : memref<!tpu.dma_semaphore, #tpu.memory_space<semaphore_mem>>) src(%dma_wait3A_92 : memref<2504xi32, #tpu.memory_space<hbm>>) dst(%arg8 : memref<2504xi32, #tpu.memory_space<vmem>>)
      tpu.yield
    }) : () -> ()
    "tpu.region"() ({
      %run_scoped3A = tpu.sem_alloc : memref<!tpu.dma_semaphore, #tpu.memory_space<semaphore_mem>>
      %dma_start3A_89 = tpu.memref_slice %arg5[%add3A_35] : memref<80008xi32, #tpu.memory_space<hbm>> -> memref<2504xi32, #tpu.memory_space<hbm>>
      %dma_start3A_90 = tpu.memref_slice %arg5[%add3A_35] : memref<80008xi32, #tpu.memory_space<hbm>> -> memref<2504xi32, #tpu.memory_space<hbm>>
      tpu.enqueue_dma source(%dma_start3A_90 : memref<2504xi32, #tpu.memory_space<hbm>>) target(%arg9 : memref<2504xi32, #tpu.memory_space<vmem>>) target_semaphore(%run_scoped3A : memref<!tpu.dma_semaphore, #tpu.memory_space<semaphore_mem>>)
      %dma_wait3A_91 = tpu.memref_slice %arg5[%add3A_35] : memref<80008xi32, #tpu.memory_space<hbm>> -> memref<2504xi32, #tpu.memory_space<hbm>>
      %dma_wait3A_92 = tpu.memref_slice %arg5[%add3A_35] : memref<80008xi32, #tpu.memory_space<hbm>> -> memref<2504xi32, #tpu.memory_space<hbm>>
      tpu.wait_dma2 semaphore(%run_scoped3A : memref<!tpu.dma_semaphore, #tpu.memory_space<semaphore_mem>>) src(%dma_wait3A_92 : memref<2504xi32, #tpu.memory_space<hbm>>) dst(%arg9 : memref<2504xi32, #tpu.memory_space<vmem>>)
      tpu.yield
    }) : () -> ()
    %dma_start3A = arith.constant 0 : i32
    %dma_start3A_40 = tpu.memref_slice %arg8[%dma_start3A] : memref<2504xi32, #tpu.memory_space<vmem>> -> memref<128xi32, #tpu.memory_space<vmem>>
    %dma_start3A_41 = arith.constant 0 : i32
    %dma_start3A_42 = arith.constant 0 : i32
    %dma_start3A_43 = tpu.memref_slice %arg2[%dma_start3A_41, %dma_start3A_42] : memref<10000x128xi32, #tpu.memory_space<hbm>> -> memref<10000x128xi32, #tpu.memory_space<hbm>>
    tpu.enqueue_indirect_dma source(%dma_start3A_43 : memref<10000x128xi32, #tpu.memory_space<hbm>>) target(%arg10 : memref<128x128xi32, #tpu.memory_space<vmem>>) offsets(%dma_start3A_40 : memref<128xi32, #tpu.memory_space<vmem>>) semaphore(%arg14 : memref<!tpu.dma_semaphore, #tpu.memory_space<semaphore_mem>>)
    %dma_start3A_44 = arith.constant 0 : i32
    %dma_start3A_45 = tpu.memref_slice %arg9[%dma_start3A_44] : memref<2504xi32, #tpu.memory_space<vmem>> -> memref<128xi32, #tpu.memory_space<vmem>>
    %dma_start3A_46 = arith.constant 0 : i32
    %dma_start3A_47 = arith.constant 0 : i32
    %dma_start3A_48 = tpu.memref_slice %arg3[%dma_start3A_46, %dma_start3A_47] : memref<10000x128xi32, #tpu.memory_space<hbm>> -> memref<10000x128xi32, #tpu.memory_space<hbm>>
    tpu.enqueue_indirect_dma source(%dma_start3A_48 : memref<10000x128xi32, #tpu.memory_space<hbm>>) target(%arg11 : memref<128x128xi32, #tpu.memory_space<vmem>>) offsets(%dma_start3A_45 : memref<128xi32, #tpu.memory_space<vmem>>) semaphore(%arg15 : memref<!tpu.dma_semaphore, #tpu.memory_space<semaphore_mem>>)
    %scan3A = arith.constant 0 : i32
    %scan3A_49 = arith.constant 9 : i32
    %scan3A_50 = arith.addi %scan3A, %scan3A_49 : i32
    %scan3A_51 = arith.constant 1 : i32
    scf.for %scan3A_89 = %scan3A to %scan3A_50 step %scan3A_51  : i32 {
      %mul3A_90 = arith.constant 256 : i32
      %mul3A_91 = arith.muli %scan3A_89, %mul3A_90 : i32
      %add3A_92 = arith.constant 0 : i32
      %add3A_93 = arith.addi %add3A_92, %mul3A_91 : i32
      %add3A_94 = arith.constant 128 : i32
      %add3A_95 = arith.addi %add3A_93, %add3A_94 : i32
      %dma_start3A_96 = tpu.memref_slice %arg8[%add3A_95] : memref<2504xi32, #tpu.memory_space<vmem>> -> memref<128xi32, #tpu.memory_space<vmem>>
      %dma_start3A_97 = arith.constant 0 : i32
      %dma_start3A_98 = arith.constant 0 : i32
      %dma_start3A_99 = tpu.memref_slice %arg2[%dma_start3A_97, %dma_start3A_98] : memref<10000x128xi32, #tpu.memory_space<hbm>> -> memref<10000x128xi32, #tpu.memory_space<hbm>>
      tpu.enqueue_indirect_dma source(%dma_start3A_99 : memref<10000x128xi32, #tpu.memory_space<hbm>>) target(%arg12 : memref<128x128xi32, #tpu.memory_space<vmem>>) offsets(%dma_start3A_96 : memref<128xi32, #tpu.memory_space<vmem>>) semaphore(%arg16 : memref<!tpu.dma_semaphore, #tpu.memory_space<semaphore_mem>>)
      %dma_start3A_100 = tpu.memref_slice %arg9[%add3A_95] : memref<2504xi32, #tpu.memory_space<vmem>> -> memref<128xi32, #tpu.memory_space<vmem>>
      %dma_start3A_101 = arith.constant 0 : i32
      %dma_start3A_102 = arith.constant 0 : i32
      %dma_start3A_103 = tpu.memref_slice %arg3[%dma_start3A_101, %dma_start3A_102] : memref<10000x128xi32, #tpu.memory_space<hbm>> -> memref<10000x128xi32, #tpu.memory_space<hbm>>
      tpu.enqueue_indirect_dma source(%dma_start3A_103 : memref<10000x128xi32, #tpu.memory_space<hbm>>) target(%arg13 : memref<128x128xi32, #tpu.memory_space<vmem>>) offsets(%dma_start3A_100 : memref<128xi32, #tpu.memory_space<vmem>>) semaphore(%arg17 : memref<!tpu.dma_semaphore, #tpu.memory_space<semaphore_mem>>)
      %add3A_104 = arith.addi %add3A_35, %add3A_93 : i32
      %dma_wait3A_105 = tpu.memref_slice %arg8[%add3A_93] : memref<2504xi32, #tpu.memory_space<vmem>> -> memref<128xi32, #tpu.memory_space<vmem>>
      %dma_wait3A_106 = arith.constant 0 : i32
      %dma_wait3A_107 = arith.constant 0 : i32
      %dma_wait3A_108 = tpu.memref_slice %arg2[%dma_wait3A_106, %dma_wait3A_107] : memref<10000x128xi32, #tpu.memory_space<hbm>> -> memref<10000x128xi32, #tpu.memory_space<hbm>>
      tpu.wait_indirect_dma semaphore(%arg14 : memref<!tpu.dma_semaphore, #tpu.memory_space<semaphore_mem>>) src(%dma_wait3A_108 : memref<10000x128xi32, #tpu.memory_space<hbm>>) dst(%arg10 : memref<128x128xi32, #tpu.memory_space<vmem>>)
      "tpu.region"() ({
        %run_scoped3A = tpu.sem_alloc : memref<!tpu.dma_semaphore, #tpu.memory_space<semaphore_mem>>
        %dma_start3A_136 = arith.constant 0 : i32
        %dma_start3A_137 = tpu.memref_slice %arg6[%add3A_104, %dma_start3A_136] : memref<80000x128xi32, #tpu.memory_space<hbm>> -> memref<128x128xi32, #tpu.memory_space<hbm>>
        %dma_start3A_138 = arith.constant 0 : i32
        %dma_start3A_139 = tpu.memref_slice %arg6[%add3A_104, %dma_start3A_138] : memref<80000x128xi32, #tpu.memory_space<hbm>> -> memref<128x128xi32, #tpu.memory_space<hbm>>
        tpu.enqueue_dma source(%arg10 : memref<128x128xi32, #tpu.memory_space<vmem>>) target(%dma_start3A_139 : memref<128x128xi32, #tpu.memory_space<hbm>>) target_semaphore(%run_scoped3A : memref<!tpu.dma_semaphore, #tpu.memory_space<semaphore_mem>>)
        %dma_wait3A_140 = arith.constant 0 : i32
        %dma_wait3A_141 = tpu.memref_slice %arg6[%add3A_104, %dma_wait3A_140] : memref<80000x128xi32, #tpu.memory_space<hbm>> -> memref<128x128xi32, #tpu.memory_space<hbm>>
        %dma_wait3A_142 = arith.constant 0 : i32
        %dma_wait3A_143 = tpu.memref_slice %arg6[%add3A_104, %dma_wait3A_142] : memref<80000x128xi32, #tpu.memory_space<hbm>> -> memref<128x128xi32, #tpu.memory_space<hbm>>
        tpu.wait_dma2 semaphore(%run_scoped3A : memref<!tpu.dma_semaphore, #tpu.memory_space<semaphore_mem>>) src(%arg10 : memref<128x128xi32, #tpu.memory_space<vmem>>) dst(%dma_wait3A_143 : memref<128x128xi32, #tpu.memory_space<hbm>>)
        tpu.yield
      }) : () -> ()
      %dma_wait3A_109 = tpu.memref_slice %arg9[%add3A_93] : memref<2504xi32, #tpu.memory_space<vmem>> -> memref<128xi32, #tpu.memory_space<vmem>>
      %dma_wait3A_110 = arith.constant 0 : i32
      %dma_wait3A_111 = arith.constant 0 : i32
      %dma_wait3A_112 = tpu.memref_slice %arg3[%dma_wait3A_110, %dma_wait3A_111] : memref<10000x128xi32, #tpu.memory_space<hbm>> -> memref<10000x128xi32, #tpu.memory_space<hbm>>
      tpu.wait_indirect_dma semaphore(%arg15 : memref<!tpu.dma_semaphore, #tpu.memory_space<semaphore_mem>>) src(%dma_wait3A_112 : memref<10000x128xi32, #tpu.memory_space<hbm>>) dst(%arg11 : memref<128x128xi32, #tpu.memory_space<vmem>>)
      "tpu.region"() ({
        %run_scoped3A = tpu.sem_alloc : memref<!tpu.dma_semaphore, #tpu.memory_space<semaphore_mem>>
        %dma_start3A_136 = arith.constant 0 : i32
        %dma_start3A_137 = tpu.memref_slice %arg7[%add3A_104, %dma_start3A_136] : memref<80000x128xi32, #tpu.memory_space<hbm>> -> memref<128x128xi32, #tpu.memory_space<hbm>>
        %dma_start3A_138 = arith.constant 0 : i32
        %dma_start3A_139 = tpu.memref_slice %arg7[%add3A_104, %dma_start3A_138] : memref<80000x128xi32, #tpu.memory_space<hbm>> -> memref<128x128xi32, #tpu.memory_space<hbm>>
        tpu.enqueue_dma source(%arg11 : memref<128x128xi32, #tpu.memory_space<vmem>>) target(%dma_start3A_139 : memref<128x128xi32, #tpu.memory_space<hbm>>) target_semaphore(%run_scoped3A : memref<!tpu.dma_semaphore, #tpu.memory_space<semaphore_mem>>)
        %dma_wait3A_140 = arith.constant 0 : i32
        %dma_wait3A_141 = tpu.memref_slice %arg7[%add3A_104, %dma_wait3A_140] : memref<80000x128xi32, #tpu.memory_space<hbm>> -> memref<128x128xi32, #tpu.memory_space<hbm>>
        %dma_wait3A_142 = arith.constant 0 : i32
        %dma_wait3A_143 = tpu.memref_slice %arg7[%add3A_104, %dma_wait3A_142] : memref<80000x128xi32, #tpu.memory_space<hbm>> -> memref<128x128xi32, #tpu.memory_space<hbm>>
        tpu.wait_dma2 semaphore(%run_scoped3A : memref<!tpu.dma_semaphore, #tpu.memory_space<semaphore_mem>>) src(%arg11 : memref<128x128xi32, #tpu.memory_space<vmem>>) dst(%dma_wait3A_143 : memref<128x128xi32, #tpu.memory_space<hbm>>)
        tpu.yield
      }) : () -> ()
      %add3A_113 = arith.constant 256 : i32
      %add3A_114 = arith.addi %add3A_93, %add3A_113 : i32
      %dma_start3A_115 = tpu.memref_slice %arg8[%add3A_114] : memref<2504xi32, #tpu.memory_space<vmem>> -> memref<128xi32, #tpu.memory_space<vmem>>
      %dma_start3A_116 = arith.constant 0 : i32
      %dma_start3A_117 = arith.constant 0 : i32
      %dma_start3A_118 = tpu.memref_slice %arg2[%dma_start3A_116, %dma_start3A_117] : memref<10000x128xi32, #tpu.memory_space<hbm>> -> memref<10000x128xi32, #tpu.memory_space<hbm>>
      tpu.enqueue_indirect_dma source(%dma_start3A_118 : memref<10000x128xi32, #tpu.memory_space<hbm>>) target(%arg10 : memref<128x128xi32, #tpu.memory_space<vmem>>) offsets(%dma_start3A_115 : memref<128xi32, #tpu.memory_space<vmem>>) semaphore(%arg14 : memref<!tpu.dma_semaphore, #tpu.memory_space<semaphore_mem>>)
      %dma_start3A_119 = tpu.memref_slice %arg9[%add3A_114] : memref<2504xi32, #tpu.memory_space<vmem>> -> memref<128xi32, #tpu.memory_space<vmem>>
      %dma_start3A_120 = arith.constant 0 : i32
      %dma_start3A_121 = arith.constant 0 : i32
      %dma_start3A_122 = tpu.memref_slice %arg3[%dma_start3A_120, %dma_start3A_121] : memref<10000x128xi32, #tpu.memory_space<hbm>> -> memref<10000x128xi32, #tpu.memory_space<hbm>>
      tpu.enqueue_indirect_dma source(%dma_start3A_122 : memref<10000x128xi32, #tpu.memory_space<hbm>>) target(%arg11 : memref<128x128xi32, #tpu.memory_space<vmem>>) offsets(%dma_start3A_119 : memref<128xi32, #tpu.memory_space<vmem>>) semaphore(%arg15 : memref<!tpu.dma_semaphore, #tpu.memory_space<semaphore_mem>>)
      %add3A_123 = arith.constant 128 : i32
      %add3A_124 = arith.addi %add3A_93, %add3A_123 : i32
      %add3A_125 = arith.addi %add3A_35, %add3A_93 : i32
      %add3A_126 = arith.constant 128 : i32
      %add3A_127 = arith.addi %add3A_125, %add3A_126 : i32
      %dma_wait3A_128 = tpu.memref_slice %arg8[%add3A_124] : memref<2504xi32, #tpu.memory_space<vmem>> -> memref<128xi32, #tpu.memory_space<vmem>>
      %dma_wait3A_129 = arith.constant 0 : i32
      %dma_wait3A_130 = arith.constant 0 : i32
      %dma_wait3A_131 = tpu.memref_slice %arg2[%dma_wait3A_129, %dma_wait3A_130] : memref<10000x128xi32, #tpu.memory_space<hbm>> -> memref<10000x128xi32, #tpu.memory_space<hbm>>
      tpu.wait_indirect_dma semaphore(%arg16 : memref<!tpu.dma_semaphore, #tpu.memory_space<semaphore_mem>>) src(%dma_wait3A_131 : memref<10000x128xi32, #tpu.memory_space<hbm>>) dst(%arg12 : memref<128x128xi32, #tpu.memory_space<vmem>>)
      "tpu.region"() ({
        %run_scoped3A = tpu.sem_alloc : memref<!tpu.dma_semaphore, #tpu.memory_space<semaphore_mem>>
        %dma_start3A_136 = arith.constant 0 : i32
        %dma_start3A_137 = tpu.memref_slice %arg6[%add3A_127, %dma_start3A_136] : memref<80000x128xi32, #tpu.memory_space<hbm>> -> memref<128x128xi32, #tpu.memory_space<hbm>>
        %dma_start3A_138 = arith.constant 0 : i32
        %dma_start3A_139 = tpu.memref_slice %arg6[%add3A_127, %dma_start3A_138] : memref<80000x128xi32, #tpu.memory_space<hbm>> -> memref<128x128xi32, #tpu.memory_space<hbm>>
        tpu.enqueue_dma source(%arg12 : memref<128x128xi32, #tpu.memory_space<vmem>>) target(%dma_start3A_139 : memref<128x128xi32, #tpu.memory_space<hbm>>) target_semaphore(%run_scoped3A : memref<!tpu.dma_semaphore, #tpu.memory_space<semaphore_mem>>)
        %dma_wait3A_140 = arith.constant 0 : i32
        %dma_wait3A_141 = tpu.memref_slice %arg6[%add3A_127, %dma_wait3A_140] : memref<80000x128xi32, #tpu.memory_space<hbm>> -> memref<128x128xi32, #tpu.memory_space<hbm>>
        %dma_wait3A_142 = arith.constant 0 : i32
        %dma_wait3A_143 = tpu.memref_slice %arg6[%add3A_127, %dma_wait3A_142] : memref<80000x128xi32, #tpu.memory_space<hbm>> -> memref<128x128xi32, #tpu.memory_space<hbm>>
        tpu.wait_dma2 semaphore(%run_scoped3A : memref<!tpu.dma_semaphore, #tpu.memory_space<semaphore_mem>>) src(%arg12 : memref<128x128xi32, #tpu.memory_space<vmem>>) dst(%dma_wait3A_143 : memref<128x128xi32, #tpu.memory_space<hbm>>)
        tpu.yield
      }) : () -> ()
      %dma_wait3A_132 = tpu.memref_slice %arg9[%add3A_124] : memref<2504xi32, #tpu.memory_space<vmem>> -> memref<128xi32, #tpu.memory_space<vmem>>
      %dma_wait3A_133 = arith.constant 0 : i32
      %dma_wait3A_134 = arith.constant 0 : i32
      %dma_wait3A_135 = tpu.memref_slice %arg3[%dma_wait3A_133, %dma_wait3A_134] : memref<10000x128xi32, #tpu.memory_space<hbm>> -> memref<10000x128xi32, #tpu.memory_space<hbm>>
      tpu.wait_indirect_dma semaphore(%arg17 : memref<!tpu.dma_semaphore, #tpu.memory_space<semaphore_mem>>) src(%dma_wait3A_135 : memref<10000x128xi32, #tpu.memory_space<hbm>>) dst(%arg13 : memref<128x128xi32, #tpu.memory_space<vmem>>)
      "tpu.region"() ({
        %run_scoped3A = tpu.sem_alloc : memref<!tpu.dma_semaphore, #tpu.memory_space<semaphore_mem>>
        %dma_start3A_136 = arith.constant 0 : i32
        %dma_start3A_137 = tpu.memref_slice %arg7[%add3A_127, %dma_start3A_136] : memref<80000x128xi32, #tpu.memory_space<hbm>> -> memref<128x128xi32, #tpu.memory_space<hbm>>
        %dma_start3A_138 = arith.constant 0 : i32
        %dma_start3A_139 = tpu.memref_slice %arg7[%add3A_127, %dma_start3A_138] : memref<80000x128xi32, #tpu.memory_space<hbm>> -> memref<128x128xi32, #tpu.memory_space<hbm>>
        tpu.enqueue_dma source(%arg13 : memref<128x128xi32, #tpu.memory_space<vmem>>) target(%dma_start3A_139 : memref<128x128xi32, #tpu.memory_space<hbm>>) target_semaphore(%run_scoped3A : memref<!tpu.dma_semaphore, #tpu.memory_space<semaphore_mem>>)
        %dma_wait3A_140 = arith.constant 0 : i32
        %dma_wait3A_141 = tpu.memref_slice %arg7[%add3A_127, %dma_wait3A_140] : memref<80000x128xi32, #tpu.memory_space<hbm>> -> memref<128x128xi32, #tpu.memory_space<hbm>>
        %dma_wait3A_142 = arith.constant 0 : i32
        %dma_wait3A_143 = tpu.memref_slice %arg7[%add3A_127, %dma_wait3A_142] : memref<80000x128xi32, #tpu.memory_space<hbm>> -> memref<128x128xi32, #tpu.memory_space<hbm>>
        tpu.wait_dma2 semaphore(%run_scoped3A : memref<!tpu.dma_semaphore, #tpu.memory_space<semaphore_mem>>) src(%arg13 : memref<128x128xi32, #tpu.memory_space<vmem>>) dst(%dma_wait3A_143 : memref<128x128xi32, #tpu.memory_space<hbm>>)
        tpu.yield
      }) : () -> ()
    }
    %scan3A_52 = arith.constant 9 : i32
    %sub3A_53 = arith.constant 128 : i32
    %sub3A_54 = arith.subi %sub3A_39, %sub3A_53 : i32
    %dma_start3A_55 = tpu.memref_slice %arg8[%sub3A_54] : memref<2504xi32, #tpu.memory_space<vmem>> -> memref<128xi32, #tpu.memory_space<vmem>>
    %dma_start3A_56 = arith.constant 0 : i32
    %dma_start3A_57 = arith.constant 0 : i32
    %dma_start3A_58 = tpu.memref_slice %arg2[%dma_start3A_56, %dma_start3A_57] : memref<10000x128xi32, #tpu.memory_space<hbm>> -> memref<10000x128xi32, #tpu.memory_space<hbm>>
    tpu.enqueue_indirect_dma source(%dma_start3A_58 : memref<10000x128xi32, #tpu.memory_space<hbm>>) target(%arg12 : memref<128x128xi32, #tpu.memory_space<vmem>>) offsets(%dma_start3A_55 : memref<128xi32, #tpu.memory_space<vmem>>) semaphore(%arg16 : memref<!tpu.dma_semaphore, #tpu.memory_space<semaphore_mem>>)
    %dma_start3A_59 = tpu.memref_slice %arg9[%sub3A_54] : memref<2504xi32, #tpu.memory_space<vmem>> -> memref<128xi32, #tpu.memory_space<vmem>>
    %dma_start3A_60 = arith.constant 0 : i32
    %dma_start3A_61 = arith.constant 0 : i32
    %dma_start3A_62 = tpu.memref_slice %arg3[%dma_start3A_60, %dma_start3A_61] : memref<10000x128xi32, #tpu.memory_space<hbm>> -> memref<10000x128xi32, #tpu.memory_space<hbm>>
    tpu.enqueue_indirect_dma source(%dma_start3A_62 : memref<10000x128xi32, #tpu.memory_space<hbm>>) target(%arg13 : memref<128x128xi32, #tpu.memory_space<vmem>>) offsets(%dma_start3A_59 : memref<128xi32, #tpu.memory_space<vmem>>) semaphore(%arg17 : memref<!tpu.dma_semaphore, #tpu.memory_space<semaphore_mem>>)
    %add3A_63 = arith.constant 2432 : i32
    %add3A_64 = arith.addi %add3A_35, %add3A_63 : i32
    %sub3A_65 = arith.constant 128 : i32
    %sub3A_66 = arith.subi %add3A_64, %sub3A_65 : i32
    %dma_wait3A = arith.constant 2304 : i32
    %dma_wait3A_67 = tpu.memref_slice %arg8[%dma_wait3A] : memref<2504xi32, #tpu.memory_space<vmem>> -> memref<128xi32, #tpu.memory_space<vmem>>
    %dma_wait3A_68 = arith.constant 0 : i32
    %dma_wait3A_69 = arith.constant 0 : i32
    %dma_wait3A_70 = tpu.memref_slice %arg2[%dma_wait3A_68, %dma_wait3A_69] : memref<10000x128xi32, #tpu.memory_space<hbm>> -> memref<10000x128xi32, #tpu.memory_space<hbm>>
    tpu.wait_indirect_dma semaphore(%arg14 : memref<!tpu.dma_semaphore, #tpu.memory_space<semaphore_mem>>) src(%dma_wait3A_70 : memref<10000x128xi32, #tpu.memory_space<hbm>>) dst(%arg10 : memref<128x128xi32, #tpu.memory_space<vmem>>)
    "tpu.region"() ({
      %run_scoped3A = tpu.sem_alloc : memref<!tpu.dma_semaphore, #tpu.memory_space<semaphore_mem>>
      %dma_start3A_89 = arith.constant 0 : i32
      %dma_start3A_90 = tpu.memref_slice %arg6[%sub3A_66, %dma_start3A_89] : memref<80000x128xi32, #tpu.memory_space<hbm>> -> memref<128x128xi32, #tpu.memory_space<hbm>>
      %dma_start3A_91 = arith.constant 0 : i32
      %dma_start3A_92 = tpu.memref_slice %arg6[%sub3A_66, %dma_start3A_91] : memref<80000x128xi32, #tpu.memory_space<hbm>> -> memref<128x128xi32, #tpu.memory_space<hbm>>
      tpu.enqueue_dma source(%arg10 : memref<128x128xi32, #tpu.memory_space<vmem>>) target(%dma_start3A_92 : memref<128x128xi32, #tpu.memory_space<hbm>>) target_semaphore(%run_scoped3A : memref<!tpu.dma_semaphore, #tpu.memory_space<semaphore_mem>>)
      %dma_wait3A_93 = arith.constant 0 : i32
      %dma_wait3A_94 = tpu.memref_slice %arg6[%sub3A_66, %dma_wait3A_93] : memref<80000x128xi32, #tpu.memory_space<hbm>> -> memref<128x128xi32, #tpu.memory_space<hbm>>
      %dma_wait3A_95 = arith.constant 0 : i32
      %dma_wait3A_96 = tpu.memref_slice %arg6[%sub3A_66, %dma_wait3A_95] : memref<80000x128xi32, #tpu.memory_space<hbm>> -> memref<128x128xi32, #tpu.memory_space<hbm>>
      tpu.wait_dma2 semaphore(%run_scoped3A : memref<!tpu.dma_semaphore, #tpu.memory_space<semaphore_mem>>) src(%arg10 : memref<128x128xi32, #tpu.memory_space<vmem>>) dst(%dma_wait3A_96 : memref<128x128xi32, #tpu.memory_space<hbm>>)
      tpu.yield
    }) : () -> ()
    %dma_wait3A_71 = arith.constant 2304 : i32
    %dma_wait3A_72 = tpu.memref_slice %arg9[%dma_wait3A_71] : memref<2504xi32, #tpu.memory_space<vmem>> -> memref<128xi32, #tpu.memory_space<vmem>>
    %dma_wait3A_73 = arith.constant 0 : i32
    %dma_wait3A_74 = arith.constant 0 : i32
    %dma_wait3A_75 = tpu.memref_slice %arg3[%dma_wait3A_73, %dma_wait3A_74] : memref<10000x128xi32, #tpu.memory_space<hbm>> -> memref<10000x128xi32, #tpu.memory_space<hbm>>
    tpu.wait_indirect_dma semaphore(%arg15 : memref<!tpu.dma_semaphore, #tpu.memory_space<semaphore_mem>>) src(%dma_wait3A_75 : memref<10000x128xi32, #tpu.memory_space<hbm>>) dst(%arg11 : memref<128x128xi32, #tpu.memory_space<vmem>>)
    "tpu.region"() ({
      %run_scoped3A = tpu.sem_alloc : memref<!tpu.dma_semaphore, #tpu.memory_space<semaphore_mem>>
      %dma_start3A_89 = arith.constant 0 : i32
      %dma_start3A_90 = tpu.memref_slice %arg7[%sub3A_66, %dma_start3A_89] : memref<80000x128xi32, #tpu.memory_space<hbm>> -> memref<128x128xi32, #tpu.memory_space<hbm>>
      %dma_start3A_91 = arith.constant 0 : i32
      %dma_start3A_92 = tpu.memref_slice %arg7[%sub3A_66, %dma_start3A_91] : memref<80000x128xi32, #tpu.memory_space<hbm>> -> memref<128x128xi32, #tpu.memory_space<hbm>>
      tpu.enqueue_dma source(%arg11 : memref<128x128xi32, #tpu.memory_space<vmem>>) target(%dma_start3A_92 : memref<128x128xi32, #tpu.memory_space<hbm>>) target_semaphore(%run_scoped3A : memref<!tpu.dma_semaphore, #tpu.memory_space<semaphore_mem>>)
      %dma_wait3A_93 = arith.constant 0 : i32
      %dma_wait3A_94 = tpu.memref_slice %arg7[%sub3A_66, %dma_wait3A_93] : memref<80000x128xi32, #tpu.memory_space<hbm>> -> memref<128x128xi32, #tpu.memory_space<hbm>>
      %dma_wait3A_95 = arith.constant 0 : i32
      %dma_wait3A_96 = tpu.memref_slice %arg7[%sub3A_66, %dma_wait3A_95] : memref<80000x128xi32, #tpu.memory_space<hbm>> -> memref<128x128xi32, #tpu.memory_space<hbm>>
      tpu.wait_dma2 semaphore(%run_scoped3A : memref<!tpu.dma_semaphore, #tpu.memory_space<semaphore_mem>>) src(%arg11 : memref<128x128xi32, #tpu.memory_space<vmem>>) dst(%dma_wait3A_96 : memref<128x128xi32, #tpu.memory_space<hbm>>)
      tpu.yield
    }) : () -> ()
    %sub3A_76 = arith.constant 128 : i32
    %sub3A_77 = arith.subi %sub3A_39, %sub3A_76 : i32
    %add3A_78 = arith.addi %add3A_35, %sub3A_39 : i32
    %sub3A_79 = arith.constant 128 : i32
    %sub3A_80 = arith.subi %add3A_78, %sub3A_79 : i32
    %dma_wait3A_81 = tpu.memref_slice %arg8[%sub3A_77] : memref<2504xi32, #tpu.memory_space<vmem>> -> memref<128xi32, #tpu.memory_space<vmem>>
    %dma_wait3A_82 = arith.constant 0 : i32
    %dma_wait3A_83 = arith.constant 0 : i32
    %dma_wait3A_84 = tpu.memref_slice %arg2[%dma_wait3A_82, %dma_wait3A_83] : memref<10000x128xi32, #tpu.memory_space<hbm>> -> memref<10000x128xi32, #tpu.memory_space<hbm>>
    tpu.wait_indirect_dma semaphore(%arg16 : memref<!tpu.dma_semaphore, #tpu.memory_space<semaphore_mem>>) src(%dma_wait3A_84 : memref<10000x128xi32, #tpu.memory_space<hbm>>) dst(%arg12 : memref<128x128xi32, #tpu.memory_space<vmem>>)
    "tpu.region"() ({
      %run_scoped3A = tpu.sem_alloc : memref<!tpu.dma_semaphore, #tpu.memory_space<semaphore_mem>>
      %dma_start3A_89 = arith.constant 0 : i32
      %dma_start3A_90 = tpu.memref_slice %arg6[%sub3A_80, %dma_start3A_89] : memref<80000x128xi32, #tpu.memory_space<hbm>> -> memref<128x128xi32, #tpu.memory_space<hbm>>
      %dma_start3A_91 = arith.constant 0 : i32
      %dma_start3A_92 = tpu.memref_slice %arg6[%sub3A_80, %dma_start3A_91] : memref<80000x128xi32, #tpu.memory_space<hbm>> -> memref<128x128xi32, #tpu.memory_space<hbm>>
      tpu.enqueue_dma source(%arg12 : memref<128x128xi32, #tpu.memory_space<vmem>>) target(%dma_start3A_92 : memref<128x128xi32, #tpu.memory_space<hbm>>) target_semaphore(%run_scoped3A : memref<!tpu.dma_semaphore, #tpu.memory_space<semaphore_mem>>)
      %dma_wait3A_93 = arith.constant 0 : i32
      %dma_wait3A_94 = tpu.memref_slice %arg6[%sub3A_80, %dma_wait3A_93] : memref<80000x128xi32, #tpu.memory_space<hbm>> -> memref<128x128xi32, #tpu.memory_space<hbm>>
      %dma_wait3A_95 = arith.constant 0 : i32
      %dma_wait3A_96 = tpu.memref_slice %arg6[%sub3A_80, %dma_wait3A_95] : memref<80000x128xi32, #tpu.memory_space<hbm>> -> memref<128x128xi32, #tpu.memory_space<hbm>>
      tpu.wait_dma2 semaphore(%run_scoped3A : memref<!tpu.dma_semaphore, #tpu.memory_space<semaphore_mem>>) src(%arg12 : memref<128x128xi32, #tpu.memory_space<vmem>>) dst(%dma_wait3A_96 : memref<128x128xi32, #tpu.memory_space<hbm>>)
      tpu.yield
    }) : () -> ()
    %dma_wait3A_85 = tpu.memref_slice %arg9[%sub3A_77] : memref<2504xi32, #tpu.memory_space<vmem>> -> memref<128xi32, #tpu.memory_space<vmem>>
    %dma_wait3A_86 = arith.constant 0 : i32
    %dma_wait3A_87 = arith.constant 0 : i32
    %dma_wait3A_88 = tpu.memref_slice %arg3[%dma_wait3A_86, %dma_wait3A_87] : memref<10000x128xi32, #tpu.memory_space<hbm>> -> memref<10000x128xi32, #tpu.memory_space<hbm>>
    tpu.wait_indirect_dma semaphore(%arg17 : memref<!tpu.dma_semaphore, #tpu.memory_space<semaphore_mem>>) src(%dma_wait3A_88 : memref<10000x128xi32, #tpu.memory_space<hbm>>) dst(%arg13 : memref<128x128xi32, #tpu.memory_space<vmem>>)
    "tpu.region"() ({
      %run_scoped3A = tpu.sem_alloc : memref<!tpu.dma_semaphore, #tpu.memory_space<semaphore_mem>>
      %dma_start3A_89 = arith.constant 0 : i32
      %dma_start3A_90 = tpu.memref_slice %arg7[%sub3A_80, %dma_start3A_89] : memref<80000x128xi32, #tpu.memory_space<hbm>> -> memref<128x128xi32, #tpu.memory_space<hbm>>
      %dma_start3A_91 = arith.constant 0 : i32
      %dma_start3A_92 = tpu.memref_slice %arg7[%sub3A_80, %dma_start3A_91] : memref<80000x128xi32, #tpu.memory_space<hbm>> -> memref<128x128xi32, #tpu.memory_space<hbm>>
      tpu.enqueue_dma source(%arg13 : memref<128x128xi32, #tpu.memory_space<vmem>>) target(%dma_start3A_92 : memref<128x128xi32, #tpu.memory_space<hbm>>) target_semaphore(%run_scoped3A : memref<!tpu.dma_semaphore, #tpu.memory_space<semaphore_mem>>)
      %dma_wait3A_93 = arith.constant 0 : i32
      %dma_wait3A_94 = tpu.memref_slice %arg7[%sub3A_80, %dma_wait3A_93] : memref<80000x128xi32, #tpu.memory_space<hbm>> -> memref<128x128xi32, #tpu.memory_space<hbm>>
      %dma_wait3A_95 = arith.constant 0 : i32
      %dma_wait3A_96 = tpu.memref_slice %arg7[%sub3A_80, %dma_wait3A_95] : memref<80000x128xi32, #tpu.memory_space<hbm>> -> memref<128x128xi32, #tpu.memory_space<hbm>>
      tpu.wait_dma2 semaphore(%run_scoped3A : memref<!tpu.dma_semaphore, #tpu.memory_space<semaphore_mem>>) src(%arg13 : memref<128x128xi32, #tpu.memory_space<vmem>>) dst(%dma_wait3A_96 : memref<128x128xi32, #tpu.memory_space<hbm>>)
      tpu.yield
    }) : () -> ()
    return
  }
}

module attributes {stable_mosaic.version = 14 : i64} {
  func.func @_node_pre_body(%arg0: i32, %arg1: memref<1000x256xf32, #tpu.memory_space<vmem>>, %arg2: memref<256x512xbf16, #tpu.memory_space<vmem>>, %arg3: memref<1000x128xi32, #tpu.memory_space<vmem>>, %arg4: memref<1000x128xi32, #tpu.memory_space<vmem>>) attributes {dimension_semantics = [#tpu.dimension_semantics<parallel>], iteration_bounds = array<i64: 10>, scalar_prefetch = 0 : i64, scratch_operands = 0 : i64, tpu.core_type = #tpu.core_type<tc>, window_params = [{transform_indices = @transform_0, window_bounds = array<i64: 1000, 256>}, {pipeline_mode = #tpu.pipeline_mode<synchronous>, transform_indices = @transform_1, window_bounds = array<i64: 256, 512>}, {transform_indices = @transform_2, window_bounds = array<i64: 1000, 128>}, {transform_indices = @transform_3, window_bounds = array<i64: 1000, 128>}]} {
    %get3A = arith.constant 0 : index
    %get3A_0 = arith.constant 0 : index
    %get3A_1 = vector.load %arg1[%get3A, %get3A_0] : memref<1000x256xf32, #tpu.memory_space<vmem>>, vector<1000x256xf32>
    %convert_element_type3A = arith.truncf %get3A_1 : vector<1000x256xf32> to vector<1000x256xbf16>
    %get3A_2 = arith.constant 0 : index
    %get3A_3 = arith.constant 0 : index
    %get3A_4 = vector.load %arg2[%get3A_2, %get3A_3] : memref<256x512xbf16, #tpu.memory_space<vmem>>, vector<256x512xbf16>
    %dot_general3A = arith.constant dense<0.000000e+00> : vector<1000x512xf32>
    %dot_general3A_5 = tpu.matmul %convert_element_type3A, %get3A_4, %dot_general3A {dimension_numbers = #tpu.dot_dimension_numbers<[1], [0], [0], [1], [0, 0, 1, 1], [], []>, transpose_lhs_hint = false} : vector<1000x256xbf16>, vector<256x512xbf16>, vector<1000x512xf32> -> vector<1000x512xf32>
    %slice3A = vector.extract_strided_slice %dot_general3A_5 {offsets = [0, 0], sizes = [1000, 256], strides = [1, 1]} : vector<1000x512xf32> to vector<1000x256xf32>
    %slice3A_6 = vector.extract_strided_slice %slice3A {offsets = [0, 0], sizes = [1000, 128], strides = [1, 1]} : vector<1000x256xf32> to vector<1000x128xf32>
    %bitcast_convert_type3A = tpu.bitcast %slice3A_6 : vector<1000x128xf32> -> vector<1000x128xi32>
    %add3A = arith.constant 32767 : i32
    %add3A_7 = vector.broadcast %add3A : i32 to vector<1000x128xi32>
    %add3A_8 = arith.addi %bitcast_convert_type3A, %add3A_7 : vector<1000x128xi32>
    %shift_right_logical3A = arith.constant 16 : i32
    %shift_right_logical3A_9 = vector.broadcast %shift_right_logical3A : i32 to vector<1000x128xi32>
    %shift_right_logical3A_10 = arith.shrui %bitcast_convert_type3A, %shift_right_logical3A_9 : vector<1000x128xi32>
    %and3A = arith.constant 1 : i32
    %and3A_11 = vector.broadcast %and3A : i32 to vector<1000x128xi32>
    %and3A_12 = arith.andi %shift_right_logical3A_10, %and3A_11 : vector<1000x128xi32>
    %add3A_13 = arith.addi %add3A_8, %and3A_12 : vector<1000x128xi32>
    %shift_right_logical3A_14 = arith.constant 16 : i32
    %shift_right_logical3A_15 = vector.broadcast %shift_right_logical3A_14 : i32 to vector<1000x128xi32>
    %shift_right_logical3A_16 = arith.shrui %add3A_13, %shift_right_logical3A_15 : vector<1000x128xi32>
    %slice3A_17 = vector.extract_strided_slice %slice3A {offsets = [0, 128], sizes = [1000, 128], strides = [1, 1]} : vector<1000x256xf32> to vector<1000x128xf32>
    %bitcast_convert_type3A_18 = tpu.bitcast %slice3A_17 : vector<1000x128xf32> -> vector<1000x128xi32>
    %add3A_19 = arith.constant 32767 : i32
    %add3A_20 = vector.broadcast %add3A_19 : i32 to vector<1000x128xi32>
    %add3A_21 = arith.addi %bitcast_convert_type3A_18, %add3A_20 : vector<1000x128xi32>
    %shift_right_logical3A_22 = arith.constant 16 : i32
    %shift_right_logical3A_23 = vector.broadcast %shift_right_logical3A_22 : i32 to vector<1000x128xi32>
    %shift_right_logical3A_24 = arith.shrui %bitcast_convert_type3A_18, %shift_right_logical3A_23 : vector<1000x128xi32>
    %and3A_25 = arith.constant 1 : i32
    %and3A_26 = vector.broadcast %and3A_25 : i32 to vector<1000x128xi32>
    %and3A_27 = arith.andi %shift_right_logical3A_24, %and3A_26 : vector<1000x128xi32>
    %add3A_28 = arith.addi %add3A_21, %and3A_27 : vector<1000x128xi32>
    %shift_right_logical3A_29 = arith.constant 16 : i32
    %shift_right_logical3A_30 = vector.broadcast %shift_right_logical3A_29 : i32 to vector<1000x128xi32>
    %shift_right_logical3A_31 = arith.shrui %add3A_28, %shift_right_logical3A_30 : vector<1000x128xi32>
    %shift_left3A = arith.constant 16 : i32
    %shift_left3A_32 = vector.broadcast %shift_left3A : i32 to vector<1000x128xi32>
    %shift_left3A_33 = arith.shli %shift_right_logical3A_31, %shift_left3A_32 : vector<1000x128xi32>
    %or3A = arith.ori %shift_right_logical3A_16, %shift_left3A_33 : vector<1000x128xi32>
    %bitcast_convert_type3A_34 = tpu.bitcast %or3A : vector<1000x128xi32> -> vector<1000x128xi32>
    %swap3A = arith.constant 0 : index
    %swap3A_35 = arith.constant 0 : index
    %swap3A_36 = vector.load %arg3[%swap3A, %swap3A_35] : memref<1000x128xi32, #tpu.memory_space<vmem>>, vector<1000x128xi32>
    tpu.vector_store %arg3[%swap3A, %swap3A_35], %bitcast_convert_type3A_34 {strides = array<i32>} : memref<1000x128xi32, #tpu.memory_space<vmem>>, vector<1000x128xi32>,
    %slice3A_37 = vector.extract_strided_slice %dot_general3A_5 {offsets = [0, 256], sizes = [1000, 256], strides = [1, 1]} : vector<1000x512xf32> to vector<1000x256xf32>
    %slice3A_38 = vector.extract_strided_slice %slice3A_37 {offsets = [0, 0], sizes = [1000, 128], strides = [1, 1]} : vector<1000x256xf32> to vector<1000x128xf32>
    %bitcast_convert_type3A_39 = tpu.bitcast %slice3A_38 : vector<1000x128xf32> -> vector<1000x128xi32>
    %add3A_40 = arith.constant 32767 : i32
    %add3A_41 = vector.broadcast %add3A_40 : i32 to vector<1000x128xi32>
    %add3A_42 = arith.addi %bitcast_convert_type3A_39, %add3A_41 : vector<1000x128xi32>
    %shift_right_logical3A_43 = arith.constant 16 : i32
    %shift_right_logical3A_44 = vector.broadcast %shift_right_logical3A_43 : i32 to vector<1000x128xi32>
    %shift_right_logical3A_45 = arith.shrui %bitcast_convert_type3A_39, %shift_right_logical3A_44 : vector<1000x128xi32>
    %and3A_46 = arith.constant 1 : i32
    %and3A_47 = vector.broadcast %and3A_46 : i32 to vector<1000x128xi32>
    %and3A_48 = arith.andi %shift_right_logical3A_45, %and3A_47 : vector<1000x128xi32>
    %add3A_49 = arith.addi %add3A_42, %and3A_48 : vector<1000x128xi32>
    %shift_right_logical3A_50 = arith.constant 16 : i32
    %shift_right_logical3A_51 = vector.broadcast %shift_right_logical3A_50 : i32 to vector<1000x128xi32>
    %shift_right_logical3A_52 = arith.shrui %add3A_49, %shift_right_logical3A_51 : vector<1000x128xi32>
    %slice3A_53 = vector.extract_strided_slice %slice3A_37 {offsets = [0, 128], sizes = [1000, 128], strides = [1, 1]} : vector<1000x256xf32> to vector<1000x128xf32>
    %bitcast_convert_type3A_54 = tpu.bitcast %slice3A_53 : vector<1000x128xf32> -> vector<1000x128xi32>
    %add3A_55 = arith.constant 32767 : i32
    %add3A_56 = vector.broadcast %add3A_55 : i32 to vector<1000x128xi32>
    %add3A_57 = arith.addi %bitcast_convert_type3A_54, %add3A_56 : vector<1000x128xi32>
    %shift_right_logical3A_58 = arith.constant 16 : i32
    %shift_right_logical3A_59 = vector.broadcast %shift_right_logical3A_58 : i32 to vector<1000x128xi32>
    %shift_right_logical3A_60 = arith.shrui %bitcast_convert_type3A_54, %shift_right_logical3A_59 : vector<1000x128xi32>
    %and3A_61 = arith.constant 1 : i32
    %and3A_62 = vector.broadcast %and3A_61 : i32 to vector<1000x128xi32>
    %and3A_63 = arith.andi %shift_right_logical3A_60, %and3A_62 : vector<1000x128xi32>
    %add3A_64 = arith.addi %add3A_57, %and3A_63 : vector<1000x128xi32>
    %shift_right_logical3A_65 = arith.constant 16 : i32
    %shift_right_logical3A_66 = vector.broadcast %shift_right_logical3A_65 : i32 to vector<1000x128xi32>
    %shift_right_logical3A_67 = arith.shrui %add3A_64, %shift_right_logical3A_66 : vector<1000x128xi32>
    %shift_left3A_68 = arith.constant 16 : i32
    %shift_left3A_69 = vector.broadcast %shift_left3A_68 : i32 to vector<1000x128xi32>
    %shift_left3A_70 = arith.shli %shift_right_logical3A_67, %shift_left3A_69 : vector<1000x128xi32>
    %or3A_71 = arith.ori %shift_right_logical3A_52, %shift_left3A_70 : vector<1000x128xi32>
    %bitcast_convert_type3A_72 = tpu.bitcast %or3A_71 : vector<1000x128xi32> -> vector<1000x128xi32>
    %swap3A_73 = arith.constant 0 : index
    %swap3A_74 = arith.constant 0 : index
    %swap3A_75 = vector.load %arg4[%swap3A_73, %swap3A_74] : memref<1000x128xi32, #tpu.memory_space<vmem>>, vector<1000x128xi32>
    tpu.vector_store %arg4[%swap3A_73, %swap3A_74], %bitcast_convert_type3A_72 {strides = array<i32>} : memref<1000x128xi32, #tpu.memory_space<vmem>>, vector<1000x128xi32>,
    return
  }
  func.func @transform_0(%arg0: i32) -> (i32, i32) {
    %c0_i32 = arith.constant 0 : i32
    %c0_i32_0 = arith.constant 0 : i32
    return %arg0, %c0_i32 : i32, i32
  }
  func.func @transform_1(%arg0: i32) -> (i32, i32) {
    %c0_i32 = arith.constant 0 : i32
    %c0_i32_0 = arith.constant 0 : i32
    %c0_i32_1 = arith.constant 0 : i32
    return %c0_i32, %c0_i32_0 : i32, i32
  }
  func.func @transform_2(%arg0: i32) -> (i32, i32) {
    %c0_i32 = arith.constant 0 : i32
    %c0_i32_0 = arith.constant 0 : i32
    return %arg0, %c0_i32 : i32, i32
  }
  func.func @transform_3(%arg0: i32) -> (i32, i32) {
    %c0_i32 = arith.constant 0 : i32
    %c0_i32_0 = arith.constant 0 : i32
    return %arg0, %c0_i32 : i32, i32
  }
}

module attributes {stable_mosaic.version = 14 : i64} {
  func.func @_edge_body(%arg0: i32, %arg1: memref<4000x128xi32, #tpu.memory_space<vmem>>, %arg2: memref<4000x128xi32, #tpu.memory_space<vmem>>, %arg3: memref<4000x16xf32, #tpu.memory_space<vmem>>, %arg4: memref<16x288xf32, #tpu.memory_space<vmem>>, %arg5: memref<256x256xbf16, #tpu.memory_space<vmem>>, %arg6: memref<1x256xf32, #tpu.memory_space<vmem>>, %arg7: memref<1x256xf32, #tpu.memory_space<vmem>>, %arg8: memref<1x32xf32, #tpu.memory_space<vmem>>, %arg9: memref<32x1xf32, #tpu.memory_space<vmem>>, %arg10: memref<1x1xf32, #tpu.memory_space<vmem>>, %arg11: memref<4000x256xf32, #tpu.memory_space<vmem>>) attributes {dimension_semantics = [#tpu.dimension_semantics<parallel>], iteration_bounds = array<i64: 20>, scalar_prefetch = 0 : i64, scratch_operands = 0 : i64, tpu.core_type = #tpu.core_type<tc>, window_params = [{transform_indices = @transform_0, window_bounds = array<i64: 4000, 128>}, {transform_indices = @transform_1, window_bounds = array<i64: 4000, 128>}, {transform_indices = @transform_2, window_bounds = array<i64: 4000, 16>}, {pipeline_mode = #tpu.pipeline_mode<synchronous>, transform_indices = @transform_3, window_bounds = array<i64: 16, 288>}, {pipeline_mode = #tpu.pipeline_mode<synchronous>, transform_indices = @transform_4, window_bounds = array<i64: 256, 256>}, {pipeline_mode = #tpu.pipeline_mode<synchronous>, transform_indices = @transform_5, window_bounds = array<i64: 1, 256>}, {pipeline_mode = #tpu.pipeline_mode<synchronous>, transform_indices = @transform_6, window_bounds = array<i64: 1, 256>}, {pipeline_mode = #tpu.pipeline_mode<synchronous>, transform_indices = @transform_7, window_bounds = array<i64: 1, 32>}, {pipeline_mode = #tpu.pipeline_mode<synchronous>, transform_indices = @transform_8, window_bounds = array<i64: 32, 1>}, {pipeline_mode = #tpu.pipeline_mode<synchronous>, transform_indices = @transform_9, window_bounds = array<i64: 1, 1>}, {transform_indices = @transform_10, window_bounds = array<i64: 4000, 256>}]} {
    %get3A = arith.constant 0 : index
    %get3A_0 = arith.constant 0 : index
    %get3A_1 = vector.load %arg1[%get3A, %get3A_0] : memref<4000x128xi32, #tpu.memory_space<vmem>>, vector<4000x128xi32>
    %bitcast_convert_type3A = tpu.bitcast %get3A_1 : vector<4000x128xi32> -> vector<4000x128xi32>
    %shift_left3A = arith.constant 16 : i32
    %shift_left3A_2 = vector.broadcast %shift_left3A : i32 to vector<4000x128xi32>
    %shift_left3A_3 = arith.shli %bitcast_convert_type3A, %shift_left3A_2 : vector<4000x128xi32>
    %bitcast_convert_type3A_4 = tpu.bitcast %shift_left3A_3 : vector<4000x128xi32> -> vector<4000x128xf32>
    %and3A = arith.constant -65536 : i32
    %and3A_5 = vector.broadcast %and3A : i32 to vector<4000x128xi32>
    %and3A_6 = arith.andi %bitcast_convert_type3A, %and3A_5 : vector<4000x128xi32>
    %bitcast_convert_type3A_7 = tpu.bitcast %and3A_6 : vector<4000x128xi32> -> vector<4000x128xf32>
    %concatenate3A = tpu.concatenate %bitcast_convert_type3A_4, %bitcast_convert_type3A_7 in 1 : vector<4000x128xf32>, vector<4000x128xf32> -> vector<4000x256xf32>
    %get3A_8 = arith.constant 0 : index
    %get3A_9 = arith.constant 0 : index
    %get3A_10 = vector.load %arg2[%get3A_8, %get3A_9] : memref<4000x128xi32, #tpu.memory_space<vmem>>, vector<4000x128xi32>
    %bitcast_convert_type3A_11 = tpu.bitcast %get3A_10 : vector<4000x128xi32> -> vector<4000x128xi32>
    %shift_left3A_12 = arith.constant 16 : i32
    %shift_left3A_13 = vector.broadcast %shift_left3A_12 : i32 to vector<4000x128xi32>
    %shift_left3A_14 = arith.shli %bitcast_convert_type3A_11, %shift_left3A_13 : vector<4000x128xi32>
    %bitcast_convert_type3A_15 = tpu.bitcast %shift_left3A_14 : vector<4000x128xi32> -> vector<4000x128xf32>
    %and3A_16 = arith.constant -65536 : i32
    %and3A_17 = vector.broadcast %and3A_16 : i32 to vector<4000x128xi32>
    %and3A_18 = arith.andi %bitcast_convert_type3A_11, %and3A_17 : vector<4000x128xi32>
    %bitcast_convert_type3A_19 = tpu.bitcast %and3A_18 : vector<4000x128xi32> -> vector<4000x128xf32>
    %concatenate3A_20 = tpu.concatenate %bitcast_convert_type3A_15, %bitcast_convert_type3A_19 in 1 : vector<4000x128xf32>, vector<4000x128xf32> -> vector<4000x256xf32>
    %get3A_21 = arith.constant 0 : index
    %get3A_22 = arith.constant 0 : index
    %get3A_23 = vector.load %arg3[%get3A_21, %get3A_22] : memref<4000x16xf32, #tpu.memory_space<vmem>>, vector<4000x16xf32>
    %get3A_24 = arith.constant 0 : index
    %get3A_25 = arith.constant 0 : index
    %get3A_26 = vector.load %arg4[%get3A_24, %get3A_25] : memref<16x288xf32, #tpu.memory_space<vmem>>, vector<16x288xf32>
    %dot_general3A = arith.constant dense<0.000000e+00> : vector<4000x288xf32>
    %dot_general3A_27 = tpu.matmul %get3A_23, %get3A_26, %dot_general3A {dimension_numbers = #tpu.dot_dimension_numbers<[1], [0], [0], [1], [0, 0, 1, 1], [], []>, transpose_lhs_hint = false} : vector<4000x16xf32>, vector<16x288xf32>, vector<4000x288xf32> -> vector<4000x288xf32>
    %add3A = arith.addf %concatenate3A, %concatenate3A_20 : vector<4000x256xf32>
    %slice3A = vector.extract_strided_slice %dot_general3A_27 {offsets = [0, 0], sizes = [4000, 256], strides = [1, 1]} : vector<4000x288xf32> to vector<4000x256xf32>
    %add3A_28 = arith.addf %add3A, %slice3A : vector<4000x256xf32>
    %get3A_29 = arith.constant 0 : index
    %get3A_30 = arith.constant 0 : index
    %get3A_31 = vector.load %arg6[%get3A_29, %get3A_30] : memref<1x256xf32, #tpu.memory_space<vmem>>, vector<1x256xf32>
    %add3A_32 = vector.broadcast %get3A_31 : vector<1x256xf32> to vector<4000x256xf32>
    %add3A_33 = arith.addf %add3A_28, %add3A_32 : vector<4000x256xf32>
    %logistic3A = arith.negf %add3A_33 : vector<4000x256xf32>
    %logistic3A_34 = math.exp %logistic3A : vector<4000x256xf32>
    %logistic3A_35 = arith.constant 1.000000e+00 : f32
    %logistic3A_36 = vector.broadcast %logistic3A_35 : f32 to vector<4000x256xf32>
    %logistic3A_37 = arith.addf %logistic3A_36, %logistic3A_34 : vector<4000x256xf32>
    %logistic3A_38 = arith.divf %logistic3A_36, %logistic3A_37 : vector<4000x256xf32>
    %mul3A = arith.mulf %add3A_33, %logistic3A_38 : vector<4000x256xf32>
    %convert_element_type3A = arith.truncf %mul3A : vector<4000x256xf32> to vector<4000x256xbf16>
    %get3A_39 = arith.constant 0 : index
    %get3A_40 = arith.constant 0 : index
    %get3A_41 = vector.load %arg5[%get3A_39, %get3A_40] : memref<256x256xbf16, #tpu.memory_space<vmem>>, vector<256x256xbf16>
    %dot_general3A_42 = arith.constant dense<0.000000e+00> : vector<4000x256xf32>
    %dot_general3A_43 = tpu.matmul %convert_element_type3A, %get3A_41, %dot_general3A_42 {dimension_numbers = #tpu.dot_dimension_numbers<[1], [0], [0], [1], [0, 0, 1, 1], [], []>, transpose_lhs_hint = false} : vector<4000x256xbf16>, vector<256x256xbf16>, vector<4000x256xf32> -> vector<4000x256xf32>
    %get3A_44 = arith.constant 0 : index
    %get3A_45 = arith.constant 0 : index
    %get3A_46 = vector.load %arg7[%get3A_44, %get3A_45] : memref<1x256xf32, #tpu.memory_space<vmem>>, vector<1x256xf32>
    %add3A_47 = vector.broadcast %get3A_46 : vector<1x256xf32> to vector<4000x256xf32>
    %add3A_48 = arith.addf %dot_general3A_43, %add3A_47 : vector<4000x256xf32>
    %logistic3A_49 = arith.negf %add3A_48 : vector<4000x256xf32>
    %logistic3A_50 = math.exp %logistic3A_49 : vector<4000x256xf32>
    %logistic3A_51 = arith.constant 1.000000e+00 : f32
    %logistic3A_52 = vector.broadcast %logistic3A_51 : f32 to vector<4000x256xf32>
    %logistic3A_53 = arith.addf %logistic3A_52, %logistic3A_50 : vector<4000x256xf32>
    %logistic3A_54 = arith.divf %logistic3A_52, %logistic3A_53 : vector<4000x256xf32>
    %mul3A_55 = arith.mulf %add3A_48, %logistic3A_54 : vector<4000x256xf32>
    %slice3A_56 = vector.extract_strided_slice %dot_general3A_27 {offsets = [0, 256], sizes = [4000, 32], strides = [1, 1]} : vector<4000x288xf32> to vector<4000x32xf32>
    %get3A_57 = arith.constant 0 : index
    %get3A_58 = arith.constant 0 : index
    %get3A_59 = vector.load %arg8[%get3A_57, %get3A_58] : memref<1x32xf32, #tpu.memory_space<vmem>>, vector<1x32xf32>
    %add3A_60 = vector.broadcast %get3A_59 : vector<1x32xf32> to vector<4000x32xf32>
    %add3A_61 = arith.addf %slice3A_56, %add3A_60 : vector<4000x32xf32>
    %logistic3A_62 = arith.negf %add3A_61 : vector<4000x32xf32>
    %logistic3A_63 = math.exp %logistic3A_62 : vector<4000x32xf32>
    %logistic3A_64 = arith.constant 1.000000e+00 : f32
    %logistic3A_65 = vector.broadcast %logistic3A_64 : f32 to vector<4000x32xf32>
    %logistic3A_66 = arith.addf %logistic3A_65, %logistic3A_63 : vector<4000x32xf32>
    %logistic3A_67 = arith.divf %logistic3A_65, %logistic3A_66 : vector<4000x32xf32>
    %mul3A_68 = arith.mulf %add3A_61, %logistic3A_67 : vector<4000x32xf32>
    %get3A_69 = arith.constant 0 : index
    %get3A_70 = arith.constant 0 : index
    %get3A_71 = vector.load %arg9[%get3A_69, %get3A_70] : memref<32x1xf32, #tpu.memory_space<vmem>>, vector<32x1xf32>
    %dot_general3A_72 = arith.constant dense<0.000000e+00> : vector<4000x1xf32>
    %dot_general3A_73 = tpu.matmul %mul3A_68, %get3A_71, %dot_general3A_72 {dimension_numbers = #tpu.dot_dimension_numbers<[1], [0], [0], [1], [0, 0, 1, 1], [], []>, transpose_lhs_hint = false} : vector<4000x32xf32>, vector<32x1xf32>, vector<4000x1xf32> -> vector<4000x1xf32>
    %get3A_74 = arith.constant 0 : index
    %get3A_75 = arith.constant 0 : index
    %get3A_76 = vector.load %arg10[%get3A_74, %get3A_75] : memref<1x1xf32, #tpu.memory_space<vmem>>, vector<1x1xf32>
    %add3A_77 = vector.broadcast %get3A_76 : vector<1x1xf32> to vector<4000x1xf32>
    %add3A_78 = arith.addf %dot_general3A_73, %add3A_77 : vector<4000x1xf32>
    %logistic3A_79 = arith.negf %add3A_78 : vector<4000x1xf32>
    %logistic3A_80 = math.exp %logistic3A_79 : vector<4000x1xf32>
    %logistic3A_81 = arith.constant 1.000000e+00 : f32
    %logistic3A_82 = vector.broadcast %logistic3A_81 : f32 to vector<4000x1xf32>
    %logistic3A_83 = arith.addf %logistic3A_82, %logistic3A_80 : vector<4000x1xf32>
    %logistic3A_84 = arith.divf %logistic3A_82, %logistic3A_83 : vector<4000x1xf32>
    %mul3A_85 = vector.broadcast %logistic3A_84 : vector<4000x1xf32> to vector<4000x256xf32>
    %mul3A_86 = arith.mulf %mul3A_55, %mul3A_85 : vector<4000x256xf32>
    %swap3A = arith.constant 0 : index
    %swap3A_87 = arith.constant 0 : index
    %swap3A_88 = vector.load %arg11[%swap3A, %swap3A_87] : memref<4000x256xf32, #tpu.memory_space<vmem>>, vector<4000x256xf32>
    tpu.vector_store %arg11[%swap3A, %swap3A_87], %mul3A_86 {strides = array<i32>} : memref<4000x256xf32, #tpu.memory_space<vmem>>, vector<4000x256xf32>,
    return
  }
  func.func @transform_0(%arg0: i32) -> (i32, i32) {
    %c0_i32 = arith.constant 0 : i32
    %c0_i32_0 = arith.constant 0 : i32
    return %arg0, %c0_i32 : i32, i32
  }
  func.func @transform_1(%arg0: i32) -> (i32, i32) {
    %c0_i32 = arith.constant 0 : i32
    %c0_i32_0 = arith.constant 0 : i32
    return %arg0, %c0_i32 : i32, i32
  }
  func.func @transform_2(%arg0: i32) -> (i32, i32) {
    %c0_i32 = arith.constant 0 : i32
    %c0_i32_0 = arith.constant 0 : i32
    return %arg0, %c0_i32 : i32, i32
  }
  func.func @transform_3(%arg0: i32) -> (i32, i32) {
    %c0_i32 = arith.constant 0 : i32
    %c0_i32_0 = arith.constant 0 : i32
    %c0_i32_1 = arith.constant 0 : i32
    return %c0_i32, %c0_i32_0 : i32, i32
  }
  func.func @transform_4(%arg0: i32) -> (i32, i32) {
    %c0_i32 = arith.constant 0 : i32
    %c0_i32_0 = arith.constant 0 : i32
    %c0_i32_1 = arith.constant 0 : i32
    return %c0_i32, %c0_i32_0 : i32, i32
  }
  func.func @transform_5(%arg0: i32) -> (i32, i32) {
    %c0_i32 = arith.constant 0 : i32
    %c0_i32_0 = arith.constant 0 : i32
    %c0_i32_1 = arith.constant 0 : i32
    return %c0_i32, %c0_i32_0 : i32, i32
  }
  func.func @transform_6(%arg0: i32) -> (i32, i32) {
    %c0_i32 = arith.constant 0 : i32
    %c0_i32_0 = arith.constant 0 : i32
    %c0_i32_1 = arith.constant 0 : i32
    return %c0_i32, %c0_i32_0 : i32, i32
  }
  func.func @transform_7(%arg0: i32) -> (i32, i32) {
    %c0_i32 = arith.constant 0 : i32
    %c0_i32_0 = arith.constant 0 : i32
    %c0_i32_1 = arith.constant 0 : i32
    return %c0_i32, %c0_i32_0 : i32, i32
  }
  func.func @transform_8(%arg0: i32) -> (i32, i32) {
    %c0_i32 = arith.constant 0 : i32
    %c0_i32_0 = arith.constant 0 : i32
    %c0_i32_1 = arith.constant 0 : i32
    return %c0_i32, %c0_i32_0 : i32, i32
  }
  func.func @transform_9(%arg0: i32) -> (i32, i32) {
    %c0_i32 = arith.constant 0 : i32
    %c0_i32_0 = arith.constant 0 : i32
    %c0_i32_1 = arith.constant 0 : i32
    return %c0_i32, %c0_i32_0 : i32, i32
  }
  func.func @transform_10(%arg0: i32) -> (i32, i32) {
    %c0_i32 = arith.constant 0 : i32
    %c0_i32_0 = arith.constant 0 : i32
    return %arg0, %c0_i32 : i32, i32
  }
}

module attributes {stable_mosaic.version = 14 : i64} {
  func.func @_node_body(%arg0: i32, %arg1: memref<2000x256xf32, #tpu.memory_space<vmem>>, %arg2: memref<2000x256xf32, #tpu.memory_space<vmem>>, %arg3: memref<2000x256xf32, #tpu.memory_space<vmem>>, %arg4: memref<256x512xbf16, #tpu.memory_space<vmem>>, %arg5: memref<256x512xbf16, #tpu.memory_space<vmem>>, %arg6: memref<1x512xf32, #tpu.memory_space<vmem>>, %arg7: memref<512x256xbf16, #tpu.memory_space<vmem>>, %arg8: memref<1x256xf32, #tpu.memory_space<vmem>>, %arg9: memref<1x256xf32, #tpu.memory_space<vmem>>, %arg10: memref<1x256xf32, #tpu.memory_space<vmem>>, %arg11: memref<2000x256xf32, #tpu.memory_space<vmem>>) attributes {dimension_semantics = [#tpu.dimension_semantics<parallel>], iteration_bounds = array<i64: 5>, scalar_prefetch = 0 : i64, scratch_operands = 0 : i64, tpu.core_type = #tpu.core_type<tc>, window_params = [{transform_indices = @transform_0, window_bounds = array<i64: 2000, 256>}, {transform_indices = @transform_1, window_bounds = array<i64: 2000, 256>}, {transform_indices = @transform_2, window_bounds = array<i64: 2000, 256>}, {pipeline_mode = #tpu.pipeline_mode<synchronous>, transform_indices = @transform_3, window_bounds = array<i64: 256, 512>}, {pipeline_mode = #tpu.pipeline_mode<synchronous>, transform_indices = @transform_4, window_bounds = array<i64: 256, 512>}, {pipeline_mode = #tpu.pipeline_mode<synchronous>, transform_indices = @transform_5, window_bounds = array<i64: 1, 512>}, {pipeline_mode = #tpu.pipeline_mode<synchronous>, transform_indices = @transform_6, window_bounds = array<i64: 512, 256>}, {pipeline_mode = #tpu.pipeline_mode<synchronous>, transform_indices = @transform_7, window_bounds = array<i64: 1, 256>}, {pipeline_mode = #tpu.pipeline_mode<synchronous>, transform_indices = @transform_8, window_bounds = array<i64: 1, 256>}, {pipeline_mode = #tpu.pipeline_mode<synchronous>, transform_indices = @transform_9, window_bounds = array<i64: 1, 256>}, {transform_indices = @transform_10, window_bounds = array<i64: 2000, 256>}]} {
    %get3A = arith.constant 0 : index
    %get3A_0 = arith.constant 0 : index
    %get3A_1 = vector.load %arg2[%get3A, %get3A_0] : memref<2000x256xf32, #tpu.memory_space<vmem>>, vector<2000x256xf32>
    %get3A_2 = arith.constant 0 : index
    %get3A_3 = arith.constant 0 : index
    %get3A_4 = vector.load %arg3[%get3A_2, %get3A_3] : memref<2000x256xf32, #tpu.memory_space<vmem>>, vector<2000x256xf32>
    %add3A = arith.addf %get3A_1, %get3A_4 : vector<2000x256xf32>
    %get3A_5 = arith.constant 0 : index
    %get3A_6 = arith.constant 0 : index
    %get3A_7 = vector.load %arg1[%get3A_5, %get3A_6] : memref<2000x256xf32, #tpu.memory_space<vmem>>, vector<2000x256xf32>
    %convert_element_type3A = arith.truncf %get3A_7 : vector<2000x256xf32> to vector<2000x256xbf16>
    %get3A_8 = arith.constant 0 : index
    %get3A_9 = arith.constant 0 : index
    %get3A_10 = vector.load %arg4[%get3A_8, %get3A_9] : memref<256x512xbf16, #tpu.memory_space<vmem>>, vector<256x512xbf16>
    %dot_general3A = arith.constant dense<0.000000e+00> : vector<2000x512xf32>
    %dot_general3A_11 = tpu.matmul %convert_element_type3A, %get3A_10, %dot_general3A {dimension_numbers = #tpu.dot_dimension_numbers<[1], [0], [0], [1], [0, 0, 1, 1], [], []>, transpose_lhs_hint = false} : vector<2000x256xbf16>, vector<256x512xbf16>, vector<2000x512xf32> -> vector<2000x512xf32>
    %convert_element_type3A_12 = arith.truncf %add3A : vector<2000x256xf32> to vector<2000x256xbf16>
    %get3A_13 = arith.constant 0 : index
    %get3A_14 = arith.constant 0 : index
    %get3A_15 = vector.load %arg5[%get3A_13, %get3A_14] : memref<256x512xbf16, #tpu.memory_space<vmem>>, vector<256x512xbf16>
    %dot_general3A_16 = arith.constant dense<0.000000e+00> : vector<2000x512xf32>
    %dot_general3A_17 = tpu.matmul %convert_element_type3A_12, %get3A_15, %dot_general3A_16 {dimension_numbers = #tpu.dot_dimension_numbers<[1], [0], [0], [1], [0, 0, 1, 1], [], []>, transpose_lhs_hint = false} : vector<2000x256xbf16>, vector<256x512xbf16>, vector<2000x512xf32> -> vector<2000x512xf32>
    %add3A_18 = arith.addf %dot_general3A_11, %dot_general3A_17 : vector<2000x512xf32>
    %get3A_19 = arith.constant 0 : index
    %get3A_20 = arith.constant 0 : index
    %get3A_21 = vector.load %arg6[%get3A_19, %get3A_20] : memref<1x512xf32, #tpu.memory_space<vmem>>, vector<1x512xf32>
    %add3A_22 = vector.broadcast %get3A_21 : vector<1x512xf32> to vector<2000x512xf32>
    %add3A_23 = arith.addf %add3A_18, %add3A_22 : vector<2000x512xf32>
    %logistic3A = arith.negf %add3A_23 : vector<2000x512xf32>
    %logistic3A_24 = math.exp %logistic3A : vector<2000x512xf32>
    %logistic3A_25 = arith.constant 1.000000e+00 : f32
    %logistic3A_26 = vector.broadcast %logistic3A_25 : f32 to vector<2000x512xf32>
    %logistic3A_27 = arith.addf %logistic3A_26, %logistic3A_24 : vector<2000x512xf32>
    %logistic3A_28 = arith.divf %logistic3A_26, %logistic3A_27 : vector<2000x512xf32>
    %mul3A = arith.mulf %add3A_23, %logistic3A_28 : vector<2000x512xf32>
    %convert_element_type3A_29 = arith.truncf %mul3A : vector<2000x512xf32> to vector<2000x512xbf16>
    %get3A_30 = arith.constant 0 : index
    %get3A_31 = arith.constant 0 : index
    %get3A_32 = vector.load %arg7[%get3A_30, %get3A_31] : memref<512x256xbf16, #tpu.memory_space<vmem>>, vector<512x256xbf16>
    %dot_general3A_33 = arith.constant dense<0.000000e+00> : vector<2000x256xf32>
    %dot_general3A_34 = tpu.matmul %convert_element_type3A_29, %get3A_32, %dot_general3A_33 {dimension_numbers = #tpu.dot_dimension_numbers<[1], [0], [0], [1], [0, 0, 1, 1], [], []>, transpose_lhs_hint = false} : vector<2000x512xbf16>, vector<512x256xbf16>, vector<2000x256xf32> -> vector<2000x256xf32>
    %get3A_35 = arith.constant 0 : index
    %get3A_36 = arith.constant 0 : index
    %get3A_37 = vector.load %arg8[%get3A_35, %get3A_36] : memref<1x256xf32, #tpu.memory_space<vmem>>, vector<1x256xf32>
    %add3A_38 = vector.broadcast %get3A_37 : vector<1x256xf32> to vector<2000x256xf32>
    %add3A_39 = arith.addf %dot_general3A_34, %add3A_38 : vector<2000x256xf32>
    %get3A_40 = arith.constant 0 : index
    %get3A_41 = arith.constant 0 : index
    %get3A_42 = vector.load %arg1[%get3A_40, %get3A_41] : memref<2000x256xf32, #tpu.memory_space<vmem>>, vector<2000x256xf32>
    %add3A_43 = arith.addf %add3A_39, %get3A_42 : vector<2000x256xf32>
    %reduce_sum3A = arith.constant dense<0.000000e+00> : vector<2000xf32>
    %reduce_sum3A_44 = vector.multi_reduction <add>, %add3A_43, %reduce_sum3A [1] : vector<2000x256xf32> to vector<2000xf32>
    %broadcast_in_dim3A = vector.shape_cast %reduce_sum3A_44 : vector<2000xf32> to vector<2000x1xf32>
    %div3A = arith.constant 2.560000e+02 : f32
    %div3A_45 = vector.broadcast %div3A : f32 to vector<2000x1xf32>
    %div3A_46 = arith.divf %broadcast_in_dim3A, %div3A_45 : vector<2000x1xf32>
    %sub3A = vector.broadcast %div3A_46 : vector<2000x1xf32> to vector<2000x256xf32>
    %sub3A_47 = arith.subf %add3A_43, %sub3A : vector<2000x256xf32>
    %mul3A_48 = arith.mulf %sub3A_47, %sub3A_47 : vector<2000x256xf32>
    %reduce_sum3A_49 = arith.constant dense<0.000000e+00> : vector<2000xf32>
    %reduce_sum3A_50 = vector.multi_reduction <add>, %mul3A_48, %reduce_sum3A_49 [1] : vector<2000x256xf32> to vector<2000xf32>
    %broadcast_in_dim3A_51 = vector.shape_cast %reduce_sum3A_50 : vector<2000xf32> to vector<2000x1xf32>
    %div3A_52 = arith.constant 2.560000e+02 : f32
    %div3A_53 = vector.broadcast %div3A_52 : f32 to vector<2000x1xf32>
    %div3A_54 = arith.divf %broadcast_in_dim3A_51, %div3A_53 : vector<2000x1xf32>
    %add3A_55 = arith.constant 9.99999974E-6 : f32
    %add3A_56 = vector.broadcast %add3A_55 : f32 to vector<2000x1xf32>
    %add3A_57 = arith.addf %div3A_54, %add3A_56 : vector<2000x1xf32>
    %rsqrt3A = math.rsqrt %add3A_57 : vector<2000x1xf32>
    %mul3A_58 = vector.broadcast %rsqrt3A : vector<2000x1xf32> to vector<2000x256xf32>
    %mul3A_59 = arith.mulf %sub3A_47, %mul3A_58 : vector<2000x256xf32>
    %get3A_60 = arith.constant 0 : index
    %get3A_61 = arith.constant 0 : index
    %get3A_62 = vector.load %arg9[%get3A_60, %get3A_61] : memref<1x256xf32, #tpu.memory_space<vmem>>, vector<1x256xf32>
    %mul3A_63 = vector.broadcast %get3A_62 : vector<1x256xf32> to vector<2000x256xf32>
    %mul3A_64 = arith.mulf %mul3A_59, %mul3A_63 : vector<2000x256xf32>
    %get3A_65 = arith.constant 0 : index
    %get3A_66 = arith.constant 0 : index
    %get3A_67 = vector.load %arg10[%get3A_65, %get3A_66] : memref<1x256xf32, #tpu.memory_space<vmem>>, vector<1x256xf32>
    %add3A_68 = vector.broadcast %get3A_67 : vector<1x256xf32> to vector<2000x256xf32>
    %add3A_69 = arith.addf %mul3A_64, %add3A_68 : vector<2000x256xf32>
    %swap3A = arith.constant 0 : index
    %swap3A_70 = arith.constant 0 : index
    %swap3A_71 = vector.load %arg11[%swap3A, %swap3A_70] : memref<2000x256xf32, #tpu.memory_space<vmem>>, vector<2000x256xf32>
    tpu.vector_store %arg11[%swap3A, %swap3A_70], %add3A_69 {strides = array<i32>} : memref<2000x256xf32, #tpu.memory_space<vmem>>, vector<2000x256xf32>,
    return
  }
  func.func @transform_0(%arg0: i32) -> (i32, i32) {
    %c0_i32 = arith.constant 0 : i32
    %c0_i32_0 = arith.constant 0 : i32
    return %arg0, %c0_i32 : i32, i32
  }
  func.func @transform_1(%arg0: i32) -> (i32, i32) {
    %c0_i32 = arith.constant 0 : i32
    %c0_i32_0 = arith.constant 0 : i32
    return %arg0, %c0_i32 : i32, i32
  }
  func.func @transform_2(%arg0: i32) -> (i32, i32) {
    %c0_i32 = arith.constant 0 : i32
    %c0_i32_0 = arith.constant 0 : i32
    return %arg0, %c0_i32 : i32, i32
  }
  func.func @transform_3(%arg0: i32) -> (i32, i32) {
    %c0_i32 = arith.constant 0 : i32
    %c0_i32_0 = arith.constant 0 : i32
    %c0_i32_1 = arith.constant 0 : i32
    return %c0_i32, %c0_i32_0 : i32, i32
  }
  func.func @transform_4(%arg0: i32) -> (i32, i32) {
    %c0_i32 = arith.constant 0 : i32
    %c0_i32_0 = arith.constant 0 : i32
    %c0_i32_1 = arith.constant 0 : i32
    return %c0_i32, %c0_i32_0 : i32, i32
  }
  func.func @transform_5(%arg0: i32) -> (i32, i32) {
    %c0_i32 = arith.constant 0 : i32
    %c0_i32_0 = arith.constant 0 : i32
    %c0_i32_1 = arith.constant 0 : i32
    return %c0_i32, %c0_i32_0 : i32, i32
  }
  func.func @transform_6(%arg0: i32) -> (i32, i32) {
    %c0_i32 = arith.constant 0 : i32
    %c0_i32_0 = arith.constant 0 : i32
    %c0_i32_1 = arith.constant 0 : i32
    return %c0_i32, %c0_i32_0 : i32, i32
  }
  func.func @transform_7(%arg0: i32) -> (i32, i32) {
    %c0_i32 = arith.constant 0 : i32
    %c0_i32_0 = arith.constant 0 : i32
    %c0_i32_1 = arith.constant 0 : i32
    return %c0_i32, %c0_i32_0 : i32, i32
  }
  func.func @transform_8(%arg0: i32) -> (i32, i32) {
    %c0_i32 = arith.constant 0 : i32
    %c0_i32_0 = arith.constant 0 : i32
    %c0_i32_1 = arith.constant 0 : i32
    return %c0_i32, %c0_i32_0 : i32, i32
  }
  func.func @transform_9(%arg0: i32) -> (i32, i32) {
    %c0_i32 = arith.constant 0 : i32
    %c0_i32_0 = arith.constant 0 : i32
    %c0_i32_1 = arith.constant 0 : i32
    return %c0_i32, %c0_i32_0 : i32, i32
  }
  func.func @transform_10(%arg0: i32) -> (i32, i32) {
    %c0_i32 = arith.constant 0 : i32
    %c0_i32_0 = arith.constant 0 : i32
    return %arg0, %c0_i32 : i32, i32
  }
}

</mosaic_0001>

<sc_bundles>
// kernel: kernel.10.cloned.1.call-start
scs
__scs_entry_jumppad:
0x0: {  	(pc) =	sbr.rel $0x88, $3  }
0x1: {  	(tag) =	ssettag $0x0;
	lr =	simm.s32 $0x1  }
0x2: {  	[smem:$0x3F8F] =	sst lr;
	_ =	strace $0xD0000000  }
0x3: {  	_ = 	snop  }
0x4: {  	_ = 	snop  }
0x5: {  	_ = 	snop  }
0x6: {  	_ = 	snop  }
0x7: {  	_ = 	snop  }
__scs_overlays_trampoline_lowered:
0x8: {  	[smem:$0x3F9E] =	sst s0  }
0x9: {  	[smem:$0x3F9F] =	sst s1  }
0xa: {  	[smem:$0x3FA0] =	sst s2  }
0xb: {  	[smem:$0x3FA1] =	sst s3  }
0xc: {  	[smem:$0x3FA2] =	sst s4  }
0xd: {  	[smem:$0x3FA3] =	sst s5  }
0xe: {  	[smem:$0x3FA4] =	sst s6  }
0xf: {  	[smem:$0x3FA5] =	sst s7  }
0x10: {  	[smem:$0x3FA6] =	sst s8  }
0x11: {  	[smem:$0x3FA7] =	sst s9;
	s0 =	simm.s32 @!p0 $0x0  }
0x12: {  	s1 =	sld [smem:$0x3F8D];
	s0 =	simm.s32 @p0 $0x1  }
0x13: {  	[smem:$0x3FA8] =	sst s0;
	s0 =	simm.s32 @!p1 $0x0  }
0x14: {  	s2 =	sld [smem:$0x3F8C];
	s0 =	simm.s32 @p1 $0x1  }
0x15: {  	[smem:$0x3FA9] =	sst s0;
	s0 =	simm.s32 @!p2 $0x0  }
0x16: {  	s3 =	sld [smem:$0x3FDB];
	s0 =	simm.s32 @p2 $0x1  }
0x17: {  	s4 =	simm.s32 $0x1BF5;
	[smem:$0x3FAB] =	sst s0  }
0x18: {  	s0 =	sld [smem:$0x3F8E];
	_ =	swait.ge [sflag:s4], $0x0  }
0x19: {  	s7 =	sld [smem:$0x3F8F]  }
0x1a: {  	s8 =	sadd.s32 $0xFFFFE003, lr  }
0x1b: {  	s9 =	sadd.s32 $0xFFFFFEF7, lr;
	s5 =	simm.s32 $0xFFFFFFFF;
	p2 =	slt.u32 s8, $0xFFFFF086  }
0x1c: {  	p1 =	slt.u32 s9, $0xF7A;
	s5 =	simm.s32 @!p2 $0x0  }
0x1d: {  	s5 =	simm.s32 @p1 $0x1;
	p0 =	seq.s32 s7, s2  }
0x1e: {  	s7 =	smul.u32 @!p0 $0xF7A, s2;
	p2 =	seq.s32 @!p0 s5, $0x0  }
0x1f: {  	s9 =	smul.u32 $0xF7A, s1;
	s8 =	simm.s32 @!p0 $0x1BF5;
	p2 =	por !p2, p0  }
0x20: {  	[sflag:s8] =	ssyncset.s32 @!p0 $0xFFFFF086;
	s6 =	sadd.s32 @!p0 s3, s7;
	s7 =	simm.s32 @!p0 $0x108  }
0x21: {  	s3 =	sadd.s32 s3, s9;
	s6 =	sadd.s32 @!p0 $0x88, s6;
	s7 =	simm.s32 @p2 $0x1082  }
0x22: {  	[simem:s7], [sflag:s8] =	dma.local @!p0 [hbm:s6], $0xF7A  }
0x23: {  	s9 =	sor.u32 $0xD0000000, s2;
	s6 =	simm.s32 $0x108;
	_ =	swait.ge @!p0 [sflag:s8], $0x0  }
0x24: {  	s3 =	sadd.s32 $0x88, s3;
	s6 =	simm.s32 @!p1 $0x1082;
	[sflag:s4] =	ssyncset.s32 $0xFFFFF086  }
0x25: {  	[simem:s6], [sflag:s4] =	dma.local [hbm:s3], $0xF7A  }
0x26: {  	[smem:$0x3F8F] =	sst s1;
	(tag) =	ssettag s2;
	_ =	strace s9  }
0x27: {  	s1 =	sld [smem:$0x3F9F]  }
0x28: {  	s2 =	sld [smem:$0x3FA0]  }
0x29: {  	s4 =	sld [smem:$0x3FA2]  }
0x2a: {  	p0 =	seq.s32 s5, $0x0;
	s5 =	sld [smem:$0x3FA3]  }
0x2b: {  	s6 =	sld [smem:$0x3FA4]  }
0x2c: {  	s7 =	sld [smem:$0x3FA5]  }
0x2d: {  	s3 =	simm.s32 $0x108;
	s8 =	sld [smem:$0x3FA6]  }
0x2e: {  	s3 =	simm.s32 @!p0 $0x1082;
	s9 =	sld [smem:$0x3FA7]  }
0x2f: {  	lr =	sadd.s32 s0, s3;
	s0 =	sld [smem:$0x3F9E]  }
0x30: {  	s3 =	sld [smem:$0x3FA1]  }
0x31: {  	[smem:$0x3FAA] =	sst s10  }
0x32: {  	s10 =	sld [smem:$0x3FA8];
	_ =	sdelay $0x3  }
0x33: {  	p0 =	seq.s32 s10, $0x1;
	s10 =	sld [smem:$0x3FAA];
	_ =	sdelay $0x3  }
0x34: {  	[smem:$0x3FAA] =	sst s10  }
0x35: {  	s10 =	sld [smem:$0x3FA9];
	_ =	sdelay $0x3  }
0x36: {  	p1 =	seq.s32 s10, $0x1;
	s10 =	sld [smem:$0x3FAA];
	_ =	sdelay $0x3  }
0x37: {  	[smem:$0x3FAA] =	sst s10  }
0x38: {  	s10 =	sld [smem:$0x3FAB]  }
0x39: {  	_ = 	snop;
	(pc) =	sbr.ind lr, $3  }
0x3a: {  	_ = 	snop  }
0x3b: {  	_ = 	snop  }
0x3c: {  	p2 =	seq.s32 s10, $0x1;
	s10 =	sld [smem:$0x3FAA]  }
0x3d: {  	_ =	shalt  }
0x3e: {  	_ =	shalt  }
0x3f: {  	_ =	shalt  }
0x40: {  	_ =	shalt  }
0x41: {  	_ =	shalt  }
0x42: {  	_ =	shalt  }
0x43: {  	_ =	shalt  }
0x44: {  	_ =	shalt  }
0x45: {  	_ =	shalt  }
0x46: {  	_ =	shalt  }
0x47: {  	_ =	shalt  }
0x48: {  	_ =	shalt  }
0x49: {  	_ =	shalt  }
0x4a: {  	_ =	shalt  }
0x4b: {  	_ =	shalt  }
0x4c: {  	_ =	shalt  }
0x4d: {  	_ =	shalt  }
0x4e: {  	_ =	shalt  }
0x4f: {  	_ =	shalt  }
0x50: {  	_ =	shalt  }
0x51: {  	_ =	shalt  }
0x52: {  	_ =	shalt  }
0x53: {  	_ =	shalt  }
0x54: {  	_ =	shalt  }
0x55: {  	_ =	shalt  }
0x56: {  	_ =	shalt  }
0x57: {  	_ =	shalt  }
0x58: {  	_ =	shalt  }
0x59: {  	_ =	shalt  }
0x5a: {  	_ =	shalt  }
0x5b: {  	_ =	shalt  }
0x5c: {  	_ =	shalt  }
0x5d: {  	_ =	shalt  }
0x5e: {  	_ =	shalt  }
0x5f: {  	_ =	shalt  }
0x60: {  	_ =	shalt  }
0x61: {  	_ =	shalt  }
0x62: {  	_ =	shalt  }
0x63: {  	_ =	shalt  }
0x64: {  	_ =	shalt  }
0x65: {  	_ =	shalt  }
0x66: {  	_ =	shalt  }
0x67: {  	_ =	shalt  }
0x68: {  	_ =	shalt  }
0x69: {  	_ =	shalt  }
0x6a: {  	_ =	shalt  }
0x6b: {  	_ =	shalt  }
0x6c: {  	_ =	shalt  }
0x6d: {  	_ =	shalt  }
0x6e: {  	_ =	shalt  }
0x6f: {  	_ =	shalt  }
0x70: {  	_ =	shalt  }
0x71: {  	_ =	shalt  }
0x72: {  	_ =	shalt  }
0x73: {  	_ =	shalt  }
0x74: {  	_ =	shalt  }
0x75: {  	_ =	shalt  }
0x76: {  	_ =	shalt  }
0x77: {  	_ =	shalt  }
0x78: {  	_ =	shalt  }
0x79: {  	_ =	shalt  }
0x7a: {  	_ =	shalt  }
0x7b: {  	_ =	shalt  }
0x7c: {  	_ =	shalt  }
0x7d: {  	_ =	shalt  }
0x7e: {  	_ =	shalt  }
0x7f: {  	_ =	shalt  }
0x80: {  	_ =	shalt  }
0x81: {  	_ =	shalt  }
0x82: {  	_ =	shalt  }
0x83: {  	_ =	shalt  }
0x84: {  	_ =	shalt  }
0x85: {  	_ =	shalt  }
0x86: {  	_ =	shalt  }
0x87: {  	_ =	shalt  }
.Lfunc_end0:
.L_simem_size_0:
called_computation_lowered:
.L_overlay_start_0:
0x88: {  	s2 =	sld [smem:$0x3FD9]  }
0x89: {  	s3 =	sld [smem:$0x3FFE];
	_ =	sdelay $0x1  }
0x8a: {  	s1 =	srdreg.scid  }
0x8b: {  	s0 =	sand.u32 $0x1, s1  }
0x8c: {  	s17 =	sshll.u32 s0, $0xA;
	s2 =	sadd.s32 s3, s2  }
0x8d: {  	s2 =	sadd.s32 s2, s17  }
0x8e: {  	[smem:$0x3FB6] =	sst s2  }
0x8f: {  	_ = 	snop  }
0x90: {  	s2 =	sld [smem:$0x3FD0];
	(tm) =	ssettm $0x1  }
0x91: {  	s18 =	sld [smem:$0x3FFB];
	_ =	sdelay $0x3  }
0x92: {  	_ =	strace s18  }
0x93: {  	s3 =	sld [smem:$0x3FFC];
	_ =	sdelay $0x3  }
0x94: {  	_ =	strace s3  }
0x95: {  	s3 =	sld [smem:$0x3FFD];
	_ =	sdelay $0x3  }
0x96: {  	_ =	strace s3  }
0x97: {  	_ =	strace $0x8FFFFFFF  }
0x98: {  	s19 =	sld [smem:$0x3FDB];
	_ =	sdelay $0x1  }
0x99: {  	s4 =	simm.s32 $_scs_section_size  }
0x9a: {  	s5 =	simm.s32 $_size__tile_overlayer_lowered;
	s6 =	simm.s32 $_tile_overlayer_lowered  }
0x9b: {  	s22 =	simm.s32 $0x1BFF;
	s21 =	sshll.u32 s6, $0x1;
	s3 =	sadd.s32 s4, s19  }
0x9c: {  	s7 =	simm.s32 $0x0;
	s20 =	sshll.u32 s5, $0x1;
	s5 =	sadd.s32 s21, s3  }
0x9d: {  	[timem:s7], [sflag:s22] =	dma.local [hbm:s5], s20  }
0x9e: {  	_ =	swait.ge [sflag:s22], s20  }
0x9f: {  	s4 =	ssub.s32 $0x0, s20;
	[sflag:s22] =	ssyncset.done $0x0  }
0xa0: {  	[sflag:s22] =	ssyncadd.s32 s4;
	_ =	sdelay $0x1  }
0xa1: {  	s23 =	simm.s32 $0x1B8B  }
0xa2: {  	_ =	swait.ge [sflag:s23], $0x1  }
0xa3: {  	[sflag:s23] =	ssyncset.done $0x0  }
0xa4: {  	s25 =	simm.s32 $0x1B8E;
	s24 =	sld [smem:$0x3FFE];
	[sflag:s23] =	ssyncadd.s32 $0xFFFFFFFF  }
0xa5: {  	s26 =	simm.s32 $execute0_lowered;
	[smem:$0x3FD2] =	sst s25  }
0xa6: {  	s5 =	sshll.u32 s26, $0x1;
	_ =	strace $0x80000046;
	[dreg:$0x1] =	wrdreg $0xFFFFFFFF  }
0xa7: {  	s28 =	simm.s32 $_size_execute0_lowered;
	s3 =	sadd.s32 s3, s5;
	[dreg:$0x0] =	wrdreg $0x0  }
0xa8: {  	s5 =	sshll.u32 s28, $0x1;
	[dreg:$0x2] =	wrdreg s3  }
0xa9: {  	[dreg:$0x3] =	wrdreg s5  }
0xaa: {  	[dreg:$0x4] =	wrdreg $0xC0  }
0xab: {  	_ =	task [dreg:s7], $0x5FFFF  }
0xac: {  	[dreg:$0x1] =	wrdreg $0xFFFFFFFF  }
0xad: {  	[dreg:$0x0] =	wrdreg $0x60  }
0xae: {  	[dreg:$0x2] =	wrdreg s24  }
0xaf: {  	[dreg:$0x3] =	wrdreg s2  }
0xb0: {  	[dreg:$0x4] =	wrdreg $0x9  }
0xb1: {  	_ =	task.clear_ibuf [dreg:s7], $0x5FFFF;
	_ =	strace $0x90000046  }
0xb2: {  	s29 =	simm.s32 $0x9;
	_ =	strace $0x80000048  }
0xb3: {  	_ =	swait.ge [sflag:s29], $0x1  }
0xb4: {  	[sflag:s29] =	ssyncadd.s32 $0xFFFFFFFF  }
0xb5: {  	_ =	strace $0x90000048  }
0xb6: {  	_ =	sfence  }
0xb7: {  	s30 =	sld [smem:$0x0];
	_ =	sdelay $0x2  }
0xb8: {  	s31 =	sshll.u32 s1, $0xD;
	s1 =	sshrl.u32 s1, $0x2  }
0xb9: {  	s3 =	sand.u32 $0x4000, s31;
	s1 =	sadd.s32 s1, s30  }
0xba: {  	s0 =	sor.u32 s3, s0;
	s1 =	sshll.u32 s1, $0x11  }
0xbb: {  	s0 =	sor.u32 s1, s0  }
0xbc: {  	s0 =	sadd.s32 $0x8F2B, s0  }
0xbd: {  	[sflag:s0] =	ssyncadd.remote.s32 $0x1  }
0xbe: {  	_ =	sfence.sel $0xFFFF  }
0xbf: {  	[dreg:$0x0] =	wrdreg $0xFFFFFFFF;
	(pc) =	sbr.abs _section_cstart, $3  }
0xc0: {  	[dreg:$0x1] =	wrdreg $0xFFFFFFFF  }
0xc1: {  	_ =	task.clear_ibuf [dreg:s7], $0x2FFFF;
	_ =	strace $0x9FFFFFFF  }
0xc2: {  	(tm) =	ssettm $0x7FFFFFFF  }
0xc3: {  	_ =	shalt  }
tec
execute0_lowered:
.L_overlay_start_1:
0x0: {  	(tag) =	ssettag $0x1  }
0x1: {  	s0 =	srdreg.scid;
	s7 =	rddreg [dreg:$0x0]  }
0x2: {  	s2 =	stileid.u32;
	s8 =	rddreg [dreg:$0x1]  }
0x3: {  	s5 =	simm.s32 $0x1;
	s28 =	simm.s32 $0x2;
	s29 =	simm.s32 $0x3  }
0x4: {  	s30 =	simm.s32 $0x4;
	s31 =	simm.s32 $0x0;
	s0 =	sand.u32 $0x1, s0  }
0x5: {  	s6 =	sadd.s32 $0x56400, s7;
	s1 =	sor.u32 s0, s2;
	p0 =	seq.s32 s0, $0x1  }
0x6: {  	s4 =	smul.u32 $0x9C8, s0;
	s12 =	ssub.s32 $0x2, s0;
	p1 =	seq.s32 s1, $0x0  }
0x7: {  	s16 =	sshll.u32 s0, $0x3;
	s23 =	smul.u32 $0x4E400, s0;
	p0 =	por !p1, !p0  }
0x8: {  	s0 =	smul.u32 $0x9C80, s0;
	s1 =	simm.s32 $0x1;
	p0 =	por !p0, !p0  }
0x9: {  	s13 =	sshrl.u32 s12, $0x1;
	s18 =	sxor.u32 $0x948, s16;
	s1 =	simm.s32 @!p0 $0x0  }
0xa: {  	s20 =	sxor.u32 $0x1348, s16;
	s1 =	ssub.s32 s2, s1;
	s2 =	simm.s32 $0x0  }
0xb: {  	s12 =	ssub.s32 s12, s13;
	s3 =	smul.u32 $0x1388, s1;
	[smem:$0x7FF] =	sst s2  }
0xc: {  	s21 =	smul.u32 $0x9C400, s1;
	_ =	strace $0x80000047;
	[dreg:$0x5] =	wrdreg s18  }
0xd: {  	s1 =	smul.u32 $0x13880, s1;
	[dreg:$0x6] =	wrdreg s20;
	s20 =	simm.s32 $0x5  }
0xe: {  	s9 =	sadd.s32 s4, s3;
	s3 =	sadd.s32 $0x8000, s7;
	s4 =	sadd.s32 $0x2F200, s7  }
0xf: {  	s25 =	sadd.s32 s23, s21;
	s26 =	sadd.s32 s1, s6;
	s21 =	simm.s32 $0xA00  }
0x10: {  	s23 =	simm.s32 $0x1400;
	s10 =	sshrl.u32 s9, $0x3;
	s19 =	sshll.u32 s9, $0x7  }
0x11: {  	s9 =	ssub.s32 s9, s16;
	s16 =	smax.u32 s12, $0x1;
	s18 =	sadd.s32 s0, s26  }
0x12: {  	s26 =	simm.s32 $0xD400;
	s11 =	sadd.s32 s10, s7;
	s8 =	sadd.s32 s8, s10  }
0x13: {  	s7 =	sadd.s32 $0x18EC00, s7;
	s9 =	sshll.u32 s9, $0x7;
	[dreg:$0x3] =	wrdreg s8  }
0x14: {  	s17 =	sadd.s32 $0x5800, s11;
	s8 =	sadd.s32 $0x48000, s19;
	s9 =	sadd.s32 $0x4A400, s9  }
0x15: {  	s1 =	sadd.s32 s1, s7;
	[dreg:$0x4] =	wrdreg s17;
	s8 =	sshrl.u32 s8, $0x3  }
0x16: {  	s24 =	sshrl.u32 s9, $0x3;
	s17 =	sadd.s32 $0x4000, s25;
	s19 =	sadd.s32 s0, s1  }
0x17: {  	s25 =	simm.s32 $0x9400;
	s22 =	sadd.s32 s6, s8;
	s8 =	sadd.s32 s7, s8  }
0x18: {  	s14 =	sadd.s32 s6, s24;
	s15 =	sadd.s32 s7, s24;
	[dreg:$0x7] =	wrdreg s22  }
0x19: {  	s24 =	simm.s32 $0x5400;
	[dreg:$0x8] =	wrdreg s8;
	s22 =	simm.s32 $0x80  }
.LBB2_1:
0x1a: {  	s0 =	rddreg [dreg:$0x3]  }
0x1b: {  	[tilespmem:s2], [sflag:$0x5] =	stream.linear.gather [hbm4b:s0+s2], $0x9C8, $0x38;
	[tilespmem:$0x11400] =	vst v63  }
0x1c: {  	_ =	swait.ge [sflag:s20], $0x9C8  }
0x1d: {  	[sflag:s20] =	ssyncset.done $0x0  }
0x1e: {  	s8 =	rddreg [dreg:$0x4];
	[sflag:s20] =	ssyncadd.s32 $0xFFFFF638  }
0x1f: {  	[tilespmem:s21], [sflag:$0x5] =	stream.linear.gather [hbm4b:s8+s2], $0x9C8, $0x38;
	[tilespmem:$0x11400] =	vst v63  }
0x20: {  	_ =	swait.ge [sflag:s20], $0x9C8  }
0x21: {  	[sflag:s20] =	ssyncset.done $0x0  }
0x22: {  	[sflag:s20] =	ssyncadd.s32 $0xFFFFF638  }
0x23: {  	[tilespmem:s23], [sflag:$0x1] =	stream.indirect.gather [hbm4b:s3+s22], $0x80, s2, s22, $0xb8;
	[tilespmem:$0x11400] =	vst v63  }
0x24: {  	_ = 	snop  }
0x25: {  	[tilespmem:s24], [sflag:$0x2] =	stream.indirect.gather [hbm4b:s4+s22], $0x80, s21, s22, $0xb8;
	[tilespmem:$0x11400] =	vst v63  }
0x26: {  	s9 =	simm.s32 $0x80  }
0x27: {  	[tilespmem:s25], [sflag:$0x3] =	stream.indirect.gather [hbm4b:s3+s22], $0x80, s9, s22, $0xb8;
	[tilespmem:$0x11400] =	vst v63  }
0x28: {  	s10 =	simm.s32 $0xA80  }
0x29: {  	[tilespmem:s26], [sflag:$0x4] =	stream.indirect.gather [hbm4b:s4+s22], $0x80, s10, s22, $0xb8;
	[tilespmem:$0x11400] =	vst v63  }
0x2a: {  	_ =	swait.ge [sflag:s5], $0x4000  }
0x2b: {  	[sflag:s5] =	ssyncset.done $0x0  }
0x2c: {  	[sflag:s5] =	ssyncadd.s32 $0xFFFFC000  }
0x2d: {  	[hbm4b:s18+s2] =	stream.linear.scatter [tilespmem:s23], [sflag:$0x5], $0x4000, $0x38;
	[tilespmem:$0x11400] =	vst v63  }
0x2e: {  	_ =	swait.ge [sflag:s20], $0x4000  }
0x2f: {  	[sflag:s20] =	ssyncset.done $0x0  }
0x30: {  	[sflag:s20] =	ssyncadd.s32 $0xFFFFC000  }
0x31: {  	_ =	swait.ge [sflag:s28], $0x4000  }
0x32: {  	[sflag:s28] =	ssyncset.done $0x0  }
0x33: {  	[sflag:s28] =	ssyncadd.s32 $0xFFFFC000  }
0x34: {  	[hbm4b:s19+s2] =	stream.linear.scatter [tilespmem:s24], [sflag:$0x5], $0x4000, $0x38;
	[tilespmem:$0x11400] =	vst v63  }
0x35: {  	_ =	swait.ge [sflag:s20], $0x4000  }
0x36: {  	[sflag:s20] =	ssyncset.done $0x0  }
0x37: {  	s11 =	simm.s32 $0x100;
	[sflag:s20] =	ssyncadd.s32 $0xFFFFC000  }
0x38: {  	[tilespmem:s23], [sflag:$0x1] =	stream.indirect.gather [hbm4b:s3+s22], $0x80, s11, s22, $0xb8;
	[tilespmem:$0x11400] =	vst v63  }
0x39: {  	s12 =	simm.s32 $0xB00  }
0x3a: {  	[tilespmem:s24], [sflag:$0x2] =	stream.indirect.gather [hbm4b:s4+s22], $0x80, s12, s22, $0xb8;
	[tilespmem:$0x11400] =	vst v63  }
0x3b: {  	_ =	swait.ge [sflag:s29], $0x4000  }
0x3c: {  	s13 =	sshrl.u32 s17, $0x3;
	[sflag:s29] =	ssyncset.done $0x0  }
0x3d: {  	s1 =	sadd.s32 s6, s13;
	[sflag:s29] =	ssyncadd.s32 $0xFFFFC000  }
0x3e: {  	[hbm4b:s1+s2] =	stream.linear.scatter [tilespmem:s25], [sflag:$0x5], $0x4000, $0x38;
	[tilespmem:$0x11400] =	vst v63  }
0x3f: {  	_ =	swait.ge [sflag:s20], $0x4000  }
0x40: {  	[sflag:s20] =	ssyncset.done $0x0  }
0x41: {  	[sflag:s20] =	ssyncadd.s32 $0xFFFFC000  }
0x42: {  	_ =	swait.ge [sflag:s30], $0x4000  }
0x43: {  	[sflag:s30] =	ssyncset.done $0x0  }
0x44: {  	s0 =	sadd.s32 s7, s13;
	s8 =	sadd.s32 $0x1000, s18;
	[sflag:s30] =	ssyncadd.s32 $0xFFFFC000  }
0x45: {  	[hbm4b:s0+s2] =	stream.linear.scatter [tilespmem:s26], [sflag:$0x5], $0x4000, $0x38;
	[tilespmem:$0x11400] =	vst v63  }
0x46: {  	s9 =	simm.s32 $0x800;
	s10 =	simm.s32 $0x100;
	_ =	swait.ge [sflag:s20], $0x4000  }
0x47: {  	s1 =	sadd.s32 $0x8000, s17;
	s0 =	sadd.s32 $0x1000, s19;
	[sflag:s20] =	ssyncset.done $0x0  }
.LBB2_2:
0x48: {  	s13 =	sadd.s32 $0x80, s10  }
0x49: {  	[sflag:s20] =	ssyncadd.s32 $0xFFFFC000;
	s11 =	smov.u32 s9;
	s12 =	sadd.s32 $0x400, s9  }
0x4a: {  	[tilespmem:s25], [sflag:$0x3] =	stream.indirect.gather [hbm4b:s3+s22], $0x80, s13, s22, $0xb8;
	[tilespmem:$0x11400] =	vst v63  }
0x4b: {  	p0 =	sne.s32 s9, $0x2000;
	s9 =	sadd.s32 $0xA80, s10  }
0x4c: {  	[tilespmem:s26], [sflag:$0x4] =	stream.indirect.gather [hbm4b:s4+s22], $0x80, s9, s22, $0xb8;
	[tilespmem:$0x11400] =	vst v63  }
0x4d: {  	_ =	swait.ge [sflag:s5], $0x4000  }
0x4e: {  	[sflag:s5] =	ssyncset.done $0x0  }
0x4f: {  	[sflag:s5] =	ssyncadd.s32 $0xFFFFC000  }
0x50: {  	[hbm4b:s8+s2] =	stream.linear.scatter [tilespmem:s23], [sflag:$0x5], $0x4000, $0x38;
	[tilespmem:$0x11400] =	vst v63  }
0x51: {  	_ =	swait.ge [sflag:s20], $0x4000  }
0x52: {  	[sflag:s20] =	ssyncset.done $0x0  }
0x53: {  	[sflag:s20] =	ssyncadd.s32 $0xFFFFC000  }
0x54: {  	_ =	swait.ge [sflag:s28], $0x4000  }
0x55: {  	[sflag:s28] =	ssyncset.done $0x0  }
0x56: {  	[sflag:s28] =	ssyncadd.s32 $0xFFFFC000  }
0x57: {  	[hbm4b:s0+s2] =	stream.linear.scatter [tilespmem:s24], [sflag:$0x5], $0x4000, $0x38;
	[tilespmem:$0x11400] =	vst v63  }
0x58: {  	_ =	swait.ge [sflag:s20], $0x4000  }
0x59: {  	[sflag:s20] =	ssyncset.done $0x0  }
0x5a: {  	s9 =	sadd.s32 $0x100, s10;
	[sflag:s20] =	ssyncadd.s32 $0xFFFFC000  }
0x5b: {  	[tilespmem:s23], [sflag:$0x1] =	stream.indirect.gather [hbm4b:s3+s22], $0x80, s9, s22, $0xb8;
	[tilespmem:$0x11400] =	vst v63  }
0x5c: {  	s9 =	sadd.s32 $0xB00, s10  }
0x5d: {  	[tilespmem:s24], [sflag:$0x2] =	stream.indirect.gather [hbm4b:s4+s22], $0x80, s9, s22, $0xb8;
	[tilespmem:$0x11400] =	vst v63  }
0x5e: {  	_ =	swait.ge [sflag:s29], $0x4000  }
0x5f: {  	s9 =	sshrl.u32 s1, $0x3;
	[sflag:s29] =	ssyncset.done $0x0  }
0x60: {  	s10 =	sadd.s32 s6, s9;
	[sflag:s29] =	ssyncadd.s32 $0xFFFFC000  }
0x61: {  	[hbm4b:s10+s2] =	stream.linear.scatter [tilespmem:s25], [sflag:$0x5], $0x4000, $0x38;
	[tilespmem:$0x11400] =	vst v63  }
0x62: {  	_ =	swait.ge [sflag:s20], $0x4000  }
0x63: {  	[sflag:s20] =	ssyncset.done $0x0  }
0x64: {  	[sflag:s20] =	ssyncadd.s32 $0xFFFFC000  }
0x65: {  	_ =	swait.ge [sflag:s30], $0x4000  }
.Ltmp0:
0x66: {  	[sflag:s30] =	ssyncset.done $0x0;
	(pc) =	sbr.rel @p0 .LBB2_2-.Ltmp0, $4  }
0x67: {  	s8 =	sadd.s32 $0x1000, s8;
	s9 =	sadd.s32 s7, s9;
	[sflag:s30] =	ssyncadd.s32 $0xFFFFC000  }
0x68: {  	[hbm4b:s9+s2] =	stream.linear.scatter [tilespmem:s26], [sflag:$0x5], $0x4000, $0x38;
	[tilespmem:$0x11400] =	vst v63  }
0x69: {  	s0 =	sadd.s32 $0x1000, s0;
	s1 =	sadd.s32 $0x8000, s1;
	_ =	swait.ge [sflag:s20], $0x4000  }
0x6a: {  	s10 =	sshra.s32 s11, $0x2;
	s9 =	smov.u32 s12;
	[sflag:s20] =	ssyncset.done $0x0  }
0x6b: {  	s9 =	sadd.s32 $0x80, s10;
	[sflag:s20] =	ssyncadd.s32 $0xFFFFC000  }
0x6c: {  	[tilespmem:s25], [sflag:$0x3] =	stream.indirect.gather [hbm4b:s3+s22], $0x80, s9, s22, $0xb8;
	[tilespmem:$0x11400] =	vst v63  }
0x6d: {  	s12 =	sadd.s32 $0xA80, s10  }
0x6e: {  	[tilespmem:s26], [sflag:$0x4] =	stream.indirect.gather [hbm4b:s4+s22], $0x80, s12, s22, $0xb8;
	[tilespmem:$0x11400] =	vst v63  }
0x6f: {  	_ =	swait.ge [sflag:s5], $0x4000  }
0x70: {  	[sflag:s5] =	ssyncset.done $0x0  }
0x71: {  	[sflag:s5] =	ssyncadd.s32 $0xFFFFC000  }
0x72: {  	[hbm4b:s8+s2] =	stream.linear.scatter [tilespmem:s23], [sflag:$0x5], $0x4000, $0x38;
	[tilespmem:$0x11400] =	vst v63  }
0x73: {  	_ =	swait.ge [sflag:s20], $0x4000  }
0x74: {  	[sflag:s20] =	ssyncset.done $0x0  }
0x75: {  	[sflag:s20] =	ssyncadd.s32 $0xFFFFC000  }
0x76: {  	_ =	swait.ge [sflag:s28], $0x4000  }
0x77: {  	[sflag:s28] =	ssyncset.done $0x0  }
0x78: {  	[sflag:s28] =	ssyncadd.s32 $0xFFFFC000  }
0x79: {  	[hbm4b:s0+s2] =	stream.linear.scatter [tilespmem:s24], [sflag:$0x5], $0x4000, $0x38;
	[tilespmem:$0x11400] =	vst v63  }
0x7a: {  	_ =	swait.ge [sflag:s20], $0x4000  }
0x7b: {  	[sflag:s20] =	ssyncset.done $0x0  }
0x7c: {  	s13 =	sadd.s32 $0x100, s10;
	[sflag:s20] =	ssyncadd.s32 $0xFFFFC000  }
0x7d: {  	[tilespmem:s23], [sflag:$0x1] =	stream.indirect.gather [hbm4b:s3+s22], $0x80, s13, s22, $0xb8;
	[tilespmem:$0x11400] =	vst v63  }
0x7e: {  	s8 =	sadd.s32 $0xB00, s10  }
0x7f: {  	[tilespmem:s24], [sflag:$0x2] =	stream.indirect.gather [hbm4b:s4+s22], $0x80, s8, s22, $0xb8;
	[tilespmem:$0x11400] =	vst v63  }
0x80: {  	_ =	swait.ge [sflag:s29], $0x4000  }
0x81: {  	s9 =	sshrl.u32 s1, $0x3;
	[sflag:s29] =	ssyncset.done $0x0  }
0x82: {  	s1 =	sadd.s32 s6, s9;
	[sflag:s29] =	ssyncadd.s32 $0xFFFFC000  }
0x83: {  	[hbm4b:s1+s2] =	stream.linear.scatter [tilespmem:s25], [sflag:$0x5], $0x4000, $0x38;
	[tilespmem:$0x11400] =	vst v63  }
0x84: {  	_ =	swait.ge [sflag:s20], $0x4000  }
0x85: {  	[sflag:s20] =	ssyncset.done $0x0  }
0x86: {  	[sflag:s20] =	ssyncadd.s32 $0xFFFFC000  }
0x87: {  	_ =	swait.ge [sflag:s30], $0x4000  }
0x88: {  	[sflag:s30] =	ssyncset.done $0x0  }
0x89: {  	s0 =	sadd.s32 s7, s9;
	[sflag:s30] =	ssyncadd.s32 $0xFFFFC000  }
0x8a: {  	[hbm4b:s0+s2] =	stream.linear.scatter [tilespmem:s26], [sflag:$0x5], $0x4000, $0x38;
	[tilespmem:$0x11400] =	vst v63  }
0x8b: {  	_ =	swait.ge [sflag:s20], $0x4000  }
0x8c: {  	[sflag:s20] =	ssyncset.done $0x0  }
0x8d: {  	s10 =	rddreg [dreg:$0x5];
	[sflag:s20] =	ssyncadd.s32 $0xFFFFC000  }
0x8e: {  	[tilespmem:s25], [sflag:$0x3] =	stream.indirect.gather [hbm4b:s3+s22], $0x80, s10, s22, $0xb8;
	[tilespmem:$0x11400] =	vst v63  }
0x8f: {  	s11 =	rddreg [dreg:$0x6]  }
0x90: {  	[tilespmem:s26], [sflag:$0x4] =	stream.indirect.gather [hbm4b:s4+s22], $0x80, s11, s22, $0xb8;
	[tilespmem:$0x11400] =	vst v63  }
0x91: {  	_ =	swait.ge [sflag:s5], $0x4000  }
0x92: {  	[sflag:s5] =	ssyncset.done $0x0  }
0x93: {  	s12 =	rddreg [dreg:$0x7];
	[sflag:s5] =	ssyncadd.s32 $0xFFFFC000  }
0x94: {  	[hbm4b:s12+s2] =	stream.linear.scatter [tilespmem:s23], [sflag:$0x5], $0x4000, $0x38;
	[tilespmem:$0x11400] =	vst v63  }
0x95: {  	_ =	swait.ge [sflag:s20], $0x4000  }
0x96: {  	[sflag:s20] =	ssyncset.done $0x0  }
0x97: {  	[sflag:s20] =	ssyncadd.s32 $0xFFFFC000  }
0x98: {  	_ =	swait.ge [sflag:s28], $0x4000  }
0x99: {  	[sflag:s28] =	ssyncset.done $0x0  }
0x9a: {  	s13 =	rddreg [dreg:$0x8];
	[sflag:s28] =	ssyncadd.s32 $0xFFFFC000  }
0x9b: {  	[hbm4b:s13+s2] =	stream.linear.scatter [tilespmem:s24], [sflag:$0x5], $0x4000, $0x38;
	[tilespmem:$0x11400] =	vst v63  }
0x9c: {  	_ =	swait.ge [sflag:s20], $0x4000  }
0x9d: {  	[sflag:s20] =	ssyncset.done $0x0  }
0x9e: {  	[sflag:s20] =	ssyncadd.s32 $0xFFFFC000  }
0x9f: {  	_ =	swait.ge [sflag:s29], $0x4000  }
0xa0: {  	[sflag:s29] =	ssyncset.done $0x0  }
0xa1: {  	[sflag:s29] =	ssyncadd.s32 $0xFFFFC000  }
0xa2: {  	[hbm4b:s14+s2] =	stream.linear.scatter [tilespmem:s25], [sflag:$0x5], $0x4000, $0x38;
	[tilespmem:$0x11400] =	vst v63  }
0xa3: {  	_ =	swait.ge [sflag:s20], $0x4000  }
0xa4: {  	[sflag:s20] =	ssyncset.done $0x0  }
0xa5: {  	[sflag:s20] =	ssyncadd.s32 $0xFFFFC000  }
0xa6: {  	s31 =	sadd.s32 $0x1, s31;
	_ =	swait.ge [sflag:s30], $0x4000  }
0xa7: {  	p0 =	sne.s32 s31, s16;
	[sflag:s30] =	ssyncset.done $0x0  }
.Ltmp1:
0xa8: {  	[sflag:s30] =	ssyncadd.s32 $0xFFFFC000;
	(pc) =	sbr.rel @p0 .LBB2_1-.Ltmp1, $4  }
0xa9: {  	[hbm4b:s15+s2] =	stream.linear.scatter [tilespmem:s26], [sflag:$0x5], $0x4000, $0x38;
	[tilespmem:$0x11400] =	vst v63  }
0xaa: {  	_ =	swait.ge [sflag:s20], $0x4000  }
0xab: {  	[sflag:s20] =	ssyncset.done $0x0  }
0xac: {  	[sflag:s20] =	ssyncadd.s32 $0xFFFFC000  }
0xad: {  	_ =	sfence.sel $0x180000  }
0xae: {  	[bflag:$0x0] =	sbarrier.arrive $0xFFFF  }
0xaf: {  	_ =	strace $0x90000047  }
0xb0: {  	s0 =	stileid.u32;
	[bflag:$0x2] =	sbarrier.arrive $0xFFFF  }
0xb1: {  	p0 =	sne.s32 s0, $0x0;
	s0 =	rddreg [dreg:$0x2]  }
0xb2: {  	s0 =	sadd.s32 @!p0 $0x100000, s0  }
0xb3: {  	[sflag:s0] =	ssyncadd.tile.s32 @!p0 $0x1;
	_ =	shalt  }
.Lfunc_end2:
_tile_overlayer_lowered:
.L_overlay_start_2:
0xb4: {  	(tag) =	ssettag $0x2  }
0xb5: {  	s0 =	rddreg [dreg:$0x0];
	s2 =	stileid.u32  }
0xb6: {  	s1 =	rddreg [dreg:$0x1];
	p0 =	sne.s32 s2, $0x0  }
0xb7: {  	s3 =	rddreg [dreg:$0x2];
	[bflag:$0x3] =	sbarrier.arrive $0xFFFF;
	s2 =	simm.s32 @!p0 $0x1C05  }
0xb8: {  	[timem:s3], [sflag:s2] =	dma.local @!p0 [hbm:s0], s1  }
0xb9: {  	s0 =	simm.s32 @!p0 $0x5  }
0xba: {  	_ =	swait.ge @!p0 [sflag:s0], s1  }
0xbb: {  	s1 =	ssub.s32 @!p0 $0x0, s1;
	[sflag:s0] =	ssyncset.done @!p0 $0x0  }
0xbc: {  	[sflag:s0] =	ssyncadd.s32 @!p0 s1  }
0xbd: {  	[bflag:$0x3] =	sbarrier.arrive $0xFFFF  }
0xbe: {  	_ =	shalt  }

// kernel: kernel.13.cloned.1.call-start
scs
__scs_entry_jumppad:
0x0: {  	(pc) =	sbr.rel $0x88, $3  }
0x1: {  	(tag) =	ssettag $0x0;
	lr =	simm.s32 $0x1  }
0x2: {  	[smem:$0x3F8F] =	sst lr;
	_ =	strace $0xD0000000  }
0x3: {  	_ = 	snop  }
0x4: {  	_ = 	snop  }
0x5: {  	_ = 	snop  }
0x6: {  	_ = 	snop  }
0x7: {  	_ = 	snop  }
__scs_overlays_trampoline_lowered:
0x8: {  	[smem:$0x3F9E] =	sst s0  }
0x9: {  	[smem:$0x3F9F] =	sst s1  }
0xa: {  	[smem:$0x3FA0] =	sst s2  }
0xb: {  	[smem:$0x3FA1] =	sst s3  }
0xc: {  	[smem:$0x3FA2] =	sst s4  }
0xd: {  	[smem:$0x3FA3] =	sst s5  }
0xe: {  	[smem:$0x3FA4] =	sst s6  }
0xf: {  	[smem:$0x3FA5] =	sst s7  }
0x10: {  	[smem:$0x3FA6] =	sst s8  }
0x11: {  	[smem:$0x3FA7] =	sst s9;
	s0 =	simm.s32 @!p0 $0x0  }
0x12: {  	s1 =	sld [smem:$0x3F8D];
	s0 =	simm.s32 @p0 $0x1  }
0x13: {  	[smem:$0x3FA8] =	sst s0;
	s0 =	simm.s32 @!p1 $0x0  }
0x14: {  	s2 =	sld [smem:$0x3F8C];
	s0 =	simm.s32 @p1 $0x1  }
0x15: {  	[smem:$0x3FA9] =	sst s0;
	s0 =	simm.s32 @!p2 $0x0  }
0x16: {  	s3 =	sld [smem:$0x3FDB];
	s0 =	simm.s32 @p2 $0x1  }
0x17: {  	s4 =	simm.s32 $0x1BF5;
	[smem:$0x3FAB] =	sst s0  }
0x18: {  	s0 =	sld [smem:$0x3F8E];
	_ =	swait.ge [sflag:s4], $0x0  }
0x19: {  	s7 =	sld [smem:$0x3F8F]  }
0x1a: {  	s8 =	sadd.s32 $0xFFFFE003, lr  }
0x1b: {  	s9 =	sadd.s32 $0xFFFFFEF7, lr;
	s5 =	simm.s32 $0xFFFFFFFF;
	p2 =	slt.u32 s8, $0xFFFFF086  }
0x1c: {  	p1 =	slt.u32 s9, $0xF7A;
	s5 =	simm.s32 @!p2 $0x0  }
0x1d: {  	s5 =	simm.s32 @p1 $0x1;
	p0 =	seq.s32 s7, s2  }
0x1e: {  	s7 =	smul.u32 @!p0 $0xF7A, s2;
	p2 =	seq.s32 @!p0 s5, $0x0  }
0x1f: {  	s9 =	smul.u32 $0xF7A, s1;
	s8 =	simm.s32 @!p0 $0x1BF5;
	p2 =	por !p2, p0  }
0x20: {  	[sflag:s8] =	ssyncset.s32 @!p0 $0xFFFFF086;
	s6 =	sadd.s32 @!p0 s3, s7;
	s7 =	simm.s32 @!p0 $0x108  }
0x21: {  	s3 =	sadd.s32 s3, s9;
	s6 =	sadd.s32 @!p0 $0x88, s6;
	s7 =	simm.s32 @p2 $0x1082  }
0x22: {  	[simem:s7], [sflag:s8] =	dma.local @!p0 [hbm:s6], $0xF7A  }
0x23: {  	s9 =	sor.u32 $0xD0000000, s2;
	s6 =	simm.s32 $0x108;
	_ =	swait.ge @!p0 [sflag:s8], $0x0  }
0x24: {  	s3 =	sadd.s32 $0x88, s3;
	s6 =	simm.s32 @!p1 $0x1082;
	[sflag:s4] =	ssyncset.s32 $0xFFFFF086  }
0x25: {  	[simem:s6], [sflag:s4] =	dma.local [hbm:s3], $0xF7A  }
0x26: {  	[smem:$0x3F8F] =	sst s1;
	(tag) =	ssettag s2;
	_ =	strace s9  }
0x27: {  	s1 =	sld [smem:$0x3F9F]  }
0x28: {  	s2 =	sld [smem:$0x3FA0]  }
0x29: {  	s4 =	sld [smem:$0x3FA2]  }
0x2a: {  	p0 =	seq.s32 s5, $0x0;
	s5 =	sld [smem:$0x3FA3]  }
0x2b: {  	s6 =	sld [smem:$0x3FA4]  }
0x2c: {  	s7 =	sld [smem:$0x3FA5]  }
0x2d: {  	s3 =	simm.s32 $0x108;
	s8 =	sld [smem:$0x3FA6]  }
0x2e: {  	s3 =	simm.s32 @!p0 $0x1082;
	s9 =	sld [smem:$0x3FA7]  }
0x2f: {  	lr =	sadd.s32 s0, s3;
	s0 =	sld [smem:$0x3F9E]  }
0x30: {  	s3 =	sld [smem:$0x3FA1]  }
0x31: {  	[smem:$0x3FAA] =	sst s10  }
0x32: {  	s10 =	sld [smem:$0x3FA8];
	_ =	sdelay $0x3  }
0x33: {  	p0 =	seq.s32 s10, $0x1;
	s10 =	sld [smem:$0x3FAA];
	_ =	sdelay $0x3  }
0x34: {  	[smem:$0x3FAA] =	sst s10  }
0x35: {  	s10 =	sld [smem:$0x3FA9];
	_ =	sdelay $0x3  }
0x36: {  	p1 =	seq.s32 s10, $0x1;
	s10 =	sld [smem:$0x3FAA];
	_ =	sdelay $0x3  }
0x37: {  	[smem:$0x3FAA] =	sst s10  }
0x38: {  	s10 =	sld [smem:$0x3FAB]  }
0x39: {  	_ = 	snop;
	(pc) =	sbr.ind lr, $3  }
0x3a: {  	_ = 	snop  }
0x3b: {  	_ = 	snop  }
0x3c: {  	p2 =	seq.s32 s10, $0x1;
	s10 =	sld [smem:$0x3FAA]  }
0x3d: {  	_ =	shalt  }
0x3e: {  	_ =	shalt  }
0x3f: {  	_ =	shalt  }
0x40: {  	_ =	shalt  }
0x41: {  	_ =	shalt  }
0x42: {  	_ =	shalt  }
0x43: {  	_ =	shalt  }
0x44: {  	_ =	shalt  }
0x45: {  	_ =	shalt  }
0x46: {  	_ =	shalt  }
0x47: {  	_ =	shalt  }
0x48: {  	_ =	shalt  }
0x49: {  	_ =	shalt  }
0x4a: {  	_ =	shalt  }
0x4b: {  	_ =	shalt  }
0x4c: {  	_ =	shalt  }
0x4d: {  	_ =	shalt  }
0x4e: {  	_ =	shalt  }
0x4f: {  	_ =	shalt  }
0x50: {  	_ =	shalt  }
0x51: {  	_ =	shalt  }
0x52: {  	_ =	shalt  }
0x53: {  	_ =	shalt  }
0x54: {  	_ =	shalt  }
0x55: {  	_ =	shalt  }
0x56: {  	_ =	shalt  }
0x57: {  	_ =	shalt  }
0x58: {  	_ =	shalt  }
0x59: {  	_ =	shalt  }
0x5a: {  	_ =	shalt  }
0x5b: {  	_ =	shalt  }
0x5c: {  	_ =	shalt  }
0x5d: {  	_ =	shalt  }
0x5e: {  	_ =	shalt  }
0x5f: {  	_ =	shalt  }
0x60: {  	_ =	shalt  }
0x61: {  	_ =	shalt  }
0x62: {  	_ =	shalt  }
0x63: {  	_ =	shalt  }
0x64: {  	_ =	shalt  }
0x65: {  	_ =	shalt  }
0x66: {  	_ =	shalt  }
0x67: {  	_ =	shalt  }
0x68: {  	_ =	shalt  }
0x69: {  	_ =	shalt  }
0x6a: {  	_ =	shalt  }
0x6b: {  	_ =	shalt  }
0x6c: {  	_ =	shalt  }
0x6d: {  	_ =	shalt  }
0x6e: {  	_ =	shalt  }
0x6f: {  	_ =	shalt  }
0x70: {  	_ =	shalt  }
0x71: {  	_ =	shalt  }
0x72: {  	_ =	shalt  }
0x73: {  	_ =	shalt  }
0x74: {  	_ =	shalt  }
0x75: {  	_ =	shalt  }
0x76: {  	_ =	shalt  }
0x77: {  	_ =	shalt  }
0x78: {  	_ =	shalt  }
0x79: {  	_ =	shalt  }
0x7a: {  	_ =	shalt  }
0x7b: {  	_ =	shalt  }
0x7c: {  	_ =	shalt  }
0x7d: {  	_ =	shalt  }
0x7e: {  	_ =	shalt  }
0x7f: {  	_ =	shalt  }
0x80: {  	_ =	shalt  }
0x81: {  	_ =	shalt  }
0x82: {  	_ =	shalt  }
0x83: {  	_ =	shalt  }
0x84: {  	_ =	shalt  }
0x85: {  	_ =	shalt  }
0x86: {  	_ =	shalt  }
0x87: {  	_ =	shalt  }
.Lfunc_end0:
.L_simem_size_0:
called_computation.1_lowered:
.L_overlay_start_0:
0x88: {  	s2 =	sld [smem:$0x3FD9]  }
0x89: {  	s3 =	sld [smem:$0x3FFE];
	_ =	sdelay $0x1  }
0x8a: {  	s1 =	srdreg.scid  }
0x8b: {  	s0 =	sand.u32 $0x1, s1  }
0x8c: {  	s17 =	sshll.u32 s0, $0xA;
	s2 =	sadd.s32 s3, s2  }
0x8d: {  	s2 =	sadd.s32 s2, s17  }
0x8e: {  	[smem:$0x3FB6] =	sst s2  }
0x8f: {  	_ = 	snop  }
0x90: {  	s18 =	sld [smem:$0x3FD0];
	(tm) =	ssettm $0x1  }
0x91: {  	s19 =	sld [smem:$0x3FFB];
	_ =	sdelay $0x3  }
0x92: {  	_ =	strace s19  }
0x93: {  	s2 =	sld [smem:$0x3FFC];
	_ =	sdelay $0x3  }
0x94: {  	_ =	strace s2  }
0x95: {  	s2 =	sld [smem:$0x3FFD];
	_ =	sdelay $0x3  }
0x96: {  	_ =	strace s2  }
0x97: {  	_ =	strace $0x8FFFFFFF  }
0x98: {  	s20 =	sld [smem:$0x3FDB];
	_ =	sdelay $0x1  }
0x99: {  	s4 =	simm.s32 $_scs_section_size  }
0x9a: {  	s5 =	simm.s32 $_size__tile_overlayer_lowered;
	s6 =	simm.s32 $_tile_overlayer_lowered  }
0x9b: {  	s7 =	simm.s32 $0x1BFF;
	s21 =	sshll.u32 s6, $0x1;
	s4 =	sadd.s32 s4, s20  }
0x9c: {  	s22 =	simm.s32 $0x0;
	s5 =	sshll.u32 s5, $0x1;
	s6 =	sadd.s32 s21, s4  }
0x9d: {  	[timem:s22], [sflag:s7] =	dma.local [hbm:s6], s5  }
0x9e: {  	_ =	swait.ge [sflag:s7], s5  }
0x9f: {  	s5 =	ssub.s32 $0x0, s5;
	[sflag:s7] =	ssyncset.done $0x0  }
0xa0: {  	[sflag:s7] =	ssyncadd.s32 s5;
	_ =	sdelay $0x1  }
0xa1: {  	s23 =	simm.s32 $0x1B8B  }
0xa2: {  	_ =	swait.ge [sflag:s23], $0x1  }
0xa3: {  	[sflag:s23] =	ssyncset.done $0x0  }
0xa4: {  	[sflag:s23] =	ssyncadd.s32 $0xFFFFFFFF  }
0xa5: {  	s5 =	sld [smem:$0x0]  }
0xa6: {  	s6 =	sand.u32 $0xFFFFFFFE, s1  }
0xa7: {  	p0 =	sne.s32 s1, s6  }
0xa8: {  	s6 =	sshll.u32 @p0 s6, $0xE  }
0xa9: {  	s6 =	sadd.s32 @p0 $0x11B8D, s6;
	s7 =	sshll.u32 @p0 s5, $0x11  }
0xaa: {  	s6 =	sor.u32 @p0 s7, s6  }
0xab: {  	[sflag:s6] =	ssyncadd.remote.s32 @p0 $0x1;
	_ =	sdelay $0x1  }
0xac: {  	s6 =	simm.s32 @p0 $0x1B8D  }
0xad: {  	_ =	swait.eq @p0 [sflag:s6], $0x1  }
0xae: {  	[sflag:s6] =	ssyncadd.s32 @p0 $0xFFFFFFFF  }
0xaf: {  	s7 =	sshll.u32 @!p0 s1, $0xE  }
0xb0: {  	s7 =	sor.u32 @!p0 $0x4000, s7;
	s6 =	simm.s32 @!p0 $0x1B8D  }
0xb1: {  	s5 =	sshll.u32 @!p0 s5, $0x11;
	s7 =	sadd.s32 @!p0 $0x11B8D, s7;
	_ =	swait.eq @!p0 [sflag:s6], $0x1  }
0xb2: {  	s5 =	sor.u32 @!p0 s5, s7;
	[sflag:s6] =	ssyncadd.s32 @!p0 $0xFFFFFFFF  }
0xb3: {  	s25 =	simm.s32 $0x1B8E;
	s24 =	sld [smem:$0x3FFE];
	[sflag:s5] =	ssyncadd.remote.s32 @!p0 $0x1  }
0xb4: {  	s26 =	simm.s32 $execute0_lowered;
	[smem:$0x3FD2] =	sst s25  }
0xb5: {  	s6 =	sshll.u32 s26, $0x1;
	_ =	strace $0x8000004C;
	[dreg:$0x1] =	wrdreg $0xFFFFFFFF  }
0xb6: {  	s28 =	simm.s32 $_size_execute0_lowered;
	s4 =	sadd.s32 s4, s6;
	[dreg:$0x0] =	wrdreg $0x0  }
0xb7: {  	s6 =	sshll.u32 s28, $0x1;
	[dreg:$0x2] =	wrdreg s4  }
0xb8: {  	[dreg:$0x3] =	wrdreg s6  }
0xb9: {  	[dreg:$0x4] =	wrdreg $0xC0  }
0xba: {  	_ =	task [dreg:s22], $0x5FFFF  }
0xbb: {  	[dreg:$0x1] =	wrdreg $0xFFFFFFFF  }
0xbc: {  	[dreg:$0x0] =	wrdreg $0x60  }
0xbd: {  	[dreg:$0x2] =	wrdreg s24  }
0xbe: {  	[dreg:$0x3] =	wrdreg s18  }
0xbf: {  	[dreg:$0x4] =	wrdreg $0x68000  }
0xc0: {  	[dreg:$0x5] =	wrdreg $0x9  }
0xc1: {  	_ =	task.clear_ibuf [dreg:s22], $0x6FFFF;
	_ =	strace $0x9000004C  }
0xc2: {  	s29 =	simm.s32 $0x9;
	_ =	strace $0x8000004E  }
0xc3: {  	_ =	swait.ge [sflag:s29], $0x1  }
0xc4: {  	[sflag:s29] =	ssyncadd.s32 $0xFFFFFFFF  }
0xc5: {  	_ =	strace $0x9000004E  }
0xc6: {  	_ =	sfence  }
0xc7: {  	s30 =	sld [smem:$0x0];
	_ =	sdelay $0x2  }
0xc8: {  	s31 =	sshll.u32 s1, $0xD;
	s1 =	sshrl.u32 s1, $0x2  }
0xc9: {  	s4 =	sand.u32 $0x4000, s31;
	s1 =	sadd.s32 s1, s30  }
0xca: {  	s0 =	sor.u32 s4, s0;
	s1 =	sshll.u32 s1, $0x11  }
0xcb: {  	s0 =	sor.u32 s1, s0  }
0xcc: {  	s0 =	sadd.s32 $0x8F2B, s0  }
0xcd: {  	[sflag:s0] =	ssyncadd.remote.s32 $0x1  }
0xce: {  	_ =	sfence.sel $0xFFFF  }
0xcf: {  	[dreg:$0x0] =	wrdreg $0xFFFFFFFF;
	(pc) =	sbr.abs _section_cstart, $3  }
0xd0: {  	[dreg:$0x1] =	wrdreg $0xFFFFFFFF  }
0xd1: {  	_ =	task.clear_ibuf [dreg:s22], $0x2FFFF;
	_ =	strace $0x9FFFFFFF  }
0xd2: {  	(tm) =	ssettm $0x7FFFFFFF  }
0xd3: {  	_ =	shalt  }
tec
execute0_lowered:
.L_overlay_start_1:
0x0: {  	(tag) =	ssettag $0x1  }
0x1: {  	s0 =	rddreg [dreg:$0x0]  }
0x2: {  	s11 =	rddreg [dreg:$0x1]  }
0x3: {  	s1 =	rddreg [dreg:$0x2]  }
0x4: {  	s2 =	simm.s32 $0x0;
	s3 =	srdreg.scid;
	s10 =	stileid.u32  }
0x5: {  	s16 =	simm.s32 $0x3;
	s17 =	simm.s32 $0x400;
	s18 =	simm.s32 $0x800  }
0x6: {  	s28 =	simm.s32 $0x100;
	s29 =	simm.s32 $0x80;
	[smem:$0x7FF] =	sst s2  }
0x7: {  	s4 =	sadd.s32 $0x6AA000, s0;
	s3 =	sand.u32 $0x1, s3;
	s7 =	smul.u32 $0x138800, s10  }
0x8: {  	s5 =	sshll.u32 s10, $0xB;
	s21 =	ssub.s32 $0x109, s10;
	s14 =	smul.u32 $0x5000, s10  }
0x9: {  	s15 =	smul.u32 $0x2800, s10;
	_ =	strace $0x8000004D;
	s6 =	ssub.s32 $0x2, s3  }
0xa: {  	s0 =	sadd.s32 s5, s0;
	s12 =	sshll.u32 s3, $0xA;
	s5 =	sshrl.u32 s21, $0x4  }
0xb: {  	s21 =	simm.s32 $0x28;
	s19 =	sshrl.u32 s6, $0x1;
	s13 =	sor.u32 s12, s7  }
0xc: {  	s24 =	sshrl.u32 s14, $0x2;
	s30 =	sor.u32 s12, s15;
	s15 =	simm.s32 $0x4000  }
0xd: {  	s20 =	ssub.s32 s6, s19;
	s7 =	sshrl.u32 s13, $0x3;
	s8 =	sadd.s32 $0x2800, s13  }
0xe: {  	s6 =	sadd.s32 $0x542400, s0;
	s23 =	sadd.s32 $0x136000, s13;
	s25 =	sadd.s32 $0x7800, s13  }
0xf: {  	s3 =	sadd.s32 s24, s1;
	s13 =	sadd.s32 $0x5000, s13;
	s31 =	sshrl.u32 s30, $0x3  }
0x10: {  	s19 =	simm.s32 $0x5400;
	s24 =	simm.s32 $0x3D80;
	s7 =	sadd.s32 s4, s7  }
0x11: {  	s22 =	sshrl.u32 s8, $0x3;
	s9 =	smax.u32 s20, $0x1;
	s0 =	sshrl.u32 s23, $0x3  }
0x12: {  	s26 =	sshrl.u32 s25, $0x3;
	s14 =	sadd.s32 s31, s11;
	s20 =	simm.s32 $0x1  }
0x13: {  	s25 =	simm.s32 $0x3E00;
	s8 =	sadd.s32 s4, s22;
	s10 =	sadd.s32 s4, s0  }
0x14: {  	v0 =	vimm.f32 $0.0e+00;
	s12 =	sadd.s32 s26, s4;
	s22 =	simm.s32 $0x2;
	s26 =	simm.s32 $0x8  }
.LBB2_1:
0x15: {  	s0 =	simm.s32 $0x70;
	s30 =	simm.s32 $0x3C0  }
.LBB2_2:
0x16: {  	p0 =	sne.s32 s30, $0x4FC0;
	[tilespmem:s0+$0x4000] =	vst v0  }
0x17: {  	[tilespmem:s0+$0x3F90] =	vst v0  }
0x18: {  	[tilespmem:s0+$0x3FA0] =	vst v0  }
.Ltmp0:
0x19: {  	[tilespmem:s0+$0x3FB0] =	vst v0;
	(pc) =	sbr.rel @p0 .LBB2_2-.Ltmp0, $4  }
0x1a: {  	[tilespmem:s0+$0x3FC0] =	vst v0  }
0x1b: {  	[tilespmem:s0+$0x3FD0] =	vst v0  }
0x1c: {  	[tilespmem:s0+$0x3FE0] =	vst v0  }
0x1d: {  	[tilespmem:s0+$0x3FF0] =	vst v0;
	s0 =	sshra.s32 s30, $0x2;
	s30 =	sadd.s32 $0x200, s30  }
0x1e: {  	[tilespmem:s0+$0x4000] =	vst v0  }
0x1f: {  	[tilespmem:s0+$0x3F90] =	vst v0  }
0x20: {  	[tilespmem:s0+$0x3FA0] =	vst v0  }
0x21: {  	[tilespmem:s0+$0x3FB0] =	vst v0  }
0x22: {  	[tilespmem:s0+$0x3FC0] =	vst v0  }
0x23: {  	[tilespmem:s0+$0x3FD0] =	vst v0;
	p0 =	sne.s32 s5, $0x1  }
.Ltmp1:
0x24: {  	[tilespmem:s0+$0x3FE0] =	vst v0;
	(pc) =	sbr.rel @!p0 .LBB2_5-.Ltmp1, $4  }
0x25: {  	[tilespmem:s0+$0x3FF0] =	vst v0  }
0x26: {  	[spmem:s3] =	stream.linear.scatter [tilespmem:s15], [sflag:$0x3], $0x1400, $0x38;
	[tilespmem:$0x1A080] =	vst v63  }
0x27: {  	_ =	swait.ge [sflag:s16], $0x1400  }
0x28: {  	s0 =	sadd.s32 $0xFFFFFFFF, s5;
	s11 =	smov.u32 s3;
	[sflag:s16] =	ssyncset.done $0x0  }
.LBB2_4:
0x29: {  	p1 =	sne.s32 s0, $0x1;
	[sflag:s16] =	ssyncadd.s32 $0xFFFFEC00;
	s11 =	sadd.s32 $0x14000, s11  }
.Ltmp2:
0x2a: {  	s0 =	sadd.s32 $0xFFFFFFFF, s0;
	(pc) =	sbr.rel @p1 .LBB2_4-.Ltmp2, $4  }
0x2b: {  	_ = 	snop  }
0x2c: {  	[spmem:s11] =	stream.linear.scatter [tilespmem:s15], [sflag:$0x3], $0x1400, $0x38;
	[tilespmem:$0x1A080] =	vst v63  }
0x2d: {  	_ =	swait.ge [sflag:s16], $0x1400  }
0x2e: {  	[sflag:s16] =	ssyncset.done $0x0  }
.LBB2_5:
0x2f: {  	[sflag:s16] =	ssyncadd.s32 $0xFFFFEC00  }
0x30: {  	s0 =	simm.s32 $0x0;
	[bflag:$0x0] =	sbarrier.arrive $0xFFFF  }
0x31: {  	[tilespmem:s0], [sflag:$0x3] =	stream.linear.gather [hbm4b:s6+s0], $0x3E80, $0x38;
	[tilespmem:$0x1A080] =	vst v63  }
0x32: {  	_ =	swait.ge [sflag:s16], $0x3E80  }
0x33: {  	[sflag:s16] =	ssyncset.done $0x0  }
0x34: {  	[sflag:s16] =	ssyncadd.s32 $0xFFFFC180  }
0x35: {  	[tilespmem:s15], [sflag:$0x1] =	stream.strided.gather [hbm4b:s7+s17], $0x1400, s18, s17, $0x38;
	[tilespmem:$0x1A080] =	vst v63  }
0x36: {  	_ = 	snop  }
0x37: {  	[tilespmem:s19], [sflag:$0x2] =	stream.strided.gather [hbm4b:s8+s17], $0x1400, s18, s17, $0x38;
	[tilespmem:$0x1A080] =	vst v63  }
0x38: {  	_ =	swait.ge [sflag:s20], $0x1400  }
0x39: {  	[sflag:s20] =	ssyncset.done $0x0  }
0x3a: {  	s23 =	simm.s32 $0x0;
	[sflag:s20] =	ssyncadd.s32 $0xFFFFEC00  }
0x3b: {  	[spmem:s1] =	stream.indirect.scatter.add.f32 [tilespmem:s15], [sflag:$0x3], $0x80, s23, s21, $0xb8;
	[tilespmem:$0x1A080] =	vst v63  }
0x3c: {  	_ =	swait.ge [sflag:s16], $0x1400  }
0x3d: {  	s11 =	sshrl.u32 s13, $0x3;
	[sflag:s16] =	ssyncset.done $0x0  }
0x3e: {  	s0 =	sadd.s32 s4, s11;
	[sflag:s16] =	ssyncadd.s32 $0xFFFFEC00  }
0x3f: {  	[tilespmem:s15], [sflag:$0x1] =	stream.strided.gather [hbm4b:s0+s17], $0x1400, s18, s17, $0x38;
	[tilespmem:$0x1A080] =	vst v63  }
0x40: {  	_ =	swait.ge [sflag:s22], $0x1400  }
0x41: {  	[sflag:s22] =	ssyncset.done $0x0  }
0x42: {  	s23 =	simm.s32 $0x80;
	[sflag:s22] =	ssyncadd.s32 $0xFFFFEC00  }
0x43: {  	[spmem:s1] =	stream.indirect.scatter.add.f32 [tilespmem:s19], [sflag:$0x3], $0x80, s23, s21, $0xb8;
	[tilespmem:$0x1A080] =	vst v63  }
0x44: {  	_ =	swait.ge [sflag:s16], $0x1400  }
0x45: {  	s30 =	simm.s32 $0xA00;
	s31 =	simm.s32 $0x180;
	[sflag:s16] =	ssyncset.done $0x0  }
0x46: {  	s11 =	sadd.s32 $0x0, s12;
	s0 =	sadd.s32 $0x5000, s13;
	[sflag:s16] =	ssyncadd.s32 $0xFFFFEC00  }
.LBB2_6:
0x47: {  	[tilespmem:s19], [sflag:$0x2] =	stream.strided.gather [hbm4b:s11+s17], $0x1400, s18, s17, $0x38;
	[tilespmem:$0x1A080] =	vst v63  }
0x48: {  	s11 =	smov.u32 s30  }
0x49: {  	p1 =	sne.s32 s30, $0x25800;
	s30 =	sadd.s32 $0xA00, s30;
	_ =	swait.ge [sflag:s20], $0x1400  }
0x4a: {  	[sflag:s20] =	ssyncset.done $0x0  }
0x4b: {  	s23 =	sadd.s32 $0xFFFFFF80, s31;
	[sflag:s20] =	ssyncadd.s32 $0xFFFFEC00  }
0x4c: {  	[spmem:s1] =	stream.indirect.scatter.add.f32 [tilespmem:s15], [sflag:$0x3], $0x80, s23, s21, $0xb8;
	[tilespmem:$0x1A080] =	vst v63  }
0x4d: {  	_ =	swait.ge [sflag:s16], $0x1400  }
0x4e: {  	s23 =	sshrl.u32 s0, $0x3;
	[sflag:s16] =	ssyncset.done $0x0  }
0x4f: {  	s23 =	sadd.s32 s4, s23;
	[sflag:s16] =	ssyncadd.s32 $0xFFFFEC00  }
0x50: {  	[tilespmem:s15], [sflag:$0x1] =	stream.strided.gather [hbm4b:s23+s17], $0x1400, s18, s17, $0x38;
	[tilespmem:$0x1A080] =	vst v63  }
0x51: {  	_ =	swait.ge [sflag:s22], $0x1400  }
0x52: {  	[sflag:s22] =	ssyncset.done $0x0  }
.Ltmp3:
0x53: {  	[sflag:s22] =	ssyncadd.s32 $0xFFFFEC00;
	(pc) =	sbr.rel @p1 .LBB2_6-.Ltmp3, $4  }
0x54: {  	[spmem:s1] =	stream.indirect.scatter.add.f32 [tilespmem:s19], [sflag:$0x3], $0x80, s31, s21, $0xb8;
	[tilespmem:$0x1A080] =	vst v63  }
0x55: {  	_ =	swait.ge [sflag:s16], $0x1400  }
0x56: {  	s31 =	sadd.s32 $0x100, s31;
	[sflag:s16] =	ssyncset.done $0x0  }
0x57: {  	s11 =	sadd.s32 s11, s12;
	s0 =	sadd.s32 $0x5000, s0;
	[sflag:s16] =	ssyncadd.s32 $0xFFFFEC00  }
0x58: {  	[tilespmem:s19], [sflag:$0x2] =	stream.strided.gather [hbm4b:s11+s17], $0x1400, s18, s17, $0x38;
	[tilespmem:$0x1A080] =	vst v63  }
0x59: {  	_ =	swait.ge [sflag:s20], $0x1400  }
0x5a: {  	[sflag:s20] =	ssyncset.done $0x0  }
0x5b: {  	s0 =	simm.s32 $0x3D00;
	[sflag:s20] =	ssyncadd.s32 $0xFFFFEC00  }
0x5c: {  	[spmem:s1] =	stream.indirect.scatter.add.f32 [tilespmem:s15], [sflag:$0x3], $0x80, s0, s21, $0xb8;
	[tilespmem:$0x1A080] =	vst v63  }
0x5d: {  	_ =	swait.ge [sflag:s16], $0x1400  }
0x5e: {  	[sflag:s16] =	ssyncset.done $0x0  }
0x5f: {  	[sflag:s16] =	ssyncadd.s32 $0xFFFFEC00  }
0x60: {  	[tilespmem:s15], [sflag:$0x1] =	stream.strided.gather [hbm4b:s10+s17], $0x1400, s18, s17, $0x38;
	[tilespmem:$0x1A080] =	vst v63  }
0x61: {  	_ =	swait.ge [sflag:s22], $0x1400  }
0x62: {  	[sflag:s22] =	ssyncset.done $0x0  }
0x63: {  	[sflag:s22] =	ssyncadd.s32 $0xFFFFEC00  }
0x64: {  	[spmem:s1] =	stream.indirect.scatter.add.f32 [tilespmem:s19], [sflag:$0x3], $0x80, s24, s21, $0xb8;
	[tilespmem:$0x1A080] =	vst v63  }
0x65: {  	_ =	swait.ge [sflag:s16], $0x1400  }
0x66: {  	[sflag:s16] =	ssyncset.done $0x0  }
0x67: {  	[sflag:s16] =	ssyncadd.s32 $0xFFFFEC00  }
0x68: {  	_ =	swait.ge [sflag:s20], $0x1400  }
0x69: {  	[sflag:s20] =	ssyncset.done $0x0  }
0x6a: {  	[sflag:s20] =	ssyncadd.s32 $0xFFFFEC00  }
0x6b: {  	[spmem:s1] =	stream.indirect.scatter.add.f32 [tilespmem:s15], [sflag:$0x3], $0x80, s25, s21, $0xb8;
	[tilespmem:$0x1A080] =	vst v63  }
0x6c: {  	_ =	swait.ge [sflag:s16], $0x1400  }
.Ltmp4:
0x6d: {  	s11 =	stileid.u32;
	[sflag:s16] =	ssyncset.done $0x0;
	(pc) =	sbr.rel @!p0 .LBB2_9-.Ltmp4, $4  }
0x6e: {  	s23 =	sshrl.u32 s3, $0x3;
	s0 =	sshll.u32 s11, $0x6;
	[sflag:s16] =	ssyncadd.s32 $0xFFFFEC00  }
0x6f: {  	s30 =	sadd.s32 $0xFFFFFFFF, s5;
	s0 =	sor.u32 $0x1C03, s0;
	[bflag:$0x0] =	sbarrier.arrive $0xFFFF  }
0x70: {  	[hbm:s14@s28], [sflag:s0] =	dma.strided [spmem:s23@s29], $0x280, s26, $0x10   }
0x71: {  	s31 =	sadd.s32 $0x5000, s14;
	s11 =	smov.u32 s3;
	_ =	swait.ge [sflag:s16], $0x280  }
.LBB2_8:
0x72: {  	[sflag:s16] =	ssyncset.done $0x0;
	s11 =	sadd.s32 $0x14000, s11;
	p0 =	sne.s32 s30, $0x1  }
.Ltmp5:
0x73: {  	s23 =	sshrl.u32 s11, $0x3;
	[sflag:s16] =	ssyncadd.s32 $0xFFFFFD80;
	(pc) =	sbr.rel @p0 .LBB2_8-.Ltmp5, $3  }
0x74: {  	[hbm:s31@s28], [sflag:s0] =	dma.strided [spmem:s23@s29], $0x280, s26, $0x10   }
0x75: {  	s30 =	sadd.s32 $0xFFFFFFFF, s30;
	_ =	sdelay $0x1  }
0x76: {  	s31 =	sadd.s32 $0x5000, s31;
	_ =	swait.ge [sflag:s16], $0x280  }
.LBB2_9:
0x77: {  	s2 =	sadd.s32 $0x1, s2  }
0x78: {  	p0 =	sne.s32 s2, s9  }
.Ltmp6:
0x79: {  	_ = 	snop;
	(pc) =	sbr.rel @p0 .LBB2_1-.Ltmp6, $3  }
0x7a: {  	_ =	sdelay $0x1  }
0x7b: {  	[sflag:s16] =	ssyncset.done $0x0  }
0x7c: {  	[sflag:s16] =	ssyncadd.s32 $0xFFFFFD80  }
0x7d: {  	_ =	sfence.sel $0x180000  }
0x7e: {  	[bflag:$0x0] =	sbarrier.arrive $0xFFFF  }
0x7f: {  	_ =	strace $0x9000004D  }
0x80: {  	s0 =	stileid.u32;
	[bflag:$0x2] =	sbarrier.arrive $0xFFFF  }
0x81: {  	p0 =	sne.s32 s0, $0x0;
	s0 =	rddreg [dreg:$0x3]  }
0x82: {  	s0 =	sadd.s32 @!p0 $0x100000, s0  }
0x83: {  	[sflag:s0] =	ssyncadd.tile.s32 @!p0 $0x1;
	_ =	shalt  }
.Lfunc_end2:
_tile_overlayer_lowered:
.L_overlay_start_2:
0x84: {  	(tag) =	ssettag $0x2  }
0x85: {  	s0 =	rddreg [dreg:$0x0];
	s2 =	stileid.u32  }
0x86: {  	s1 =	rddreg [dreg:$0x1];
	p0 =	sne.s32 s2, $0x0  }
0x87: {  	s3 =	rddreg [dreg:$0x2];
	[bflag:$0x3] =	sbarrier.arrive $0xFFFF;
	s2 =	simm.s32 @!p0 $0x1C03  }
0x88: {  	[timem:s3], [sflag:s2] =	dma.local @!p0 [hbm:s0], s1  }
0x89: {  	s0 =	simm.s32 @!p0 $0x3  }
0x8a: {  	_ =	swait.ge @!p0 [sflag:s0], s1  }
0x8b: {  	s1 =	ssub.s32 @!p0 $0x0, s1;
	[sflag:s0] =	ssyncset.done @!p0 $0x0  }
0x8c: {  	[sflag:s0] =	ssyncadd.s32 @!p0 s1  }
0x8d: {  	[bflag:$0x3] =	sbarrier.arrive $0xFFFF  }
0x8e: {  	_ =	shalt  }

// kernel: kernel.16.cloned.1.call-start
scs
__scs_entry_jumppad:
0x0: {  	(pc) =	sbr.rel $0x88, $3  }
0x1: {  	(tag) =	ssettag $0x0;
	lr =	simm.s32 $0x1  }
0x2: {  	[smem:$0x3F8F] =	sst lr;
	_ =	strace $0xD0000000  }
0x3: {  	_ = 	snop  }
0x4: {  	_ = 	snop  }
0x5: {  	_ = 	snop  }
0x6: {  	_ = 	snop  }
0x7: {  	_ = 	snop  }
__scs_overlays_trampoline_lowered:
0x8: {  	[smem:$0x3F9E] =	sst s0  }
0x9: {  	[smem:$0x3F9F] =	sst s1  }
0xa: {  	[smem:$0x3FA0] =	sst s2  }
0xb: {  	[smem:$0x3FA1] =	sst s3  }
0xc: {  	[smem:$0x3FA2] =	sst s4  }
0xd: {  	[smem:$0x3FA3] =	sst s5  }
0xe: {  	[smem:$0x3FA4] =	sst s6  }
0xf: {  	[smem:$0x3FA5] =	sst s7  }
0x10: {  	[smem:$0x3FA6] =	sst s8  }
0x11: {  	[smem:$0x3FA7] =	sst s9;
	s0 =	simm.s32 @!p0 $0x0  }
0x12: {  	s1 =	sld [smem:$0x3F8D];
	s0 =	simm.s32 @p0 $0x1  }
0x13: {  	[smem:$0x3FA8] =	sst s0;
	s0 =	simm.s32 @!p1 $0x0  }
0x14: {  	s2 =	sld [smem:$0x3F8C];
	s0 =	simm.s32 @p1 $0x1  }
0x15: {  	[smem:$0x3FA9] =	sst s0;
	s0 =	simm.s32 @!p2 $0x0  }
0x16: {  	s3 =	sld [smem:$0x3FDB];
	s0 =	simm.s32 @p2 $0x1  }
0x17: {  	s4 =	simm.s32 $0x1BF5;
	[smem:$0x3FAB] =	sst s0  }
0x18: {  	s0 =	sld [smem:$0x3F8E];
	_ =	swait.ge [sflag:s4], $0x0  }
0x19: {  	s7 =	sld [smem:$0x3F8F]  }
0x1a: {  	s8 =	sadd.s32 $0xFFFFE003, lr  }
0x1b: {  	s9 =	sadd.s32 $0xFFFFFEF7, lr;
	s5 =	simm.s32 $0xFFFFFFFF;
	p2 =	slt.u32 s8, $0xFFFFF086  }
0x1c: {  	p1 =	slt.u32 s9, $0xF7A;
	s5 =	simm.s32 @!p2 $0x0  }
0x1d: {  	s5 =	simm.s32 @p1 $0x1;
	p0 =	seq.s32 s7, s2  }
0x1e: {  	s7 =	smul.u32 @!p0 $0xF7A, s2;
	p2 =	seq.s32 @!p0 s5, $0x0  }
0x1f: {  	s9 =	smul.u32 $0xF7A, s1;
	s8 =	simm.s32 @!p0 $0x1BF5;
	p2 =	por !p2, p0  }
0x20: {  	[sflag:s8] =	ssyncset.s32 @!p0 $0xFFFFF086;
	s6 =	sadd.s32 @!p0 s3, s7;
	s7 =	simm.s32 @!p0 $0x108  }
0x21: {  	s3 =	sadd.s32 s3, s9;
	s6 =	sadd.s32 @!p0 $0x88, s6;
	s7 =	simm.s32 @p2 $0x1082  }
0x22: {  	[simem:s7], [sflag:s8] =	dma.local @!p0 [hbm:s6], $0xF7A  }
0x23: {  	s9 =	sor.u32 $0xD0000000, s2;
	s6 =	simm.s32 $0x108;
	_ =	swait.ge @!p0 [sflag:s8], $0x0  }
0x24: {  	s3 =	sadd.s32 $0x88, s3;
	s6 =	simm.s32 @!p1 $0x1082;
	[sflag:s4] =	ssyncset.s32 $0xFFFFF086  }
0x25: {  	[simem:s6], [sflag:s4] =	dma.local [hbm:s3], $0xF7A  }
0x26: {  	[smem:$0x3F8F] =	sst s1;
	(tag) =	ssettag s2;
	_ =	strace s9  }
0x27: {  	s1 =	sld [smem:$0x3F9F]  }
0x28: {  	s2 =	sld [smem:$0x3FA0]  }
0x29: {  	s4 =	sld [smem:$0x3FA2]  }
0x2a: {  	p0 =	seq.s32 s5, $0x0;
	s5 =	sld [smem:$0x3FA3]  }
0x2b: {  	s6 =	sld [smem:$0x3FA4]  }
0x2c: {  	s7 =	sld [smem:$0x3FA5]  }
0x2d: {  	s3 =	simm.s32 $0x108;
	s8 =	sld [smem:$0x3FA6]  }
0x2e: {  	s3 =	simm.s32 @!p0 $0x1082;
	s9 =	sld [smem:$0x3FA7]  }
0x2f: {  	lr =	sadd.s32 s0, s3;
	s0 =	sld [smem:$0x3F9E]  }
0x30: {  	s3 =	sld [smem:$0x3FA1]  }
0x31: {  	[smem:$0x3FAA] =	sst s10  }
0x32: {  	s10 =	sld [smem:$0x3FA8];
	_ =	sdelay $0x3  }
0x33: {  	p0 =	seq.s32 s10, $0x1;
	s10 =	sld [smem:$0x3FAA];
	_ =	sdelay $0x3  }
0x34: {  	[smem:$0x3FAA] =	sst s10  }
0x35: {  	s10 =	sld [smem:$0x3FA9];
	_ =	sdelay $0x3  }
0x36: {  	p1 =	seq.s32 s10, $0x1;
	s10 =	sld [smem:$0x3FAA];
	_ =	sdelay $0x3  }
0x37: {  	[smem:$0x3FAA] =	sst s10  }
0x38: {  	s10 =	sld [smem:$0x3FAB]  }
0x39: {  	_ = 	snop;
	(pc) =	sbr.ind lr, $3  }
0x3a: {  	_ = 	snop  }
0x3b: {  	_ = 	snop  }
0x3c: {  	p2 =	seq.s32 s10, $0x1;
	s10 =	sld [smem:$0x3FAA]  }
0x3d: {  	_ =	shalt  }
0x3e: {  	_ =	shalt  }
0x3f: {  	_ =	shalt  }
0x40: {  	_ =	shalt  }
0x41: {  	_ =	shalt  }
0x42: {  	_ =	shalt  }
0x43: {  	_ =	shalt  }
0x44: {  	_ =	shalt  }
0x45: {  	_ =	shalt  }
0x46: {  	_ =	shalt  }
0x47: {  	_ =	shalt  }
0x48: {  	_ =	shalt  }
0x49: {  	_ =	shalt  }
0x4a: {  	_ =	shalt  }
0x4b: {  	_ =	shalt  }
0x4c: {  	_ =	shalt  }
0x4d: {  	_ =	shalt  }
0x4e: {  	_ =	shalt  }
0x4f: {  	_ =	shalt  }
0x50: {  	_ =	shalt  }
0x51: {  	_ =	shalt  }
0x52: {  	_ =	shalt  }
0x53: {  	_ =	shalt  }
0x54: {  	_ =	shalt  }
0x55: {  	_ =	shalt  }
0x56: {  	_ =	shalt  }
0x57: {  	_ =	shalt  }
0x58: {  	_ =	shalt  }
0x59: {  	_ =	shalt  }
0x5a: {  	_ =	shalt  }
0x5b: {  	_ =	shalt  }
0x5c: {  	_ =	shalt  }
0x5d: {  	_ =	shalt  }
0x5e: {  	_ =	shalt  }
0x5f: {  	_ =	shalt  }
0x60: {  	_ =	shalt  }
0x61: {  	_ =	shalt  }
0x62: {  	_ =	shalt  }
0x63: {  	_ =	shalt  }
0x64: {  	_ =	shalt  }
0x65: {  	_ =	shalt  }
0x66: {  	_ =	shalt  }
0x67: {  	_ =	shalt  }
0x68: {  	_ =	shalt  }
0x69: {  	_ =	shalt  }
0x6a: {  	_ =	shalt  }
0x6b: {  	_ =	shalt  }
0x6c: {  	_ =	shalt  }
0x6d: {  	_ =	shalt  }
0x6e: {  	_ =	shalt  }
0x6f: {  	_ =	shalt  }
0x70: {  	_ =	shalt  }
0x71: {  	_ =	shalt  }
0x72: {  	_ =	shalt  }
0x73: {  	_ =	shalt  }
0x74: {  	_ =	shalt  }
0x75: {  	_ =	shalt  }
0x76: {  	_ =	shalt  }
0x77: {  	_ =	shalt  }
0x78: {  	_ =	shalt  }
0x79: {  	_ =	shalt  }
0x7a: {  	_ =	shalt  }
0x7b: {  	_ =	shalt  }
0x7c: {  	_ =	shalt  }
0x7d: {  	_ =	shalt  }
0x7e: {  	_ =	shalt  }
0x7f: {  	_ =	shalt  }
0x80: {  	_ =	shalt  }
0x81: {  	_ =	shalt  }
0x82: {  	_ =	shalt  }
0x83: {  	_ =	shalt  }
0x84: {  	_ =	shalt  }
0x85: {  	_ =	shalt  }
0x86: {  	_ =	shalt  }
0x87: {  	_ =	shalt  }
.Lfunc_end0:
.L_simem_size_0:
called_computation.2_lowered:
.L_overlay_start_0:
0x88: {  	s2 =	sld [smem:$0x3FD9]  }
0x89: {  	s3 =	sld [smem:$0x3FFE];
	_ =	sdelay $0x1  }
0x8a: {  	s1 =	srdreg.scid  }
0x8b: {  	s0 =	sand.u32 $0x1, s1  }
0x8c: {  	s17 =	sshll.u32 s0, $0xA;
	s2 =	sadd.s32 s3, s2  }
0x8d: {  	s2 =	sadd.s32 s2, s17  }
0x8e: {  	[smem:$0x3FB6] =	sst s2  }
0x8f: {  	_ = 	snop  }
0x90: {  	(tm) =	ssettm $0x1  }
0x91: {  	s18 =	sld [smem:$0x3FFB];
	_ =	sdelay $0x3  }
0x92: {  	_ =	strace s18  }
0x93: {  	s2 =	sld [smem:$0x3FFC];
	_ =	sdelay $0x3  }
0x94: {  	_ =	strace s2  }
0x95: {  	s2 =	sld [smem:$0x3FFD];
	_ =	sdelay $0x3  }
0x96: {  	_ =	strace s2  }
0x97: {  	_ =	strace $0x8FFFFFFF  }
0x98: {  	s19 =	sld [smem:$0x3FDB];
	_ =	sdelay $0x1  }
0x99: {  	s20 =	simm.s32 $_scs_section_size  }
0x9a: {  	s4 =	simm.s32 $_size__tile_overlayer_lowered;
	s5 =	simm.s32 $_tile_overlayer_lowered  }
0x9b: {  	s6 =	simm.s32 $0x1BFF;
	s21 =	sshll.u32 s5, $0x1;
	s3 =	sadd.s32 s20, s19  }
0x9c: {  	s22 =	simm.s32 $0x0;
	s4 =	sshll.u32 s4, $0x1;
	s5 =	sadd.s32 s21, s3  }
0x9d: {  	[timem:s22], [sflag:s6] =	dma.local [hbm:s5], s4  }
0x9e: {  	_ =	swait.ge [sflag:s6], s4  }
0x9f: {  	s4 =	ssub.s32 $0x0, s4;
	[sflag:s6] =	ssyncset.done $0x0  }
0xa0: {  	[sflag:s6] =	ssyncadd.s32 s4;
	_ =	sdelay $0x1  }
0xa1: {  	s23 =	simm.s32 $0x1B8B  }
0xa2: {  	_ =	swait.ge [sflag:s23], $0x1  }
0xa3: {  	[sflag:s23] =	ssyncset.done $0x0  }
0xa4: {  	[sflag:s23] =	ssyncadd.s32 $0xFFFFFFFF  }
0xa5: {  	s4 =	sld [smem:$0x0]  }
0xa6: {  	s5 =	sand.u32 $0xFFFFFFFE, s1  }
0xa7: {  	p0 =	sne.s32 s1, s5  }
0xa8: {  	s5 =	sshll.u32 @p0 s5, $0xE  }
0xa9: {  	s5 =	sadd.s32 @p0 $0x11B8D, s5;
	s6 =	sshll.u32 @p0 s4, $0x11  }
0xaa: {  	s5 =	sor.u32 @p0 s6, s5  }
0xab: {  	[sflag:s5] =	ssyncadd.remote.s32 @p0 $0x1;
	_ =	sdelay $0x1  }
0xac: {  	s5 =	simm.s32 @p0 $0x1B8D  }
0xad: {  	_ =	swait.eq @p0 [sflag:s5], $0x1  }
0xae: {  	[sflag:s5] =	ssyncadd.s32 @p0 $0xFFFFFFFF  }
0xaf: {  	s6 =	sshll.u32 @!p0 s1, $0xE  }
0xb0: {  	s6 =	sor.u32 @!p0 $0x4000, s6;
	s5 =	simm.s32 @!p0 $0x1B8D  }
0xb1: {  	s4 =	sshll.u32 @!p0 s4, $0x11;
	s6 =	sadd.s32 @!p0 $0x11B8D, s6;
	_ =	swait.eq @!p0 [sflag:s5], $0x1  }
0xb2: {  	s4 =	sor.u32 @!p0 s4, s6;
	[sflag:s5] =	ssyncadd.s32 @!p0 $0xFFFFFFFF  }
0xb3: {  	s25 =	simm.s32 $0x1B8E;
	s24 =	sld [smem:$0x3FFE];
	[sflag:s4] =	ssyncadd.remote.s32 @!p0 $0x1  }
0xb4: {  	s26 =	simm.s32 $execute0_lowered;
	[smem:$0x3FD2] =	sst s25  }
0xb5: {  	s5 =	sshll.u32 s26, $0x1;
	_ =	strace $0x80000049;
	[dreg:$0x1] =	wrdreg $0xFFFFFFFF  }
0xb6: {  	s28 =	simm.s32 $_size_execute0_lowered;
	s3 =	sadd.s32 s3, s5;
	[dreg:$0x0] =	wrdreg $0x0  }
0xb7: {  	s5 =	sshll.u32 s28, $0x1;
	[dreg:$0x2] =	wrdreg s3  }
0xb8: {  	[dreg:$0x3] =	wrdreg s5  }
0xb9: {  	[dreg:$0x4] =	wrdreg $0xC0  }
0xba: {  	_ =	task [dreg:s22], $0x5FFFF  }
0xbb: {  	[dreg:$0x1] =	wrdreg $0xFFFFFFFF  }
0xbc: {  	[dreg:$0x0] =	wrdreg $0x60  }
0xbd: {  	[dreg:$0x2] =	wrdreg s24  }
0xbe: {  	[dreg:$0x3] =	wrdreg $0xA  }
0xbf: {  	_ =	task.clear_ibuf [dreg:s22], $0x4FFFF;
	_ =	strace $0x90000049  }
0xc0: {  	s29 =	simm.s32 $0xA;
	_ =	strace $0x8000004B  }
0xc1: {  	_ =	swait.ge [sflag:s29], $0x1  }
0xc2: {  	[sflag:s29] =	ssyncadd.s32 $0xFFFFFFFF  }
0xc3: {  	_ =	strace $0x9000004B  }
0xc4: {  	_ =	sfence  }
0xc5: {  	s30 =	sld [smem:$0x0];
	_ =	sdelay $0x2  }
0xc6: {  	s31 =	sshll.u32 s1, $0xD;
	s1 =	sshrl.u32 s1, $0x2  }
0xc7: {  	s4 =	sand.u32 $0x4000, s31;
	s1 =	sadd.s32 s1, s30  }
0xc8: {  	s0 =	sor.u32 s4, s0;
	s1 =	sshll.u32 s1, $0x11  }
0xc9: {  	s0 =	sor.u32 s1, s0  }
0xca: {  	s0 =	sadd.s32 $0x8F2B, s0  }
0xcb: {  	[sflag:s0] =	ssyncadd.remote.s32 $0x1  }
0xcc: {  	_ =	sfence.sel $0xFFFF  }
0xcd: {  	[dreg:$0x0] =	wrdreg $0xFFFFFFFF;
	(pc) =	sbr.abs _section_cstart, $3  }
0xce: {  	[dreg:$0x1] =	wrdreg $0xFFFFFFFF  }
0xcf: {  	_ =	task.clear_ibuf [dreg:s22], $0x2FFFF;
	_ =	strace $0x9FFFFFFF  }
0xd0: {  	(tm) =	ssettm $0x7FFFFFFF  }
0xd1: {  	_ =	shalt  }
tec
execute0_lowered:
.L_overlay_start_1:
0x0: {  	(tag) =	ssettag $0x1  }
0x1: {  	s0 =	srdreg.scid  }
0x2: {  	s2 =	stileid.u32;
	s7 =	rddreg [dreg:$0x0]  }
0x3: {  	s5 =	simm.s32 $0x1;
	s28 =	simm.s32 $0x2;
	s29 =	simm.s32 $0x3  }
0x4: {  	s30 =	simm.s32 $0x4;
	s31 =	simm.s32 $0x0;
	s0 =	sand.u32 $0x1, s0  }
0x5: {  	s1 =	sor.u32 s0, s2;
	p0 =	seq.s32 s0, $0x1;
	s4 =	smul.u32 $0x9C8, s0  }
0x6: {  	s10 =	ssub.s32 $0x2, s0;
	s24 =	smul.u32 $0x4E400, s0;
	p1 =	seq.s32 s1, $0x0  }
0x7: {  	s18 =	sshll.u32 s0, $0x3;
	s0 =	smul.u32 $0x9C80, s0;
	p0 =	por !p1, !p0  }
0x8: {  	s1 =	simm.s32 $0x1;
	s11 =	sshrl.u32 s10, $0x1;
	p0 =	por !p0, !p0  }
0x9: {  	s19 =	sxor.u32 $0x948, s18;
	s21 =	sxor.u32 $0x1348, s18;
	s1 =	simm.s32 @!p0 $0x0  }
0xa: {  	s10 =	ssub.s32 s10, s11;
	s1 =	ssub.s32 s2, s1;
	s2 =	simm.s32 $0x0  }
0xb: {  	s16 =	smax.u32 s10, $0x1;
	s3 =	smul.u32 $0x1388, s1;
	[smem:$0x7FF] =	sst s2  }
0xc: {  	s22 =	smul.u32 $0x9C400, s1;
	_ =	strace $0x8000004A;
	[dreg:$0x4] =	wrdreg s19  }
0xd: {  	s1 =	smul.u32 $0x13880, s1;
	[dreg:$0x5] =	wrdreg s21;
	s21 =	simm.s32 $0xA00  }
0xe: {  	s8 =	sadd.s32 s4, s3;
	s3 =	sadd.s32 $0x8000, s7;
	s4 =	sadd.s32 $0x2F200, s7  }
0xf: {  	s25 =	sadd.s32 s24, s22;
	s22 =	simm.s32 $0x80;
	s24 =	simm.s32 $0x5400  }
0x10: {  	s6 =	sshrl.u32 s8, $0x3;
	s20 =	sshll.u32 s8, $0x7;
	s8 =	ssub.s32 s8, s18  }
0x11: {  	s17 =	sadd.s32 $0x4000, s25;
	s9 =	sadd.s32 s6, s7;
	s6 =	sadd.s32 $0x2D1400, s7  }
0x12: {  	s7 =	sadd.s32 $0x409C00, s7;
	s8 =	sshll.u32 s8, $0x7;
	s12 =	sadd.s32 $0x2CC400, s9  }
0x13: {  	s25 =	simm.s32 $0x9400;
	s9 =	sadd.s32 $0x2CEC00, s9;
	s8 =	sadd.s32 $0x4A400, s8  }
0x14: {  	s26 =	sadd.s32 s1, s6;
	s1 =	sadd.s32 s1, s7;
	[dreg:$0x2] =	wrdreg s12  }
0x15: {  	[dreg:$0x3] =	wrdreg s9;
	s9 =	sadd.s32 $0x48000, s20;
	s8 =	sshrl.u32 s8, $0x3  }
0x16: {  	s18 =	sadd.s32 s0, s26;
	s19 =	sadd.s32 s0, s1;
	s9 =	sshrl.u32 s9, $0x3  }
0x17: {  	s20 =	simm.s32 $0x5;
	s26 =	simm.s32 $0xD400;
	s23 =	sadd.s32 s6, s9  }
0x18: {  	s14 =	sadd.s32 s6, s8;
	s9 =	sadd.s32 s7, s9;
	[dreg:$0x6] =	wrdreg s23  }
0x19: {  	s15 =	sadd.s32 s7, s8;
	[dreg:$0x7] =	wrdreg s9;
	s23 =	simm.s32 $0x1400  }
.LBB2_1:
0x1a: {  	s0 =	rddreg [dreg:$0x2]  }
0x1b: {  	[tilespmem:s2], [sflag:$0x5] =	stream.linear.gather [hbm4b:s0+s2], $0x9C8, $0x38;
	[tilespmem:$0x11400] =	vst v63  }
0x1c: {  	_ =	swait.ge [sflag:s20], $0x9C8  }
0x1d: {  	[sflag:s20] =	ssyncset.done $0x0  }
0x1e: {  	s8 =	rddreg [dreg:$0x3];
	[sflag:s20] =	ssyncadd.s32 $0xFFFFF638  }
0x1f: {  	[tilespmem:s21], [sflag:$0x5] =	stream.linear.gather [hbm4b:s8+s2], $0x9C8, $0x38;
	[tilespmem:$0x11400] =	vst v63  }
0x20: {  	_ =	swait.ge [sflag:s20], $0x9C8  }
0x21: {  	[sflag:s20] =	ssyncset.done $0x0  }
0x22: {  	[sflag:s20] =	ssyncadd.s32 $0xFFFFF638  }
0x23: {  	[tilespmem:s23], [sflag:$0x1] =	stream.indirect.gather [hbm4b:s3+s22], $0x80, s2, s22, $0xb8;
	[tilespmem:$0x11400] =	vst v63  }
0x24: {  	_ = 	snop  }
0x25: {  	[tilespmem:s24], [sflag:$0x2] =	stream.indirect.gather [hbm4b:s4+s22], $0x80, s21, s22, $0xb8;
	[tilespmem:$0x11400] =	vst v63  }
0x26: {  	s9 =	simm.s32 $0x80  }
0x27: {  	[tilespmem:s25], [sflag:$0x3] =	stream.indirect.gather [hbm4b:s3+s22], $0x80, s9, s22, $0xb8;
	[tilespmem:$0x11400] =	vst v63  }
0x28: {  	s10 =	simm.s32 $0xA80  }
0x29: {  	[tilespmem:s26], [sflag:$0x4] =	stream.indirect.gather [hbm4b:s4+s22], $0x80, s10, s22, $0xb8;
	[tilespmem:$0x11400] =	vst v63  }
0x2a: {  	_ =	swait.ge [sflag:s5], $0x4000  }
0x2b: {  	[sflag:s5] =	ssyncset.done $0x0  }
0x2c: {  	[sflag:s5] =	ssyncadd.s32 $0xFFFFC000  }
0x2d: {  	[hbm4b:s18+s2] =	stream.linear.scatter [tilespmem:s23], [sflag:$0x5], $0x4000, $0x38;
	[tilespmem:$0x11400] =	vst v63  }
0x2e: {  	_ =	swait.ge [sflag:s20], $0x4000  }
0x2f: {  	[sflag:s20] =	ssyncset.done $0x0  }
0x30: {  	[sflag:s20] =	ssyncadd.s32 $0xFFFFC000  }
0x31: {  	_ =	swait.ge [sflag:s28], $0x4000  }
0x32: {  	[sflag:s28] =	ssyncset.done $0x0  }
0x33: {  	[sflag:s28] =	ssyncadd.s32 $0xFFFFC000  }
0x34: {  	[hbm4b:s19+s2] =	stream.linear.scatter [tilespmem:s24], [sflag:$0x5], $0x4000, $0x38;
	[tilespmem:$0x11400] =	vst v63  }
0x35: {  	_ =	swait.ge [sflag:s20], $0x4000  }
0x36: {  	[sflag:s20] =	ssyncset.done $0x0  }
0x37: {  	s11 =	simm.s32 $0x100;
	[sflag:s20] =	ssyncadd.s32 $0xFFFFC000  }
0x38: {  	[tilespmem:s23], [sflag:$0x1] =	stream.indirect.gather [hbm4b:s3+s22], $0x80, s11, s22, $0xb8;
	[tilespmem:$0x11400] =	vst v63  }
0x39: {  	s12 =	simm.s32 $0xB00  }
0x3a: {  	[tilespmem:s24], [sflag:$0x2] =	stream.indirect.gather [hbm4b:s4+s22], $0x80, s12, s22, $0xb8;
	[tilespmem:$0x11400] =	vst v63  }
0x3b: {  	_ =	swait.ge [sflag:s29], $0x4000  }
0x3c: {  	s13 =	sshrl.u32 s17, $0x3;
	[sflag:s29] =	ssyncset.done $0x0  }
0x3d: {  	s1 =	sadd.s32 s6, s13;
	[sflag:s29] =	ssyncadd.s32 $0xFFFFC000  }
0x3e: {  	[hbm4b:s1+s2] =	stream.linear.scatter [tilespmem:s25], [sflag:$0x5], $0x4000, $0x38;
	[tilespmem:$0x11400] =	vst v63  }
0x3f: {  	_ =	swait.ge [sflag:s20], $0x4000  }
0x40: {  	[sflag:s20] =	ssyncset.done $0x0  }
0x41: {  	[sflag:s20] =	ssyncadd.s32 $0xFFFFC000  }
0x42: {  	_ =	swait.ge [sflag:s30], $0x4000  }
0x43: {  	[sflag:s30] =	ssyncset.done $0x0  }
0x44: {  	s0 =	sadd.s32 s7, s13;
	s8 =	sadd.s32 $0x1000, s18;
	[sflag:s30] =	ssyncadd.s32 $0xFFFFC000  }
0x45: {  	[hbm4b:s0+s2] =	stream.linear.scatter [tilespmem:s26], [sflag:$0x5], $0x4000, $0x38;
	[tilespmem:$0x11400] =	vst v63  }
0x46: {  	s9 =	simm.s32 $0x800;
	s10 =	simm.s32 $0x100;
	_ =	swait.ge [sflag:s20], $0x4000  }
0x47: {  	s1 =	sadd.s32 $0x8000, s17;
	s0 =	sadd.s32 $0x1000, s19;
	[sflag:s20] =	ssyncset.done $0x0  }
.LBB2_2:
0x48: {  	s13 =	sadd.s32 $0x80, s10  }
0x49: {  	[sflag:s20] =	ssyncadd.s32 $0xFFFFC000;
	s11 =	smov.u32 s9;
	s12 =	sadd.s32 $0x400, s9  }
0x4a: {  	[tilespmem:s25], [sflag:$0x3] =	stream.indirect.gather [hbm4b:s3+s22], $0x80, s13, s22, $0xb8;
	[tilespmem:$0x11400] =	vst v63  }
0x4b: {  	p0 =	sne.s32 s9, $0x2000;
	s9 =	sadd.s32 $0xA80, s10  }
0x4c: {  	[tilespmem:s26], [sflag:$0x4] =	stream.indirect.gather [hbm4b:s4+s22], $0x80, s9, s22, $0xb8;
	[tilespmem:$0x11400] =	vst v63  }
0x4d: {  	_ =	swait.ge [sflag:s5], $0x4000  }
0x4e: {  	[sflag:s5] =	ssyncset.done $0x0  }
0x4f: {  	[sflag:s5] =	ssyncadd.s32 $0xFFFFC000  }
0x50: {  	[hbm4b:s8+s2] =	stream.linear.scatter [tilespmem:s23], [sflag:$0x5], $0x4000, $0x38;
	[tilespmem:$0x11400] =	vst v63  }
0x51: {  	_ =	swait.ge [sflag:s20], $0x4000  }
0x52: {  	[sflag:s20] =	ssyncset.done $0x0  }
0x53: {  	[sflag:s20] =	ssyncadd.s32 $0xFFFFC000  }
0x54: {  	_ =	swait.ge [sflag:s28], $0x4000  }
0x55: {  	[sflag:s28] =	ssyncset.done $0x0  }
0x56: {  	[sflag:s28] =	ssyncadd.s32 $0xFFFFC000  }
0x57: {  	[hbm4b:s0+s2] =	stream.linear.scatter [tilespmem:s24], [sflag:$0x5], $0x4000, $0x38;
	[tilespmem:$0x11400] =	vst v63  }
0x58: {  	_ =	swait.ge [sflag:s20], $0x4000  }
0x59: {  	[sflag:s20] =	ssyncset.done $0x0  }
0x5a: {  	s9 =	sadd.s32 $0x100, s10;
	[sflag:s20] =	ssyncadd.s32 $0xFFFFC000  }
0x5b: {  	[tilespmem:s23], [sflag:$0x1] =	stream.indirect.gather [hbm4b:s3+s22], $0x80, s9, s22, $0xb8;
	[tilespmem:$0x11400] =	vst v63  }
0x5c: {  	s9 =	sadd.s32 $0xB00, s10  }
0x5d: {  	[tilespmem:s24], [sflag:$0x2] =	stream.indirect.gather [hbm4b:s4+s22], $0x80, s9, s22, $0xb8;
	[tilespmem:$0x11400] =	vst v63  }
0x5e: {  	_ =	swait.ge [sflag:s29], $0x4000  }
0x5f: {  	s9 =	sshrl.u32 s1, $0x3;
	[sflag:s29] =	ssyncset.done $0x0  }
0x60: {  	s10 =	sadd.s32 s6, s9;
	[sflag:s29] =	ssyncadd.s32 $0xFFFFC000  }
0x61: {  	[hbm4b:s10+s2] =	stream.linear.scatter [tilespmem:s25], [sflag:$0x5], $0x4000, $0x38;
	[tilespmem:$0x11400] =	vst v63  }
0x62: {  	_ =	swait.ge [sflag:s20], $0x4000  }
0x63: {  	[sflag:s20] =	ssyncset.done $0x0  }
0x64: {  	[sflag:s20] =	ssyncadd.s32 $0xFFFFC000  }
0x65: {  	_ =	swait.ge [sflag:s30], $0x4000  }
.Ltmp0:
0x66: {  	[sflag:s30] =	ssyncset.done $0x0;
	(pc) =	sbr.rel @p0 .LBB2_2-.Ltmp0, $4  }
0x67: {  	s8 =	sadd.s32 $0x1000, s8;
	s9 =	sadd.s32 s7, s9;
	[sflag:s30] =	ssyncadd.s32 $0xFFFFC000  }
0x68: {  	[hbm4b:s9+s2] =	stream.linear.scatter [tilespmem:s26], [sflag:$0x5], $0x4000, $0x38;
	[tilespmem:$0x11400] =	vst v63  }
0x69: {  	s0 =	sadd.s32 $0x1000, s0;
	s1 =	sadd.s32 $0x8000, s1;
	_ =	swait.ge [sflag:s20], $0x4000  }
0x6a: {  	s10 =	sshra.s32 s11, $0x2;
	s9 =	smov.u32 s12;
	[sflag:s20] =	ssyncset.done $0x0  }
0x6b: {  	s9 =	sadd.s32 $0x80, s10;
	[sflag:s20] =	ssyncadd.s32 $0xFFFFC000  }
0x6c: {  	[tilespmem:s25], [sflag:$0x3] =	stream.indirect.gather [hbm4b:s3+s22], $0x80, s9, s22, $0xb8;
	[tilespmem:$0x11400] =	vst v63  }
0x6d: {  	s12 =	sadd.s32 $0xA80, s10  }
0x6e: {  	[tilespmem:s26], [sflag:$0x4] =	stream.indirect.gather [hbm4b:s4+s22], $0x80, s12, s22, $0xb8;
	[tilespmem:$0x11400] =	vst v63  }
0x6f: {  	_ =	swait.ge [sflag:s5], $0x4000  }
0x70: {  	[sflag:s5] =	ssyncset.done $0x0  }
0x71: {  	[sflag:s5] =	ssyncadd.s32 $0xFFFFC000  }
0x72: {  	[hbm4b:s8+s2] =	stream.linear.scatter [tilespmem:s23], [sflag:$0x5], $0x4000, $0x38;
	[tilespmem:$0x11400] =	vst v63  }
0x73: {  	_ =	swait.ge [sflag:s20], $0x4000  }
0x74: {  	[sflag:s20] =	ssyncset.done $0x0  }
0x75: {  	[sflag:s20] =	ssyncadd.s32 $0xFFFFC000  }
0x76: {  	_ =	swait.ge [sflag:s28], $0x4000  }
0x77: {  	[sflag:s28] =	ssyncset.done $0x0  }
0x78: {  	[sflag:s28] =	ssyncadd.s32 $0xFFFFC000  }
0x79: {  	[hbm4b:s0+s2] =	stream.linear.scatter [tilespmem:s24], [sflag:$0x5], $0x4000, $0x38;
	[tilespmem:$0x11400] =	vst v63  }
0x7a: {  	_ =	swait.ge [sflag:s20], $0x4000  }
0x7b: {  	[sflag:s20] =	ssyncset.done $0x0  }
0x7c: {  	s13 =	sadd.s32 $0x100, s10;
	[sflag:s20] =	ssyncadd.s32 $0xFFFFC000  }
0x7d: {  	[tilespmem:s23], [sflag:$0x1] =	stream.indirect.gather [hbm4b:s3+s22], $0x80, s13, s22, $0xb8;
	[tilespmem:$0x11400] =	vst v63  }
0x7e: {  	s8 =	sadd.s32 $0xB00, s10  }
0x7f: {  	[tilespmem:s24], [sflag:$0x2] =	stream.indirect.gather [hbm4b:s4+s22], $0x80, s8, s22, $0xb8;
	[tilespmem:$0x11400] =	vst v63  }
0x80: {  	_ =	swait.ge [sflag:s29], $0x4000  }
0x81: {  	s9 =	sshrl.u32 s1, $0x3;
	[sflag:s29] =	ssyncset.done $0x0  }
0x82: {  	s1 =	sadd.s32 s6, s9;
	[sflag:s29] =	ssyncadd.s32 $0xFFFFC000  }
0x83: {  	[hbm4b:s1+s2] =	stream.linear.scatter [tilespmem:s25], [sflag:$0x5], $0x4000, $0x38;
	[tilespmem:$0x11400] =	vst v63  }
0x84: {  	_ =	swait.ge [sflag:s20], $0x4000  }
0x85: {  	[sflag:s20] =	ssyncset.done $0x0  }
0x86: {  	[sflag:s20] =	ssyncadd.s32 $0xFFFFC000  }
0x87: {  	_ =	swait.ge [sflag:s30], $0x4000  }
0x88: {  	[sflag:s30] =	ssyncset.done $0x0  }
0x89: {  	s0 =	sadd.s32 s7, s9;
	[sflag:s30] =	ssyncadd.s32 $0xFFFFC000  }
0x8a: {  	[hbm4b:s0+s2] =	stream.linear.scatter [tilespmem:s26], [sflag:$0x5], $0x4000, $0x38;
	[tilespmem:$0x11400] =	vst v63  }
0x8b: {  	_ =	swait.ge [sflag:s20], $0x4000  }
0x8c: {  	[sflag:s20] =	ssyncset.done $0x0  }
0x8d: {  	s10 =	rddreg [dreg:$0x4];
	[sflag:s20] =	ssyncadd.s32 $0xFFFFC000  }
0x8e: {  	[tilespmem:s25], [sflag:$0x3] =	stream.indirect.gather [hbm4b:s3+s22], $0x80, s10, s22, $0xb8;
	[tilespmem:$0x11400] =	vst v63  }
0x8f: {  	s11 =	rddreg [dreg:$0x5]  }
0x90: {  	[tilespmem:s26], [sflag:$0x4] =	stream.indirect.gather [hbm4b:s4+s22], $0x80, s11, s22, $0xb8;
	[tilespmem:$0x11400] =	vst v63  }
0x91: {  	_ =	swait.ge [sflag:s5], $0x4000  }
0x92: {  	[sflag:s5] =	ssyncset.done $0x0  }
0x93: {  	s12 =	rddreg [dreg:$0x6];
	[sflag:s5] =	ssyncadd.s32 $0xFFFFC000  }
0x94: {  	[hbm4b:s12+s2] =	stream.linear.scatter [tilespmem:s23], [sflag:$0x5], $0x4000, $0x38;
	[tilespmem:$0x11400] =	vst v63  }
0x95: {  	_ =	swait.ge [sflag:s20], $0x4000  }
0x96: {  	[sflag:s20] =	ssyncset.done $0x0  }
0x97: {  	[sflag:s20] =	ssyncadd.s32 $0xFFFFC000  }
0x98: {  	_ =	swait.ge [sflag:s28], $0x4000  }
0x99: {  	[sflag:s28] =	ssyncset.done $0x0  }
0x9a: {  	s13 =	rddreg [dreg:$0x7];
	[sflag:s28] =	ssyncadd.s32 $0xFFFFC000  }
0x9b: {  	[hbm4b:s13+s2] =	stream.linear.scatter [tilespmem:s24], [sflag:$0x5], $0x4000, $0x38;
	[tilespmem:$0x11400] =	vst v63  }
0x9c: {  	_ =	swait.ge [sflag:s20], $0x4000  }
0x9d: {  	[sflag:s20] =	ssyncset.done $0x0  }
0x9e: {  	[sflag:s20] =	ssyncadd.s32 $0xFFFFC000  }
0x9f: {  	_ =	swait.ge [sflag:s29], $0x4000  }
0xa0: {  	[sflag:s29] =	ssyncset.done $0x0  }
0xa1: {  	[sflag:s29] =	ssyncadd.s32 $0xFFFFC000  }
0xa2: {  	[hbm4b:s14+s2] =	stream.linear.scatter [tilespmem:s25], [sflag:$0x5], $0x4000, $0x38;
	[tilespmem:$0x11400] =	vst v63  }
0xa3: {  	_ =	swait.ge [sflag:s20], $0x4000  }
0xa4: {  	[sflag:s20] =	ssyncset.done $0x0  }
0xa5: {  	[sflag:s20] =	ssyncadd.s32 $0xFFFFC000  }
0xa6: {  	s31 =	sadd.s32 $0x1, s31;
	_ =	swait.ge [sflag:s30], $0x4000  }
0xa7: {  	p0 =	sne.s32 s31, s16;
	[sflag:s30] =	ssyncset.done $0x0  }
.Ltmp1:
0xa8: {  	[sflag:s30] =	ssyncadd.s32 $0xFFFFC000;
	(pc) =	sbr.rel @p0 .LBB2_1-.Ltmp1, $4  }
0xa9: {  	[hbm4b:s15+s2] =	stream.linear.scatter [tilespmem:s26], [sflag:$0x5], $0x4000, $0x38;
	[tilespmem:$0x11400] =	vst v63  }
0xaa: {  	_ =	swait.ge [sflag:s20], $0x4000  }
0xab: {  	[sflag:s20] =	ssyncset.done $0x0  }
0xac: {  	[sflag:s20] =	ssyncadd.s32 $0xFFFFC000  }
0xad: {  	_ =	sfence.sel $0x180000  }
0xae: {  	[bflag:$0x0] =	sbarrier.arrive $0xFFFF  }
0xaf: {  	_ =	strace $0x9000004A  }
0xb0: {  	s0 =	stileid.u32;
	[bflag:$0x2] =	sbarrier.arrive $0xFFFF  }
0xb1: {  	p0 =	sne.s32 s0, $0x0;
	s0 =	rddreg [dreg:$0x1]  }
0xb2: {  	s0 =	sadd.s32 @!p0 $0x100000, s0  }
0xb3: {  	[sflag:s0] =	ssyncadd.tile.s32 @!p0 $0x1;
	_ =	shalt  }
.Lfunc_end2:
_tile_overlayer_lowered:
.L_overlay_start_2:
0xb4: {  	(tag) =	ssettag $0x2  }
0xb5: {  	s0 =	rddreg [dreg:$0x0];
	s2 =	stileid.u32  }
0xb6: {  	s1 =	rddreg [dreg:$0x1];
	p0 =	sne.s32 s2, $0x0  }
0xb7: {  	s3 =	rddreg [dreg:$0x2];
	[bflag:$0x3] =	sbarrier.arrive $0xFFFF;
	s2 =	simm.s32 @!p0 $0x1C05  }
0xb8: {  	[timem:s3], [sflag:s2] =	dma.local @!p0 [hbm:s0], s1  }
0xb9: {  	s0 =	simm.s32 @!p0 $0x5  }
0xba: {  	_ =	swait.ge @!p0 [sflag:s0], s1  }
0xbb: {  	s1 =	ssub.s32 @!p0 $0x0, s1;
	[sflag:s0] =	ssyncset.done @!p0 $0x0  }
0xbc: {  	[sflag:s0] =	ssyncadd.s32 @!p0 s1  }
0xbd: {  	[bflag:$0x3] =	sbarrier.arrive $0xFFFF  }
0xbe: {  	_ =	shalt  }

// kernel: kernel.19.cloned.1.call-start
scs
__scs_entry_jumppad:
0x0: {  	(pc) =	sbr.rel $0x88, $3  }
0x1: {  	(tag) =	ssettag $0x0;
	lr =	simm.s32 $0x1  }
0x2: {  	[smem:$0x3F8F] =	sst lr;
	_ =	strace $0xD0000000  }
0x3: {  	_ = 	snop  }
0x4: {  	_ = 	snop  }
0x5: {  	_ = 	snop  }
0x6: {  	_ = 	snop  }
0x7: {  	_ = 	snop  }
__scs_overlays_trampoline_lowered:
0x8: {  	[smem:$0x3F9E] =	sst s0  }
0x9: {  	[smem:$0x3F9F] =	sst s1  }
0xa: {  	[smem:$0x3FA0] =	sst s2  }
0xb: {  	[smem:$0x3FA1] =	sst s3  }
0xc: {  	[smem:$0x3FA2] =	sst s4  }
0xd: {  	[smem:$0x3FA3] =	sst s5  }
0xe: {  	[smem:$0x3FA4] =	sst s6  }
0xf: {  	[smem:$0x3FA5] =	sst s7  }
0x10: {  	[smem:$0x3FA6] =	sst s8  }
0x11: {  	[smem:$0x3FA7] =	sst s9;
	s0 =	simm.s32 @!p0 $0x0  }
0x12: {  	s1 =	sld [smem:$0x3F8D];
	s0 =	simm.s32 @p0 $0x1  }
0x13: {  	[smem:$0x3FA8] =	sst s0;
	s0 =	simm.s32 @!p1 $0x0  }
0x14: {  	s2 =	sld [smem:$0x3F8C];
	s0 =	simm.s32 @p1 $0x1  }
0x15: {  	[smem:$0x3FA9] =	sst s0;
	s0 =	simm.s32 @!p2 $0x0  }
0x16: {  	s3 =	sld [smem:$0x3FDB];
	s0 =	simm.s32 @p2 $0x1  }
0x17: {  	s4 =	simm.s32 $0x1BF5;
	[smem:$0x3FAB] =	sst s0  }
0x18: {  	s0 =	sld [smem:$0x3F8E];
	_ =	swait.ge [sflag:s4], $0x0  }
0x19: {  	s7 =	sld [smem:$0x3F8F]  }
0x1a: {  	s8 =	sadd.s32 $0xFFFFE003, lr  }
0x1b: {  	s9 =	sadd.s32 $0xFFFFFEF7, lr;
	s5 =	simm.s32 $0xFFFFFFFF;
	p2 =	slt.u32 s8, $0xFFFFF086  }
0x1c: {  	p1 =	slt.u32 s9, $0xF7A;
	s5 =	simm.s32 @!p2 $0x0  }
0x1d: {  	s5 =	simm.s32 @p1 $0x1;
	p0 =	seq.s32 s7, s2  }
0x1e: {  	s7 =	smul.u32 @!p0 $0xF7A, s2;
	p2 =	seq.s32 @!p0 s5, $0x0  }
0x1f: {  	s9 =	smul.u32 $0xF7A, s1;
	s8 =	simm.s32 @!p0 $0x1BF5;
	p2 =	por !p2, p0  }
0x20: {  	[sflag:s8] =	ssyncset.s32 @!p0 $0xFFFFF086;
	s6 =	sadd.s32 @!p0 s3, s7;
	s7 =	simm.s32 @!p0 $0x108  }
0x21: {  	s3 =	sadd.s32 s3, s9;
	s6 =	sadd.s32 @!p0 $0x88, s6;
	s7 =	simm.s32 @p2 $0x1082  }
0x22: {  	[simem:s7], [sflag:s8] =	dma.local @!p0 [hbm:s6], $0xF7A  }
0x23: {  	s9 =	sor.u32 $0xD0000000, s2;
	s6 =	simm.s32 $0x108;
	_ =	swait.ge @!p0 [sflag:s8], $0x0  }
0x24: {  	s3 =	sadd.s32 $0x88, s3;
	s6 =	simm.s32 @!p1 $0x1082;
	[sflag:s4] =	ssyncset.s32 $0xFFFFF086  }
0x25: {  	[simem:s6], [sflag:s4] =	dma.local [hbm:s3], $0xF7A  }
0x26: {  	[smem:$0x3F8F] =	sst s1;
	(tag) =	ssettag s2;
	_ =	strace s9  }
0x27: {  	s1 =	sld [smem:$0x3F9F]  }
0x28: {  	s2 =	sld [smem:$0x3FA0]  }
0x29: {  	s4 =	sld [smem:$0x3FA2]  }
0x2a: {  	p0 =	seq.s32 s5, $0x0;
	s5 =	sld [smem:$0x3FA3]  }
0x2b: {  	s6 =	sld [smem:$0x3FA4]  }
0x2c: {  	s7 =	sld [smem:$0x3FA5]  }
0x2d: {  	s3 =	simm.s32 $0x108;
	s8 =	sld [smem:$0x3FA6]  }
0x2e: {  	s3 =	simm.s32 @!p0 $0x1082;
	s9 =	sld [smem:$0x3FA7]  }
0x2f: {  	lr =	sadd.s32 s0, s3;
	s0 =	sld [smem:$0x3F9E]  }
0x30: {  	s3 =	sld [smem:$0x3FA1]  }
0x31: {  	[smem:$0x3FAA] =	sst s10  }
0x32: {  	s10 =	sld [smem:$0x3FA8];
	_ =	sdelay $0x3  }
0x33: {  	p0 =	seq.s32 s10, $0x1;
	s10 =	sld [smem:$0x3FAA];
	_ =	sdelay $0x3  }
0x34: {  	[smem:$0x3FAA] =	sst s10  }
0x35: {  	s10 =	sld [smem:$0x3FA9];
	_ =	sdelay $0x3  }
0x36: {  	p1 =	seq.s32 s10, $0x1;
	s10 =	sld [smem:$0x3FAA];
	_ =	sdelay $0x3  }
0x37: {  	[smem:$0x3FAA] =	sst s10  }
0x38: {  	s10 =	sld [smem:$0x3FAB]  }
0x39: {  	_ = 	snop;
	(pc) =	sbr.ind lr, $3  }
0x3a: {  	_ = 	snop  }
0x3b: {  	_ = 	snop  }
0x3c: {  	p2 =	seq.s32 s10, $0x1;
	s10 =	sld [smem:$0x3FAA]  }
0x3d: {  	_ =	shalt  }
0x3e: {  	_ =	shalt  }
0x3f: {  	_ =	shalt  }
0x40: {  	_ =	shalt  }
0x41: {  	_ =	shalt  }
0x42: {  	_ =	shalt  }
0x43: {  	_ =	shalt  }
0x44: {  	_ =	shalt  }
0x45: {  	_ =	shalt  }
0x46: {  	_ =	shalt  }
0x47: {  	_ =	shalt  }
0x48: {  	_ =	shalt  }
0x49: {  	_ =	shalt  }
0x4a: {  	_ =	shalt  }
0x4b: {  	_ =	shalt  }
0x4c: {  	_ =	shalt  }
0x4d: {  	_ =	shalt  }
0x4e: {  	_ =	shalt  }
0x4f: {  	_ =	shalt  }
0x50: {  	_ =	shalt  }
0x51: {  	_ =	shalt  }
0x52: {  	_ =	shalt  }
0x53: {  	_ =	shalt  }
0x54: {  	_ =	shalt  }
0x55: {  	_ =	shalt  }
0x56: {  	_ =	shalt  }
0x57: {  	_ =	shalt  }
0x58: {  	_ =	shalt  }
0x59: {  	_ =	shalt  }
0x5a: {  	_ =	shalt  }
0x5b: {  	_ =	shalt  }
0x5c: {  	_ =	shalt  }
0x5d: {  	_ =	shalt  }
0x5e: {  	_ =	shalt  }
0x5f: {  	_ =	shalt  }
0x60: {  	_ =	shalt  }
0x61: {  	_ =	shalt  }
0x62: {  	_ =	shalt  }
0x63: {  	_ =	shalt  }
0x64: {  	_ =	shalt  }
0x65: {  	_ =	shalt  }
0x66: {  	_ =	shalt  }
0x67: {  	_ =	shalt  }
0x68: {  	_ =	shalt  }
0x69: {  	_ =	shalt  }
0x6a: {  	_ =	shalt  }
0x6b: {  	_ =	shalt  }
0x6c: {  	_ =	shalt  }
0x6d: {  	_ =	shalt  }
0x6e: {  	_ =	shalt  }
0x6f: {  	_ =	shalt  }
0x70: {  	_ =	shalt  }
0x71: {  	_ =	shalt  }
0x72: {  	_ =	shalt  }
0x73: {  	_ =	shalt  }
0x74: {  	_ =	shalt  }
0x75: {  	_ =	shalt  }
0x76: {  	_ =	shalt  }
0x77: {  	_ =	shalt  }
0x78: {  	_ =	shalt  }
0x79: {  	_ =	shalt  }
0x7a: {  	_ =	shalt  }
0x7b: {  	_ =	shalt  }
0x7c: {  	_ =	shalt  }
0x7d: {  	_ =	shalt  }
0x7e: {  	_ =	shalt  }
0x7f: {  	_ =	shalt  }
0x80: {  	_ =	shalt  }
0x81: {  	_ =	shalt  }
0x82: {  	_ =	shalt  }
0x83: {  	_ =	shalt  }
0x84: {  	_ =	shalt  }
0x85: {  	_ =	shalt  }
0x86: {  	_ =	shalt  }
0x87: {  	_ =	shalt  }
.Lfunc_end0:
.L_simem_size_0:
called_computation.3_lowered:
.L_overlay_start_0:
0x88: {  	s2 =	sld [smem:$0x3FD9]  }
0x89: {  	s3 =	sld [smem:$0x3FFE];
	_ =	sdelay $0x1  }
0x8a: {  	s1 =	srdreg.scid  }
0x8b: {  	s0 =	sand.u32 $0x1, s1  }
0x8c: {  	s17 =	sshll.u32 s0, $0xA;
	s2 =	sadd.s32 s3, s2  }
0x8d: {  	s2 =	sadd.s32 s2, s17  }
0x8e: {  	[smem:$0x3FB6] =	sst s2  }
0x8f: {  	_ = 	snop  }
0x90: {  	(tm) =	ssettm $0x1  }
0x91: {  	s18 =	sld [smem:$0x3FFB];
	_ =	sdelay $0x3  }
0x92: {  	_ =	strace s18  }
0x93: {  	s2 =	sld [smem:$0x3FFC];
	_ =	sdelay $0x3  }
0x94: {  	_ =	strace s2  }
0x95: {  	s2 =	sld [smem:$0x3FFD];
	_ =	sdelay $0x3  }
0x96: {  	_ =	strace s2  }
0x97: {  	_ =	strace $0x8FFFFFFF  }
0x98: {  	s19 =	sld [smem:$0x3FDB];
	_ =	sdelay $0x1  }
0x99: {  	s20 =	simm.s32 $_scs_section_size  }
0x9a: {  	s4 =	simm.s32 $_size__tile_overlayer_lowered;
	s5 =	simm.s32 $_tile_overlayer_lowered  }
0x9b: {  	s6 =	simm.s32 $0x1BFF;
	s21 =	sshll.u32 s5, $0x1;
	s3 =	sadd.s32 s20, s19  }
0x9c: {  	s22 =	simm.s32 $0x0;
	s4 =	sshll.u32 s4, $0x1;
	s5 =	sadd.s32 s21, s3  }
0x9d: {  	[timem:s22], [sflag:s6] =	dma.local [hbm:s5], s4  }
0x9e: {  	_ =	swait.ge [sflag:s6], s4  }
0x9f: {  	s4 =	ssub.s32 $0x0, s4;
	[sflag:s6] =	ssyncset.done $0x0  }
0xa0: {  	[sflag:s6] =	ssyncadd.s32 s4;
	_ =	sdelay $0x1  }
0xa1: {  	s23 =	simm.s32 $0x1B8B  }
0xa2: {  	_ =	swait.ge [sflag:s23], $0x1  }
0xa3: {  	[sflag:s23] =	ssyncset.done $0x0  }
0xa4: {  	[sflag:s23] =	ssyncadd.s32 $0xFFFFFFFF  }
0xa5: {  	s4 =	sld [smem:$0x0]  }
0xa6: {  	s5 =	sand.u32 $0xFFFFFFFE, s1  }
0xa7: {  	p0 =	sne.s32 s1, s5  }
0xa8: {  	s5 =	sshll.u32 @p0 s5, $0xE  }
0xa9: {  	s5 =	sadd.s32 @p0 $0x11B8D, s5;
	s6 =	sshll.u32 @p0 s4, $0x11  }
0xaa: {  	s5 =	sor.u32 @p0 s6, s5  }
0xab: {  	[sflag:s5] =	ssyncadd.remote.s32 @p0 $0x1;
	_ =	sdelay $0x1  }
0xac: {  	s5 =	simm.s32 @p0 $0x1B8D  }
0xad: {  	_ =	swait.eq @p0 [sflag:s5], $0x1  }
0xae: {  	[sflag:s5] =	ssyncadd.s32 @p0 $0xFFFFFFFF  }
0xaf: {  	s6 =	sshll.u32 @!p0 s1, $0xE  }
0xb0: {  	s6 =	sor.u32 @!p0 $0x4000, s6;
	s5 =	simm.s32 @!p0 $0x1B8D  }
0xb1: {  	s4 =	sshll.u32 @!p0 s4, $0x11;
	s6 =	sadd.s32 @!p0 $0x11B8D, s6;
	_ =	swait.eq @!p0 [sflag:s5], $0x1  }
0xb2: {  	s4 =	sor.u32 @!p0 s4, s6;
	[sflag:s5] =	ssyncadd.s32 @!p0 $0xFFFFFFFF  }
0xb3: {  	s25 =	simm.s32 $0x1B8E;
	s24 =	sld [smem:$0x3FFE];
	[sflag:s4] =	ssyncadd.remote.s32 @!p0 $0x1  }
0xb4: {  	s26 =	simm.s32 $execute0_lowered;
	[smem:$0x3FD2] =	sst s25  }
0xb5: {  	s5 =	sshll.u32 s26, $0x1;
	_ =	strace $0x8000004F;
	[dreg:$0x1] =	wrdreg $0xFFFFFFFF  }
0xb6: {  	s28 =	simm.s32 $_size_execute0_lowered;
	s3 =	sadd.s32 s3, s5;
	[dreg:$0x0] =	wrdreg $0x0  }
0xb7: {  	s5 =	sshll.u32 s28, $0x1;
	[dreg:$0x2] =	wrdreg s3  }
0xb8: {  	[dreg:$0x3] =	wrdreg s5  }
0xb9: {  	[dreg:$0x4] =	wrdreg $0xC0  }
0xba: {  	_ =	task [dreg:s22], $0x5FFFF  }
0xbb: {  	[dreg:$0x1] =	wrdreg $0xFFFFFFFF  }
0xbc: {  	[dreg:$0x0] =	wrdreg $0x60  }
0xbd: {  	[dreg:$0x2] =	wrdreg s24  }
0xbe: {  	[dreg:$0x3] =	wrdreg $0x68000  }
0xbf: {  	[dreg:$0x4] =	wrdreg $0xA  }
0xc0: {  	_ =	task.clear_ibuf [dreg:s22], $0x5FFFF;
	_ =	strace $0x9000004F  }
0xc1: {  	s29 =	simm.s32 $0xA;
	_ =	strace $0x80000051  }
0xc2: {  	_ =	swait.ge [sflag:s29], $0x1  }
0xc3: {  	[sflag:s29] =	ssyncadd.s32 $0xFFFFFFFF  }
0xc4: {  	_ =	strace $0x90000051  }
0xc5: {  	_ =	sfence  }
0xc6: {  	s30 =	sld [smem:$0x0];
	_ =	sdelay $0x2  }
0xc7: {  	s31 =	sshll.u32 s1, $0xD;
	s1 =	sshrl.u32 s1, $0x2  }
0xc8: {  	s4 =	sand.u32 $0x4000, s31;
	s1 =	sadd.s32 s1, s30  }
0xc9: {  	s0 =	sor.u32 s4, s0;
	s1 =	sshll.u32 s1, $0x11  }
0xca: {  	s0 =	sor.u32 s1, s0  }
0xcb: {  	s0 =	sadd.s32 $0x8F2B, s0  }
0xcc: {  	[sflag:s0] =	ssyncadd.remote.s32 $0x1  }
0xcd: {  	_ =	sfence.sel $0xFFFF  }
0xce: {  	[dreg:$0x0] =	wrdreg $0xFFFFFFFF;
	(pc) =	sbr.abs _section_cstart, $3  }
0xcf: {  	[dreg:$0x1] =	wrdreg $0xFFFFFFFF  }
0xd0: {  	_ =	task.clear_ibuf [dreg:s22], $0x2FFFF;
	_ =	strace $0x9FFFFFFF  }
0xd1: {  	(tm) =	ssettm $0x7FFFFFFF  }
tec
execute0_lowered:
.L_overlay_start_1:
0x0: {  	(tag) =	ssettag $0x1  }
0x1: {  	s0 =	rddreg [dreg:$0x0]  }
0x2: {  	s2 =	rddreg [dreg:$0x1];
	s3 =	simm.s32 $0x0  }
0x3: {  	s12 =	stileid.u32;
	s1 =	srdreg.scid;
	s15 =	simm.s32 $0x4000  }
0x4: {  	s16 =	simm.s32 $0x3;
	s17 =	simm.s32 $0x400;
	s18 =	simm.s32 $0x800  }
0x5: {  	s19 =	simm.s32 $0x5400;
	s20 =	simm.s32 $0x1;
	s21 =	simm.s32 $0x28  }
0x6: {  	s22 =	simm.s32 $0x2;
	s28 =	simm.s32 $0x100;
	s29 =	simm.s32 $0x80  }
0x7: {  	[smem:$0x7FF] =	sst s3;
	s1 =	sand.u32 $0x1, s1;
	s5 =	smul.u32 $0x2800, s12  }
0x8: {  	s4 =	sadd.s32 $0x5800, s0;
	s7 =	sshll.u32 s12, $0xB;
	s8 =	smul.u32 $0x138800, s12  }
0x9: {  	s24 =	ssub.s32 $0x109, s12;
	s12 =	smul.u32 $0x5000, s12;
	_ =	strace $0x80000050  }
0xa: {  	s6 =	sshll.u32 s1, $0xA;
	s1 =	ssub.s32 $0x2, s1;
	s7 =	sadd.s32 s7, s0  }
0xb: {  	s5 =	sor.u32 s6, s5;
	s23 =	sshrl.u32 s1, $0x1;
	s11 =	sor.u32 s6, s8  }
0xc: {  	s6 =	sadd.s32 $0x682C00, s7;
	s30 =	sshrl.u32 s12, $0x2;
	s5 =	sshrl.u32 s5, $0x3  }
0xd: {  	s1 =	ssub.s32 s1, s23;
	s8 =	sshrl.u32 s11, $0x3;
	s9 =	sadd.s32 $0x2800, s11  }
0xe: {  	s10 =	sadd.s32 $0x136000, s11;
	s13 =	sadd.s32 $0x7800, s11;
	s0 =	sadd.s32 s5, s0  }
0xf: {  	s5 =	sshrl.u32 s24, $0x4;
	s7 =	sadd.s32 s4, s8;
	s25 =	sshrl.u32 s9, $0x3  }
0x10: {  	s9 =	smax.u32 s1, $0x1;
	s26 =	sshrl.u32 s10, $0x3;
	s31 =	sshrl.u32 s13, $0x3  }
0x11: {  	s1 =	sadd.s32 s30, s2;
	s13 =	sadd.s32 $0x5000, s11;
	s24 =	simm.s32 $0x3D80  }
0x12: {  	s8 =	sadd.s32 s4, s25;
	s10 =	sadd.s32 s4, s26;
	s12 =	sadd.s32 s31, s4  }
0x13: {  	v0 =	vimm.f32 $0.0e+00;
	s14 =	sadd.s32 $0x54A400, s0;
	s25 =	simm.s32 $0x3E00;
	s26 =	simm.s32 $0x8  }
.LBB2_1:
0x14: {  	s0 =	simm.s32 $0x70;
	s30 =	simm.s32 $0x3C0  }
.LBB2_2:
0x15: {  	p0 =	sne.s32 s30, $0x4FC0;
	[tilespmem:s0+$0x4000] =	vst v0  }
0x16: {  	[tilespmem:s0+$0x3F90] =	vst v0  }
0x17: {  	[tilespmem:s0+$0x3FA0] =	vst v0  }
.Ltmp0:
0x18: {  	[tilespmem:s0+$0x3FB0] =	vst v0;
	(pc) =	sbr.rel @p0 .LBB2_2-.Ltmp0, $4  }
0x19: {  	[tilespmem:s0+$0x3FC0] =	vst v0  }
0x1a: {  	[tilespmem:s0+$0x3FD0] =	vst v0  }
0x1b: {  	[tilespmem:s0+$0x3FE0] =	vst v0  }
0x1c: {  	[tilespmem:s0+$0x3FF0] =	vst v0;
	s0 =	sshra.s32 s30, $0x2;
	s30 =	sadd.s32 $0x200, s30  }
0x1d: {  	[tilespmem:s0+$0x4000] =	vst v0  }
0x1e: {  	[tilespmem:s0+$0x3F90] =	vst v0  }
0x1f: {  	[tilespmem:s0+$0x3FA0] =	vst v0  }
0x20: {  	[tilespmem:s0+$0x3FB0] =	vst v0  }
0x21: {  	[tilespmem:s0+$0x3FC0] =	vst v0  }
0x22: {  	[tilespmem:s0+$0x3FD0] =	vst v0;
	p0 =	sne.s32 s5, $0x1  }
.Ltmp1:
0x23: {  	[tilespmem:s0+$0x3FE0] =	vst v0;
	(pc) =	sbr.rel @!p0 .LBB2_5-.Ltmp1, $4  }
0x24: {  	[tilespmem:s0+$0x3FF0] =	vst v0  }
0x25: {  	[spmem:s1] =	stream.linear.scatter [tilespmem:s15], [sflag:$0x3], $0x1400, $0x38;
	[tilespmem:$0x1A080] =	vst v63  }
0x26: {  	_ =	swait.ge [sflag:s16], $0x1400  }
0x27: {  	s0 =	sadd.s32 $0xFFFFFFFF, s5;
	s11 =	smov.u32 s1;
	[sflag:s16] =	ssyncset.done $0x0  }
.LBB2_4:
0x28: {  	p1 =	sne.s32 s0, $0x1;
	[sflag:s16] =	ssyncadd.s32 $0xFFFFEC00;
	s11 =	sadd.s32 $0x14000, s11  }
.Ltmp2:
0x29: {  	s0 =	sadd.s32 $0xFFFFFFFF, s0;
	(pc) =	sbr.rel @p1 .LBB2_4-.Ltmp2, $4  }
0x2a: {  	_ = 	snop  }
0x2b: {  	[spmem:s11] =	stream.linear.scatter [tilespmem:s15], [sflag:$0x3], $0x1400, $0x38;
	[tilespmem:$0x1A080] =	vst v63  }
0x2c: {  	_ =	swait.ge [sflag:s16], $0x1400  }
0x2d: {  	[sflag:s16] =	ssyncset.done $0x0  }
.LBB2_5:
0x2e: {  	[sflag:s16] =	ssyncadd.s32 $0xFFFFEC00  }
0x2f: {  	s0 =	simm.s32 $0x0;
	[bflag:$0x0] =	sbarrier.arrive $0xFFFF  }
0x30: {  	[tilespmem:s0], [sflag:$0x3] =	stream.linear.gather [hbm4b:s6+s0], $0x3E80, $0x38;
	[tilespmem:$0x1A080] =	vst v63  }
0x31: {  	_ =	swait.ge [sflag:s16], $0x3E80  }
0x32: {  	[sflag:s16] =	ssyncset.done $0x0  }
0x33: {  	[sflag:s16] =	ssyncadd.s32 $0xFFFFC180  }
0x34: {  	[tilespmem:s15], [sflag:$0x1] =	stream.strided.gather [hbm4b:s7+s17], $0x1400, s18, s17, $0x38;
	[tilespmem:$0x1A080] =	vst v63  }
0x35: {  	_ = 	snop  }
0x36: {  	[tilespmem:s19], [sflag:$0x2] =	stream.strided.gather [hbm4b:s8+s17], $0x1400, s18, s17, $0x38;
	[tilespmem:$0x1A080] =	vst v63  }
0x37: {  	_ =	swait.ge [sflag:s20], $0x1400  }
0x38: {  	[sflag:s20] =	ssyncset.done $0x0  }
0x39: {  	s23 =	simm.s32 $0x0;
	[sflag:s20] =	ssyncadd.s32 $0xFFFFEC00  }
0x3a: {  	[spmem:s2] =	stream.indirect.scatter.add.f32 [tilespmem:s15], [sflag:$0x3], $0x80, s23, s21, $0xb8;
	[tilespmem:$0x1A080] =	vst v63  }
0x3b: {  	_ =	swait.ge [sflag:s16], $0x1400  }
0x3c: {  	s11 =	sshrl.u32 s13, $0x3;
	[sflag:s16] =	ssyncset.done $0x0  }
0x3d: {  	s0 =	sadd.s32 s4, s11;
	[sflag:s16] =	ssyncadd.s32 $0xFFFFEC00  }
0x3e: {  	[tilespmem:s15], [sflag:$0x1] =	stream.strided.gather [hbm4b:s0+s17], $0x1400, s18, s17, $0x38;
	[tilespmem:$0x1A080] =	vst v63  }
0x3f: {  	_ =	swait.ge [sflag:s22], $0x1400  }
0x40: {  	[sflag:s22] =	ssyncset.done $0x0  }
0x41: {  	s23 =	simm.s32 $0x80;
	[sflag:s22] =	ssyncadd.s32 $0xFFFFEC00  }
0x42: {  	[spmem:s2] =	stream.indirect.scatter.add.f32 [tilespmem:s19], [sflag:$0x3], $0x80, s23, s21, $0xb8;
	[tilespmem:$0x1A080] =	vst v63  }
0x43: {  	_ =	swait.ge [sflag:s16], $0x1400  }
0x44: {  	s30 =	simm.s32 $0xA00;
	s31 =	simm.s32 $0x180;
	[sflag:s16] =	ssyncset.done $0x0  }
0x45: {  	s11 =	sadd.s32 $0x0, s12;
	s0 =	sadd.s32 $0x5000, s13;
	[sflag:s16] =	ssyncadd.s32 $0xFFFFEC00  }
.LBB2_6:
0x46: {  	[tilespmem:s19], [sflag:$0x2] =	stream.strided.gather [hbm4b:s11+s17], $0x1400, s18, s17, $0x38;
	[tilespmem:$0x1A080] =	vst v63  }
0x47: {  	s11 =	smov.u32 s30  }
0x48: {  	p1 =	sne.s32 s30, $0x25800;
	s30 =	sadd.s32 $0xA00, s30;
	_ =	swait.ge [sflag:s20], $0x1400  }
0x49: {  	[sflag:s20] =	ssyncset.done $0x0  }
0x4a: {  	s23 =	sadd.s32 $0xFFFFFF80, s31;
	[sflag:s20] =	ssyncadd.s32 $0xFFFFEC00  }
0x4b: {  	[spmem:s2] =	stream.indirect.scatter.add.f32 [tilespmem:s15], [sflag:$0x3], $0x80, s23, s21, $0xb8;
	[tilespmem:$0x1A080] =	vst v63  }
0x4c: {  	_ =	swait.ge [sflag:s16], $0x1400  }
0x4d: {  	s23 =	sshrl.u32 s0, $0x3;
	[sflag:s16] =	ssyncset.done $0x0  }
0x4e: {  	s23 =	sadd.s32 s4, s23;
	[sflag:s16] =	ssyncadd.s32 $0xFFFFEC00  }
0x4f: {  	[tilespmem:s15], [sflag:$0x1] =	stream.strided.gather [hbm4b:s23+s17], $0x1400, s18, s17, $0x38;
	[tilespmem:$0x1A080] =	vst v63  }
0x50: {  	_ =	swait.ge [sflag:s22], $0x1400  }
0x51: {  	[sflag:s22] =	ssyncset.done $0x0  }
.Ltmp3:
0x52: {  	[sflag:s22] =	ssyncadd.s32 $0xFFFFEC00;
	(pc) =	sbr.rel @p1 .LBB2_6-.Ltmp3, $4  }
0x53: {  	[spmem:s2] =	stream.indirect.scatter.add.f32 [tilespmem:s19], [sflag:$0x3], $0x80, s31, s21, $0xb8;
	[tilespmem:$0x1A080] =	vst v63  }
0x54: {  	_ =	swait.ge [sflag:s16], $0x1400  }
0x55: {  	s31 =	sadd.s32 $0x100, s31;
	[sflag:s16] =	ssyncset.done $0x0  }
0x56: {  	s11 =	sadd.s32 s11, s12;
	s0 =	sadd.s32 $0x5000, s0;
	[sflag:s16] =	ssyncadd.s32 $0xFFFFEC00  }
0x57: {  	[tilespmem:s19], [sflag:$0x2] =	stream.strided.gather [hbm4b:s11+s17], $0x1400, s18, s17, $0x38;
	[tilespmem:$0x1A080] =	vst v63  }
0x58: {  	_ =	swait.ge [sflag:s20], $0x1400  }
0x59: {  	[sflag:s20] =	ssyncset.done $0x0  }
0x5a: {  	s0 =	simm.s32 $0x3D00;
	[sflag:s20] =	ssyncadd.s32 $0xFFFFEC00  }
0x5b: {  	[spmem:s2] =	stream.indirect.scatter.add.f32 [tilespmem:s15], [sflag:$0x3], $0x80, s0, s21, $0xb8;
	[tilespmem:$0x1A080] =	vst v63  }
0x5c: {  	_ =	swait.ge [sflag:s16], $0x1400  }
0x5d: {  	[sflag:s16] =	ssyncset.done $0x0  }
0x5e: {  	[sflag:s16] =	ssyncadd.s32 $0xFFFFEC00  }
0x5f: {  	[tilespmem:s15], [sflag:$0x1] =	stream.strided.gather [hbm4b:s10+s17], $0x1400, s18, s17, $0x38;
	[tilespmem:$0x1A080] =	vst v63  }
0x60: {  	_ =	swait.ge [sflag:s22], $0x1400  }
0x61: {  	[sflag:s22] =	ssyncset.done $0x0  }
0x62: {  	[sflag:s22] =	ssyncadd.s32 $0xFFFFEC00  }
0x63: {  	[spmem:s2] =	stream.indirect.scatter.add.f32 [tilespmem:s19], [sflag:$0x3], $0x80, s24, s21, $0xb8;
	[tilespmem:$0x1A080] =	vst v63  }
0x64: {  	_ =	swait.ge [sflag:s16], $0x1400  }
0x65: {  	[sflag:s16] =	ssyncset.done $0x0  }
0x66: {  	[sflag:s16] =	ssyncadd.s32 $0xFFFFEC00  }
0x67: {  	_ =	swait.ge [sflag:s20], $0x1400  }
0x68: {  	[sflag:s20] =	ssyncset.done $0x0  }
0x69: {  	[sflag:s20] =	ssyncadd.s32 $0xFFFFEC00  }
0x6a: {  	[spmem:s2] =	stream.indirect.scatter.add.f32 [tilespmem:s15], [sflag:$0x3], $0x80, s25, s21, $0xb8;
	[tilespmem:$0x1A080] =	vst v63  }
0x6b: {  	_ =	swait.ge [sflag:s16], $0x1400  }
.Ltmp4:
0x6c: {  	s11 =	stileid.u32;
	[sflag:s16] =	ssyncset.done $0x0;
	(pc) =	sbr.rel @!p0 .LBB2_9-.Ltmp4, $4  }
0x6d: {  	s23 =	sshrl.u32 s1, $0x3;
	s0 =	sshll.u32 s11, $0x6;
	[sflag:s16] =	ssyncadd.s32 $0xFFFFEC00  }
0x6e: {  	s30 =	sadd.s32 $0xFFFFFFFF, s5;
	s0 =	sor.u32 $0x1C03, s0;
	[bflag:$0x0] =	sbarrier.arrive $0xFFFF  }
0x6f: {  	[hbm:s14@s28], [sflag:s0] =	dma.strided [spmem:s23@s29], $0x280, s26, $0x10   }
0x70: {  	s31 =	sadd.s32 $0x5000, s14;
	s11 =	smov.u32 s1;
	_ =	swait.ge [sflag:s16], $0x280  }
.LBB2_8:
0x71: {  	[sflag:s16] =	ssyncset.done $0x0;
	s11 =	sadd.s32 $0x14000, s11;
	p0 =	sne.s32 s30, $0x1  }
.Ltmp5:
0x72: {  	s23 =	sshrl.u32 s11, $0x3;
	[sflag:s16] =	ssyncadd.s32 $0xFFFFFD80;
	(pc) =	sbr.rel @p0 .LBB2_8-.Ltmp5, $3  }
0x73: {  	[hbm:s31@s28], [sflag:s0] =	dma.strided [spmem:s23@s29], $0x280, s26, $0x10   }
0x74: {  	s30 =	sadd.s32 $0xFFFFFFFF, s30;
	_ =	sdelay $0x1  }
0x75: {  	s31 =	sadd.s32 $0x5000, s31;
	_ =	swait.ge [sflag:s16], $0x280  }
.LBB2_9:
0x76: {  	s3 =	sadd.s32 $0x1, s3  }
0x77: {  	p0 =	sne.s32 s3, s9  }
.Ltmp6:
0x78: {  	_ = 	snop;
	(pc) =	sbr.rel @p0 .LBB2_1-.Ltmp6, $3  }
0x79: {  	_ =	sdelay $0x1  }
0x7a: {  	[sflag:s16] =	ssyncset.done $0x0  }
0x7b: {  	[sflag:s16] =	ssyncadd.s32 $0xFFFFFD80  }
0x7c: {  	_ =	sfence.sel $0x180000  }
0x7d: {  	[bflag:$0x0] =	sbarrier.arrive $0xFFFF  }
0x7e: {  	_ =	strace $0x90000050  }
0x7f: {  	s0 =	stileid.u32;
	[bflag:$0x2] =	sbarrier.arrive $0xFFFF  }
0x80: {  	p0 =	sne.s32 s0, $0x0;
	s0 =	rddreg [dreg:$0x2]  }
0x81: {  	s0 =	sadd.s32 @!p0 $0x100000, s0  }
0x82: {  	[sflag:s0] =	ssyncadd.tile.s32 @!p0 $0x1;
	_ =	shalt  }
.Lfunc_end2:
_tile_overlayer_lowered:
.L_overlay_start_2:
0x83: {  	(tag) =	ssettag $0x2  }
0x84: {  	s0 =	rddreg [dreg:$0x0];
	s2 =	stileid.u32  }
0x85: {  	s1 =	rddreg [dreg:$0x1];
	p0 =	sne.s32 s2, $0x0  }
0x86: {  	s3 =	rddreg [dreg:$0x2];
	[bflag:$0x3] =	sbarrier.arrive $0xFFFF;
	s2 =	simm.s32 @!p0 $0x1C03  }
0x87: {  	[timem:s3], [sflag:s2] =	dma.local @!p0 [hbm:s0], s1  }
0x88: {  	s0 =	simm.s32 @!p0 $0x3  }
0x89: {  	_ =	swait.ge @!p0 [sflag:s0], s1  }
0x8a: {  	s1 =	ssub.s32 @!p0 $0x0, s1;
	[sflag:s0] =	ssyncset.done @!p0 $0x0  }
0x8b: {  	[sflag:s0] =	ssyncadd.s32 @!p0 s1  }
0x8c: {  	[bflag:$0x3] =	sbarrier.arrive $0xFFFF  }
0x8d: {  	_ =	shalt  }

</sc_bundles>
